<compile_context>
chip_gen: v7x
topology: tpu7x:2x2x1
jax: 0.10.2.dev20260603
libtpu: 0.0.44.dev20260713+nightly
codegen_flags: <defaults>
</compile_context>

<pallas_src>
import jax
import jax.numpy as jnp
from jax import lax
from jax.experimental import pallas as pl
from jax.experimental.pallas import tpu as pltpu
from jax.experimental.pallas import tpu_sc as plsc

N = 10000
E = 320000
R = 8
D = 128
FF = 512

NC = 2
NS = 16
LANES = 16
NW = NC * NS

NBUF = 3
CHUNK = 32
CPW = -(-E // (NW * CHUNK))
EPW = CPW * CHUNK
EPAD = NW * EPW
NCHUNKS = EPAD // CHUNK

ACC_ROWS = 10112
ZROWS = ACC_ROWS // NS
WB = 624
GW = (N * R + 64) // 4

BN = 2000


def _ln_block(x, g, b):
    m = jnp.mean(x, axis=-1, keepdims=True)
    v = jnp.var(x, axis=-1, keepdims=True)
    return (x - m) / jnp.sqrt(v + 1e-5) * g + b



def _pre_body(x_ref, wr_ref, ws_ref, wg_ref, bg_ref, g1_ref, b1_ref,
              hr_ref, gate_ref, hsw_ref):
    h = _ln_block(x_ref[...], g1_ref[...], b1_ref[...])
    gate_ref[...] = jax.nn.sigmoid(
        jnp.dot(h, wg_ref[...], preferred_element_type=jnp.float32) + bg_ref[...])
    hsw_ref[...] = jnp.dot(h, ws_ref[...], preferred_element_type=jnp.float32)
    for r in range(R):
        hr_ref[r] = jnp.dot(h, wr_ref[r], preferred_element_type=jnp.float32)


def _pre_call(x, Wr, Ws, Wg, bg2, g12, beta12):
    grid = N // BN
    return pl.pallas_call(
        _pre_body,
        grid=(grid,),
        in_specs=[
            pl.BlockSpec((BN, D), lambda i: (i, 0)),
            pl.BlockSpec((R, D, D), lambda i: (0, 0, 0)),
            pl.BlockSpec((D, D), lambda i: (0, 0)),
            pl.BlockSpec((D, R), lambda i: (0, 0)),
            pl.BlockSpec((1, R), lambda i: (0, 0)),
            pl.BlockSpec((1, D), lambda i: (0, 0)),
            pl.BlockSpec((1, D), lambda i: (0, 0)),
        ],
        out_specs=[
            pl.BlockSpec((R, BN, D), lambda i: (0, i, 0)),
            pl.BlockSpec((BN, R), lambda i: (i, 0)),
            pl.BlockSpec((BN, D), lambda i: (i, 0)),
        ],
        out_shape=[
            jax.ShapeDtypeStruct((R, N, D), jnp.float32),
            jax.ShapeDtypeStruct((N, R), jnp.float32),
            jax.ShapeDtypeStruct((N, D), jnp.float32),
        ],
    )(x, Wr, Ws, Wg, bg2, g12, beta12)



def _sc_body(hr_hbm, gatep_hbm, edges_hbm, out_hbm,
             eb0, eb1, eb2, ix0, ix1, ix2, db0, db1, db2, gb0, gb1, gb2,
             rw0, rw1, rw2, gate_v, acc_sh,
             se0, se1, se2, sg0, sg1, sg2, ss0, ss1, ss2, sgt):
    cid = lax.axis_index("c")
    sid = lax.axis_index("s")
    wid = sid * NC + cid

    ebuf = (eb0, eb1, eb2)
    idxb = (ix0, ix1, ix2)
    dstb = (db0, db1, db2)
    gbuf = (gb0, gb1, gb2)
    rows = (rw0, rw1, rw2)
    sem_e = (se0, se1, se2)
    sem_g = (sg0, sg1, sg2)
    sem_s = (ss0, ss1, ss2)

    cbase = wid * CPW

    pltpu.make_async_copy(edges_hbm.at[cbase], eb0, se0).start()
    pltpu.make_async_copy(edges_hbm.at[cbase + 1], eb1, se1).start()
    cp_g = pltpu.make_async_copy(gatep_hbm, gate_v, sgt)
    cp_g.start()

    def _zrow(i, _):
        for j in range(D // LANES):
            rw0[i, pl.ds(j * LANES, LANES)] = jnp.zeros((LANES,), jnp.float32)
        return 0
    lax.fori_loop(0, CHUNK, _zrow, 0)
    for z in range(ZROWS // CHUNK):
        pltpu.sync_copy(rw0, acc_sh.at[pl.ds(sid * ZROWS + z * CHUNK, CHUNK)])
    zrem = ZROWS - (ZROWS // CHUNK) * CHUNK
    if zrem:
        pltpu.sync_copy(
            rw0.at[pl.ds(0, zrem)],
            acc_sh.at[pl.ds(sid * ZROWS + (ZROWS // CHUNK) * CHUNK, zrem)])
    cp_g.wait()
    plsc.subcore_barrier()


    def _retire(b):
        pltpu.make_async_copy(hr_hbm.at[idxb[b]], rows[b], sem_g[b]).wait()

        def _scale(i4, _):
            for k in range(4):
                i = i4 * 4 + k
                g = gbuf[b][pl.ds(i, LANES)][0]
                for j in range(D // LANES):
                    sl = pl.ds(j * LANES, LANES)
                    rows[b][i, sl] = rows[b][i, sl] * g
            return 0
        lax.fori_loop(0, CHUNK // 4, _scale, 0)
        pltpu.async_copy(rows[b], acc_sh.at[dstb[b]], sem_s[b], add=True)

    def _fetch(c, b):
        @pl.when(c >= NBUF)
        def _():
            pltpu.make_async_copy(rows[b], acc_sh.at[dstb[b]], sem_s[b]).wait()

        pltpu.make_async_copy(edges_hbm.at[cbase + c], ebuf[b], sem_e[b]).wait()
        for j in range(CHUNK // LANES):
            sl = pl.ds(j * LANES, LANES)
            idxb[b][sl] = ebuf[b][2, sl] * N + ebuf[b][0, sl]
        pltpu.async_copy(hr_hbm.at[idxb[b]], rows[b], sem_g[b])

        @pl.when(c + 2 < CPW)
        def _():
            nb2 = (b + 2) % NBUF
            pltpu.make_async_copy(edges_hbm.at[cbase + c + 2], ebuf[nb2],
                                  sem_e[nb2]).start()

        for j in range(CHUNK // LANES):
            sl = pl.ds(j * LANES, LANES)
            d16 = ebuf[b][1, sl]
            dstb[b][sl] = d16
            gi16 = d16 * R + ebuf[b][2, sl]
            w16 = plsc.load_gather(gate_v, [lax.shift_right_logical(gi16, 2)])
            q16 = lax.shift_right_logical(w16, (gi16 & 3) * 8) & 255
            gbuf[b][sl] = q16.astype(jnp.float32) * (1.0 / 255.0)

    def _pipe(i, _):
        for k in range(NBUF):
            c = i * NBUF + k
            b = k

            @pl.when((c >= 2) & (c < CPW + 2))
            def _():
                _retire((b + 1) % NBUF)

            @pl.when(c < CPW)
            def _():
                _fetch(c, b)
        return 0

    lax.fori_loop(0, (CPW + 2 + NBUF - 1) // NBUF, _pipe, 0)

    for b in range(NBUF):
        pltpu.make_async_copy(rows[b], acc_sh.at[dstb[b]], sem_s[b]).wait()
    plsc.subcore_barrier()

    pltpu.sync_copy(acc_sh.at[pl.ds(sid * WB, WB)],
                    out_hbm.at[cid, pl.ds(sid * WB, WB)])

    @pl.when(sid == NS - 1)
    def _tail():
        rem = N - NS * WB
        pltpu.sync_copy(acc_sh.at[pl.ds(NS * WB, rem)],
                        out_hbm.at[cid, pl.ds(NS * WB, rem)])


def _sc_call(hr_flat, gatep, edges3):
    mesh = plsc.VectorSubcoreMesh(core_axis_name="c", subcore_axis_name="s",
                                  num_cores=NC, num_subcores=NS)
    fn = pl.kernel(
        _sc_body,
        out_type=jax.ShapeDtypeStruct((NC, N, D), jnp.float32),
        mesh=mesh,
        scratch_types=(
            [pltpu.VMEM((3, CHUNK), jnp.int32)] * NBUF
            + [pltpu.VMEM((CHUNK,), jnp.int32)] * NBUF
            + [pltpu.VMEM((CHUNK,), jnp.int32)] * NBUF
            + [pltpu.VMEM((CHUNK + LANES,), jnp.float32)] * NBUF
            + [pltpu.VMEM((CHUNK, D), jnp.float32)] * NBUF
            + [
                pltpu.VMEM((GW,), jnp.int32),
                pltpu.VMEM_SHARED((ACC_ROWS, D), jnp.float32),
            ]
            + [pltpu.SemaphoreType.DMA] * (3 * NBUF + 1)
        ),
        compiler_params=pltpu.CompilerParams(needs_layout_passes=False),
    )
    return fn(hr_flat, gatep, edges3)



def _post_body(p_ref, hsw_ref, x_ref, wproj_ref, bproj_ref, w1_ref, b1_ref,
               w2_ref, b2_ref, g2_ref, beta2_ref, out_ref):
    psum = hsw_ref[...]
    for c in range(NC):
        psum = psum + p_ref[c]
    conv = jax.nn.gelu(psum)
    y = x_ref[...] + jnp.dot(conv, wproj_ref[...],
                             preferred_element_type=jnp.float32) + bproj_ref[...]
    h2 = _ln_block(y, g2_ref[...], beta2_ref[...])
    ffn = jnp.dot(jax.nn.gelu(jnp.dot(h2, w1_ref[...],
                                      preferred_element_type=jnp.float32)
                              + b1_ref[...]),
                  w2_ref[...], preferred_element_type=jnp.float32) + b2_ref[...]
    out_ref[...] = y + ffn


def _post_call(partials, hsw, x, Wproj, bproj2, W1, b12, W2, b22, g22, beta22):
    grid = N // BN
    return pl.pallas_call(
        _post_body,
        grid=(grid,),
        in_specs=[
            pl.BlockSpec((NC, BN, D), lambda i: (0, i, 0)),
            pl.BlockSpec((BN, D), lambda i: (i, 0)),
            pl.BlockSpec((BN, D), lambda i: (i, 0)),
            pl.BlockSpec((D, D), lambda i: (0, 0)),
            pl.BlockSpec((1, D), lambda i: (0, 0)),
            pl.BlockSpec((D, FF), lambda i: (0, 0)),
            pl.BlockSpec((1, FF), lambda i: (0, 0)),
            pl.BlockSpec((FF, D), lambda i: (0, 0)),
            pl.BlockSpec((1, D), lambda i: (0, 0)),
            pl.BlockSpec((1, D), lambda i: (0, 0)),
            pl.BlockSpec((1, D), lambda i: (0, 0)),
        ],
        out_specs=pl.BlockSpec((BN, D), lambda i: (i, 0)),
        out_shape=jax.ShapeDtypeStruct((N, D), jnp.float32),
    )(partials, hsw, x, Wproj, bproj2, W1, b12, W2, b22, g22, beta22)



def kernel(x, edge_index, edge_type, Wr, Ws, Wg, bg, Wproj, bproj, W1, b1,
           W2, b2, g1, beta1, g2, beta2):
    hr, gate, hsw = _pre_call(x, Wr, Ws, Wg, bg.reshape(1, R),
                              g1.reshape(1, D), beta1.reshape(1, D))
    hr_flat = hr.reshape(R * N, D)

    gq = jnp.round(gate.reshape(N * R) * 255.0).astype(jnp.uint32)
    gq = jnp.concatenate([gq, jnp.zeros((64,), jnp.uint32)])
    gw = (gq[0::4] | (gq[1::4] << 8) | (gq[2::4] << 16) | (gq[3::4] << 24))
    gatep = lax.bitcast_convert_type(gw, jnp.int32)

    npad = EPAD - E
    src_p = jnp.concatenate([edge_index[0], jnp.zeros((npad,), jnp.int32)])
    dst_p = jnp.concatenate([edge_index[1], jnp.full((npad,), N, jnp.int32)])
    typ_p = jnp.concatenate([edge_type, jnp.zeros((npad,), jnp.int32)])
    edges3 = jnp.stack([src_p, dst_p, typ_p]).reshape(3, NCHUNKS, CHUNK)
    edges3 = jnp.transpose(edges3, (1, 0, 2))

    partials = _sc_call(hr_flat, gatep, edges3)

    return _post_call(partials, hsw, x, Wproj, bproj.reshape(1, D), W1,
                      b1.reshape(1, FF), W2, b2.reshape(1, D),
                      g2.reshape(1, D), beta2.reshape(1, D))

# --- scband reference (transcript-rebuilt; emitter-appended) ---
"""Pipeline reference for scband-eur-net-78262894068126 (READ-ONLY COPY).

The authoritative reference and input builder live on the scoring server;
editing this copy changes nothing except your own understanding.
"""

import jax, jax.numpy as jnp
import numpy as np

N = 10000
E = 320000
R = 8
D = 128
FF = 512


def _ln(x, g, b):
    m = jnp.mean(x, axis=-1, keepdims=True)
    v = jnp.var(x, axis=-1, keepdims=True)
    return (x - m) / jnp.sqrt(v + 1e-5) * g + b


def setup_inputs(seed: int = 0) -> dict:
    key = jax.random.key(seed)
    ks = jax.random.split(key, 16)
    s = 0.02
    inp = {}
    inp['x'] = jax.random.normal(ks[0], (N, D), dtype=jnp.float32)
    inp['edge_index'] = jax.random.randint(ks[1], (2, E), 0, N, dtype=jnp.int32)
    inp['edge_type'] = jax.random.randint(ks[2], (E,), 0, R, dtype=jnp.int32)
    inp['Wr'] = jax.random.normal(ks[3], (R, D, D), dtype=jnp.float32) * s
    inp['Ws'] = jax.random.normal(ks[4], (D, D), dtype=jnp.float32) * s
    inp['Wg'] = jax.random.normal(ks[5], (D, R), dtype=jnp.float32) * s
    inp['bg'] = jnp.zeros((R,), dtype=jnp.float32)
    inp['Wproj'] = jax.random.normal(ks[6], (D, D), dtype=jnp.float32) * s
    inp['bproj'] = jnp.zeros((D,), dtype=jnp.float32)
    inp['W1'] = jax.random.normal(ks[7], (D, FF), dtype=jnp.float32) * s
    inp['b1'] = jnp.zeros((FF,), dtype=jnp.float32)
    inp['W2'] = jax.random.normal(ks[8], (FF, D), dtype=jnp.float32) * s
    inp['b2'] = jnp.zeros((D,), dtype=jnp.float32)
    inp['g1'] = jnp.ones((D,), dtype=jnp.float32)
    inp['beta1'] = jnp.zeros((D,), dtype=jnp.float32)
    inp['g2'] = jnp.ones((D,), dtype=jnp.float32)
    inp['beta2'] = jnp.zeros((D,), dtype=jnp.float32)
    return inp


def reference(x, edge_index, edge_type, Wr, Ws, Wg, bg, Wproj, bproj, W1, b1, W2, b2, g1, beta1, g2, beta2):
    # EurNetBlock: norm1 -> GatedRelationalMessagePassing -> proj -> residual -> norm2 -> FFN -> residual
    h = _ln(x, g1, beta1)
    src = edge_index[0]
    dst = edge_index[1]
    # gather source node features (messages)
    msg = jnp.take(h, src, axis=0)  # [E, D]
    # per-(node, relation) scatter-add aggregation
    seg = dst * R + edge_type
    agg = jax.ops.segment_sum(msg, seg, num_segments=N * R)  # [N*R, D]
    agg = agg.reshape(N, R, D)
    # relation-specific linear transforms
    hr = jnp.einsum('nrd,rdk->nrk', agg, Wr)  # [N, R, D]
    # gated combination over relations
    gate = jax.nn.sigmoid(h @ Wg + bg)  # [N, R]
    conv = jnp.einsum('nr,nrk->nk', gate, hr) + h @ Ws
    conv = jax.nn.gelu(conv)
    y = x + conv @ Wproj + bproj
    h2 = _ln(y, g2, beta2)
    ffn = jax.nn.gelu(h2 @ W1 + b1) @ W2 + b2
    out = y + ffn
    return out

if __name__ == "__main__":
    import jax
    _d = setup_inputs()
    print(jax.jit(kernel)(*tuple(_d.values())))

</pallas_src>

<mosaic_0001>
#map = affine_map<(d0, d1) -> (0, 0)>
#map1 = affine_map<(d0, d1) -> (0)>
#map2 = affine_map<(d0, d1) -> (0, 0, 0)>
module attributes {stable_mosaic.version = 14 : i64} {
  func.func @_sc_body(%arg0: i32, %arg1: i32, %arg2: memref<80000x128xf32, #tpu.memory_space<hbm>>, %arg3: memref<20016xi32, #tpu.memory_space<hbm>>, %arg4: memref<10016x3x32xi32, #tpu.memory_space<hbm>>, %arg5: memref<2x10000x128xf32, #tpu.memory_space<hbm>>, %arg6: memref<3x32xi32, #tpu.memory_space<vmem>>, %arg7: memref<3x32xi32, #tpu.memory_space<vmem>>, %arg8: memref<3x32xi32, #tpu.memory_space<vmem>>, %arg9: memref<32xi32, #tpu.memory_space<vmem>>, %arg10: memref<32xi32, #tpu.memory_space<vmem>>, %arg11: memref<32xi32, #tpu.memory_space<vmem>>, %arg12: memref<32xi32, #tpu.memory_space<vmem>>, %arg13: memref<32xi32, #tpu.memory_space<vmem>>, %arg14: memref<32xi32, #tpu.memory_space<vmem>>, %arg15: memref<48xf32, #tpu.memory_space<vmem>>, %arg16: memref<48xf32, #tpu.memory_space<vmem>>, %arg17: memref<48xf32, #tpu.memory_space<vmem>>, %arg18: memref<32x128xf32, #tpu.memory_space<vmem>>, %arg19: memref<32x128xf32, #tpu.memory_space<vmem>>, %arg20: memref<32x128xf32, #tpu.memory_space<vmem>>, %arg21: memref<20016xi32, #tpu.memory_space<vmem>>, %arg22: memref<10112x128xf32, #tpu.memory_space<vmem_shared>>, %arg23: memref<!tpu.dma_semaphore, #tpu.memory_space<semaphore_mem>>, %arg24: memref<!tpu.dma_semaphore, #tpu.memory_space<semaphore_mem>>, %arg25: memref<!tpu.dma_semaphore, #tpu.memory_space<semaphore_mem>>, %arg26: memref<!tpu.dma_semaphore, #tpu.memory_space<semaphore_mem>>, %arg27: memref<!tpu.dma_semaphore, #tpu.memory_space<semaphore_mem>>, %arg28: memref<!tpu.dma_semaphore, #tpu.memory_space<semaphore_mem>>, %arg29: memref<!tpu.dma_semaphore, #tpu.memory_space<semaphore_mem>>, %arg30: memref<!tpu.dma_semaphore, #tpu.memory_space<semaphore_mem>>, %arg31: memref<!tpu.dma_semaphore, #tpu.memory_space<semaphore_mem>>, %arg32: memref<!tpu.dma_semaphore, #tpu.memory_space<semaphore_mem>>) attributes {dimension_semantics = [#tpu.dimension_semantics<core_parallel>, #tpu.dimension_semantics<subcore_parallel>], iteration_bounds = array<i64: 2, 16>, scalar_prefetch = 0 : i64, scratch_operands = 27 : i64, tpu.core_type = #tpu.core_type<sc_vector_subcore>, window_params = [{transform_indices = #map}, {transform_indices = #map1}, {transform_indices = #map2}, {transform_indices = #map2}]} {
    %mul3A = arith.constant 2 : i32
    %mul3A_0 = arith.muli %arg1, %mul3A : i32
    %add3A = arith.addi %mul3A_0, %arg0 : i32
    %mul3A_1 = arith.constant 313 : i32
    %mul3A_2 = arith.muli %add3A, %mul3A_1 : i32
    %dma_start3A = arith.constant 0 : i32
    %dma_start3A_3 = arith.constant 0 : i32
    %dma_start3A_4 = tpu.memref_slice %arg4[%mul3A_2, %dma_start3A, %dma_start3A_3] : memref<10016x3x32xi32, #tpu.memory_space<hbm>> -> memref<1x3x32xi32, #tpu.memory_space<hbm>>
    %dma_start3A_5 = tpu.memref_squeeze %dma_start3A_4 : memref<1x3x32xi32, #tpu.memory_space<hbm>> -> memref<3x32xi32, #tpu.memory_space<hbm>>
    %dma_start3A_6 = arith.constant 0 : i32
    %dma_start3A_7 = arith.constant 0 : i32
    %dma_start3A_8 = tpu.memref_slice %arg4[%mul3A_2, %dma_start3A_6, %dma_start3A_7] : memref<10016x3x32xi32, #tpu.memory_space<hbm>> -> memref<1x3x32xi32, #tpu.memory_space<hbm>>
    %dma_start3A_9 = tpu.memref_squeeze %dma_start3A_8 : memref<1x3x32xi32, #tpu.memory_space<hbm>> -> memref<3x32xi32, #tpu.memory_space<hbm>>
    tpu.enqueue_dma source(%dma_start3A_9 : memref<3x32xi32, #tpu.memory_space<hbm>>) target(%arg6 : memref<3x32xi32, #tpu.memory_space<vmem>>) target_semaphore(%arg23 : memref<!tpu.dma_semaphore, #tpu.memory_space<semaphore_mem>>)
    %add3A_10 = arith.constant 1 : i32
    %add3A_11 = arith.addi %mul3A_2, %add3A_10 : i32
    %dma_start3A_12 = arith.constant 0 : i32
    %dma_start3A_13 = arith.constant 0 : i32
    %dma_start3A_14 = tpu.memref_slice %arg4[%add3A_11, %dma_start3A_12, %dma_start3A_13] : memref<10016x3x32xi32, #tpu.memory_space<hbm>> -> memref<1x3x32xi32, #tpu.memory_space<hbm>>
    %dma_start3A_15 = tpu.memref_squeeze %dma_start3A_14 : memref<1x3x32xi32, #tpu.memory_space<hbm>> -> memref<3x32xi32, #tpu.memory_space<hbm>>
    %dma_start3A_16 = arith.constant 0 : i32
    %dma_start3A_17 = arith.constant 0 : i32
    %dma_start3A_18 = tpu.memref_slice %arg4[%add3A_11, %dma_start3A_16, %dma_start3A_17] : memref<10016x3x32xi32, #tpu.memory_space<hbm>> -> memref<1x3x32xi32, #tpu.memory_space<hbm>>
    %dma_start3A_19 = tpu.memref_squeeze %dma_start3A_18 : memref<1x3x32xi32, #tpu.memory_space<hbm>> -> memref<3x32xi32, #tpu.memory_space<hbm>>
    tpu.enqueue_dma source(%dma_start3A_19 : memref<3x32xi32, #tpu.memory_space<hbm>>) target(%arg7 : memref<3x32xi32, #tpu.memory_space<vmem>>) target_semaphore(%arg24 : memref<!tpu.dma_semaphore, #tpu.memory_space<semaphore_mem>>)
    tpu.enqueue_dma source(%arg3 : memref<20016xi32, #tpu.memory_space<hbm>>) target(%arg21 : memref<20016xi32, #tpu.memory_space<vmem>>) target_semaphore(%arg32 : memref<!tpu.dma_semaphore, #tpu.memory_space<semaphore_mem>>)
    %scan3A = arith.constant 0 : i32
    %scan3A_20 = arith.constant 0 : i32
    %scan3A_21 = arith.constant 32 : i32
    %scan3A_22 = arith.addi %scan3A_20, %scan3A_21 : i32
    %scan3A_23 = arith.constant 1 : i32
    %scan3A_24 = scf.for %scan3A_128 = %scan3A_20 to %scan3A_22 step %scan3A_23 iter_args(%scan3A_129 = %scan3A) -> (i32)  : i32 {
      %broadcast_in_dim3A = arith.constant 0.000000e+00 : f32
      %broadcast_in_dim3A_130 = vector.broadcast %broadcast_in_dim3A : f32 to vector<16xf32>
      %swap3A = arith.index_cast %scan3A_128 : i32 to index
      %swap3A_131 = arith.constant 0 : index
      %swap3A_132 = tpu.vector_load %arg18[%swap3A, %swap3A_131] {strides = array<i32>} : memref<32x128xf32, #tpu.memory_space<vmem>>, vector<16xf32>,
      tpu.vector_store %arg18[%swap3A, %swap3A_131], %broadcast_in_dim3A_130 {strides = array<i32>} : memref<32x128xf32, #tpu.memory_space<vmem>>, vector<16xf32>,
      %broadcast_in_dim3A_133 = arith.constant 0.000000e+00 : f32
      %broadcast_in_dim3A_134 = vector.broadcast %broadcast_in_dim3A_133 : f32 to vector<16xf32>
      %swap3A_135 = arith.index_cast %scan3A_128 : i32 to index
      %swap3A_136 = arith.constant 16 : index
      %swap3A_137 = tpu.vector_load %arg18[%swap3A_135, %swap3A_136] {strides = array<i32>} : memref<32x128xf32, #tpu.memory_space<vmem>>, vector<16xf32>,
      tpu.vector_store %arg18[%swap3A_135, %swap3A_136], %broadcast_in_dim3A_134 {strides = array<i32>} : memref<32x128xf32, #tpu.memory_space<vmem>>, vector<16xf32>,
      %broadcast_in_dim3A_138 = arith.constant 0.000000e+00 : f32
      %broadcast_in_dim3A_139 = vector.broadcast %broadcast_in_dim3A_138 : f32 to vector<16xf32>
      %swap3A_140 = arith.index_cast %scan3A_128 : i32 to index
      %swap3A_141 = arith.constant 32 : index
      %swap3A_142 = tpu.vector_load %arg18[%swap3A_140, %swap3A_141] {strides = array<i32>} : memref<32x128xf32, #tpu.memory_space<vmem>>, vector<16xf32>,
      tpu.vector_store %arg18[%swap3A_140, %swap3A_141], %broadcast_in_dim3A_139 {strides = array<i32>} : memref<32x128xf32, #tpu.memory_space<vmem>>, vector<16xf32>,
      %broadcast_in_dim3A_143 = arith.constant 0.000000e+00 : f32
      %broadcast_in_dim3A_144 = vector.broadcast %broadcast_in_dim3A_143 : f32 to vector<16xf32>
      %swap3A_145 = arith.index_cast %scan3A_128 : i32 to index
      %swap3A_146 = arith.constant 48 : index
      %swap3A_147 = tpu.vector_load %arg18[%swap3A_145, %swap3A_146] {strides = array<i32>} : memref<32x128xf32, #tpu.memory_space<vmem>>, vector<16xf32>,
      tpu.vector_store %arg18[%swap3A_145, %swap3A_146], %broadcast_in_dim3A_144 {strides = array<i32>} : memref<32x128xf32, #tpu.memory_space<vmem>>, vector<16xf32>,
      %broadcast_in_dim3A_148 = arith.constant 0.000000e+00 : f32
      %broadcast_in_dim3A_149 = vector.broadcast %broadcast_in_dim3A_148 : f32 to vector<16xf32>
      %swap3A_150 = arith.index_cast %scan3A_128 : i32 to index
      %swap3A_151 = arith.constant 64 : index
      %swap3A_152 = tpu.vector_load %arg18[%swap3A_150, %swap3A_151] {strides = array<i32>} : memref<32x128xf32, #tpu.memory_space<vmem>>, vector<16xf32>,
      tpu.vector_store %arg18[%swap3A_150, %swap3A_151], %broadcast_in_dim3A_149 {strides = array<i32>} : memref<32x128xf32, #tpu.memory_space<vmem>>, vector<16xf32>,
      %broadcast_in_dim3A_153 = arith.constant 0.000000e+00 : f32
      %broadcast_in_dim3A_154 = vector.broadcast %broadcast_in_dim3A_153 : f32 to vector<16xf32>
      %swap3A_155 = arith.index_cast %scan3A_128 : i32 to index
      %swap3A_156 = arith.constant 80 : index
      %swap3A_157 = tpu.vector_load %arg18[%swap3A_155, %swap3A_156] {strides = array<i32>} : memref<32x128xf32, #tpu.memory_space<vmem>>, vector<16xf32>,
      tpu.vector_store %arg18[%swap3A_155, %swap3A_156], %broadcast_in_dim3A_154 {strides = array<i32>} : memref<32x128xf32, #tpu.memory_space<vmem>>, vector<16xf32>,
      %broadcast_in_dim3A_158 = arith.constant 0.000000e+00 : f32
      %broadcast_in_dim3A_159 = vector.broadcast %broadcast_in_dim3A_158 : f32 to vector<16xf32>
      %swap3A_160 = arith.index_cast %scan3A_128 : i32 to index
      %swap3A_161 = arith.constant 96 : index
      %swap3A_162 = tpu.vector_load %arg18[%swap3A_160, %swap3A_161] {strides = array<i32>} : memref<32x128xf32, #tpu.memory_space<vmem>>, vector<16xf32>,
      tpu.vector_store %arg18[%swap3A_160, %swap3A_161], %broadcast_in_dim3A_159 {strides = array<i32>} : memref<32x128xf32, #tpu.memory_space<vmem>>, vector<16xf32>,
      %broadcast_in_dim3A_163 = arith.constant 0.000000e+00 : f32
      %broadcast_in_dim3A_164 = vector.broadcast %broadcast_in_dim3A_163 : f32 to vector<16xf32>
      %swap3A_165 = arith.index_cast %scan3A_128 : i32 to index
      %swap3A_166 = arith.constant 112 : index
      %swap3A_167 = tpu.vector_load %arg18[%swap3A_165, %swap3A_166] {strides = array<i32>} : memref<32x128xf32, #tpu.memory_space<vmem>>, vector<16xf32>,
      tpu.vector_store %arg18[%swap3A_165, %swap3A_166], %broadcast_in_dim3A_164 {strides = array<i32>} : memref<32x128xf32, #tpu.memory_space<vmem>>, vector<16xf32>,
      %scan3A_168 = arith.constant 0 : i32
      scf.yield %scan3A_168 : i32
    }
    %scan3A_25 = arith.constant 32 : i32
    %mul3A_26 = arith.constant 632 : i32
    %mul3A_27 = arith.muli %arg1, %mul3A_26 : i32
    %add3A_28 = arith.constant 0 : i32
    %add3A_29 = arith.addi %mul3A_27, %add3A_28 : i32
    "tpu.region"() ({
      %run_scoped3A = tpu.sem_alloc : memref<!tpu.dma_semaphore, #tpu.memory_space<semaphore_mem>>
      %dma_start3A_128 = arith.constant 0 : i32
      %dma_start3A_129 = tpu.memref_slice %arg22[%add3A_29, %dma_start3A_128] : memref<10112x128xf32, #tpu.memory_space<vmem_shared>> -> memref<32x128xf32, #tpu.memory_space<vmem_shared>>
      %dma_start3A_130 = arith.constant 0 : i32
      %dma_start3A_131 = tpu.memref_slice %arg22[%add3A_29, %dma_start3A_130] : memref<10112x128xf32, #tpu.memory_space<vmem_shared>> -> memref<32x128xf32, #tpu.memory_space<vmem_shared>>
      tpu.enqueue_dma source(%arg18 : memref<32x128xf32, #tpu.memory_space<vmem>>) target(%dma_start3A_131 : memref<32x128xf32, #tpu.memory_space<vmem_shared>>) target_semaphore(%run_scoped3A : memref<!tpu.dma_semaphore, #tpu.memory_space<semaphore_mem>>)
      %dma_wait3A_132 = arith.constant 0 : i32
      %dma_wait3A_133 = tpu.memref_slice %arg22[%add3A_29, %dma_wait3A_132] : memref<10112x128xf32, #tpu.memory_space<vmem_shared>> -> memref<32x128xf32, #tpu.memory_space<vmem_shared>>
      %dma_wait3A_134 = arith.constant 0 : i32
      %dma_wait3A_135 = tpu.memref_slice %arg22[%add3A_29, %dma_wait3A_134] : memref<10112x128xf32, #tpu.memory_space<vmem_shared>> -> memref<32x128xf32, #tpu.memory_space<vmem_shared>>
      tpu.wait_dma2 semaphore(%run_scoped3A : memref<!tpu.dma_semaphore, #tpu.memory_space<semaphore_mem>>) src(%arg18 : memref<32x128xf32, #tpu.memory_space<vmem>>) dst(%dma_wait3A_135 : memref<32x128xf32, #tpu.memory_space<vmem_shared>>)
      tpu.yield
    }) : () -> ()
    %mul3A_30 = arith.constant 632 : i32
    %mul3A_31 = arith.muli %arg1, %mul3A_30 : i32
    %add3A_32 = arith.constant 32 : i32
    %add3A_33 = arith.addi %mul3A_31, %add3A_32 : i32
    "tpu.region"() ({
      %run_scoped3A = tpu.sem_alloc : memref<!tpu.dma_semaphore, #tpu.memory_space<semaphore_mem>>
      %dma_start3A_128 = arith.constant 0 : i32
      %dma_start3A_129 = tpu.memref_slice %arg22[%add3A_33, %dma_start3A_128] : memref<10112x128xf32, #tpu.memory_space<vmem_shared>> -> memref<32x128xf32, #tpu.memory_space<vmem_shared>>
      %dma_start3A_130 = arith.constant 0 : i32
      %dma_start3A_131 = tpu.memref_slice %arg22[%add3A_33, %dma_start3A_130] : memref<10112x128xf32, #tpu.memory_space<vmem_shared>> -> memref<32x128xf32, #tpu.memory_space<vmem_shared>>
      tpu.enqueue_dma source(%arg18 : memref<32x128xf32, #tpu.memory_space<vmem>>) target(%dma_start3A_131 : memref<32x128xf32, #tpu.memory_space<vmem_shared>>) target_semaphore(%run_scoped3A : memref<!tpu.dma_semaphore, #tpu.memory_space<semaphore_mem>>)
      %dma_wait3A_132 = arith.constant 0 : i32
      %dma_wait3A_133 = tpu.memref_slice %arg22[%add3A_33, %dma_wait3A_132] : memref<10112x128xf32, #tpu.memory_space<vmem_shared>> -> memref<32x128xf32, #tpu.memory_space<vmem_shared>>
      %dma_wait3A_134 = arith.constant 0 : i32
      %dma_wait3A_135 = tpu.memref_slice %arg22[%add3A_33, %dma_wait3A_134] : memref<10112x128xf32, #tpu.memory_space<vmem_shared>> -> memref<32x128xf32, #tpu.memory_space<vmem_shared>>
      tpu.wait_dma2 semaphore(%run_scoped3A : memref<!tpu.dma_semaphore, #tpu.memory_space<semaphore_mem>>) src(%arg18 : memref<32x128xf32, #tpu.memory_space<vmem>>) dst(%dma_wait3A_135 : memref<32x128xf32, #tpu.memory_space<vmem_shared>>)
      tpu.yield
    }) : () -> ()
    %mul3A_34 = arith.constant 632 : i32
    %mul3A_35 = arith.muli %arg1, %mul3A_34 : i32
    %add3A_36 = arith.constant 64 : i32
    %add3A_37 = arith.addi %mul3A_35, %add3A_36 : i32
    "tpu.region"() ({
      %run_scoped3A = tpu.sem_alloc : memref<!tpu.dma_semaphore, #tpu.memory_space<semaphore_mem>>
      %dma_start3A_128 = arith.constant 0 : i32
      %dma_start3A_129 = tpu.memref_slice %arg22[%add3A_37, %dma_start3A_128] : memref<10112x128xf32, #tpu.memory_space<vmem_shared>> -> memref<32x128xf32, #tpu.memory_space<vmem_shared>>
      %dma_start3A_130 = arith.constant 0 : i32
      %dma_start3A_131 = tpu.memref_slice %arg22[%add3A_37, %dma_start3A_130] : memref<10112x128xf32, #tpu.memory_space<vmem_shared>> -> memref<32x128xf32, #tpu.memory_space<vmem_shared>>
      tpu.enqueue_dma source(%arg18 : memref<32x128xf32, #tpu.memory_space<vmem>>) target(%dma_start3A_131 : memref<32x128xf32, #tpu.memory_space<vmem_shared>>) target_semaphore(%run_scoped3A : memref<!tpu.dma_semaphore, #tpu.memory_space<semaphore_mem>>)
      %dma_wait3A_132 = arith.constant 0 : i32
      %dma_wait3A_133 = tpu.memref_slice %arg22[%add3A_37, %dma_wait3A_132] : memref<10112x128xf32, #tpu.memory_space<vmem_shared>> -> memref<32x128xf32, #tpu.memory_space<vmem_shared>>
      %dma_wait3A_134 = arith.constant 0 : i32
      %dma_wait3A_135 = tpu.memref_slice %arg22[%add3A_37, %dma_wait3A_134] : memref<10112x128xf32, #tpu.memory_space<vmem_shared>> -> memref<32x128xf32, #tpu.memory_space<vmem_shared>>
      tpu.wait_dma2 semaphore(%run_scoped3A : memref<!tpu.dma_semaphore, #tpu.memory_space<semaphore_mem>>) src(%arg18 : memref<32x128xf32, #tpu.memory_space<vmem>>) dst(%dma_wait3A_135 : memref<32x128xf32, #tpu.memory_space<vmem_shared>>)
      tpu.yield
    }) : () -> ()
    %mul3A_38 = arith.constant 632 : i32
    %mul3A_39 = arith.muli %arg1, %mul3A_38 : i32
    %add3A_40 = arith.constant 96 : i32
    %add3A_41 = arith.addi %mul3A_39, %add3A_40 : i32
    "tpu.region"() ({
      %run_scoped3A = tpu.sem_alloc : memref<!tpu.dma_semaphore, #tpu.memory_space<semaphore_mem>>
      %dma_start3A_128 = arith.constant 0 : i32
      %dma_start3A_129 = tpu.memref_slice %arg22[%add3A_41, %dma_start3A_128] : memref<10112x128xf32, #tpu.memory_space<vmem_shared>> -> memref<32x128xf32, #tpu.memory_space<vmem_shared>>
      %dma_start3A_130 = arith.constant 0 : i32
      %dma_start3A_131 = tpu.memref_slice %arg22[%add3A_41, %dma_start3A_130] : memref<10112x128xf32, #tpu.memory_space<vmem_shared>> -> memref<32x128xf32, #tpu.memory_space<vmem_shared>>
      tpu.enqueue_dma source(%arg18 : memref<32x128xf32, #tpu.memory_space<vmem>>) target(%dma_start3A_131 : memref<32x128xf32, #tpu.memory_space<vmem_shared>>) target_semaphore(%run_scoped3A : memref<!tpu.dma_semaphore, #tpu.memory_space<semaphore_mem>>)
      %dma_wait3A_132 = arith.constant 0 : i32
      %dma_wait3A_133 = tpu.memref_slice %arg22[%add3A_41, %dma_wait3A_132] : memref<10112x128xf32, #tpu.memory_space<vmem_shared>> -> memref<32x128xf32, #tpu.memory_space<vmem_shared>>
      %dma_wait3A_134 = arith.constant 0 : i32
      %dma_wait3A_135 = tpu.memref_slice %arg22[%add3A_41, %dma_wait3A_134] : memref<10112x128xf32, #tpu.memory_space<vmem_shared>> -> memref<32x128xf32, #tpu.memory_space<vmem_shared>>
      tpu.wait_dma2 semaphore(%run_scoped3A : memref<!tpu.dma_semaphore, #tpu.memory_space<semaphore_mem>>) src(%arg18 : memref<32x128xf32, #tpu.memory_space<vmem>>) dst(%dma_wait3A_135 : memref<32x128xf32, #tpu.memory_space<vmem_shared>>)
      tpu.yield
    }) : () -> ()
    %mul3A_42 = arith.constant 632 : i32
    %mul3A_43 = arith.muli %arg1, %mul3A_42 : i32
    %add3A_44 = arith.constant 128 : i32
    %add3A_45 = arith.addi %mul3A_43, %add3A_44 : i32
    "tpu.region"() ({
      %run_scoped3A = tpu.sem_alloc : memref<!tpu.dma_semaphore, #tpu.memory_space<semaphore_mem>>
      %dma_start3A_128 = arith.constant 0 : i32
      %dma_start3A_129 = tpu.memref_slice %arg22[%add3A_45, %dma_start3A_128] : memref<10112x128xf32, #tpu.memory_space<vmem_shared>> -> memref<32x128xf32, #tpu.memory_space<vmem_shared>>
      %dma_start3A_130 = arith.constant 0 : i32
      %dma_start3A_131 = tpu.memref_slice %arg22[%add3A_45, %dma_start3A_130] : memref<10112x128xf32, #tpu.memory_space<vmem_shared>> -> memref<32x128xf32, #tpu.memory_space<vmem_shared>>
      tpu.enqueue_dma source(%arg18 : memref<32x128xf32, #tpu.memory_space<vmem>>) target(%dma_start3A_131 : memref<32x128xf32, #tpu.memory_space<vmem_shared>>) target_semaphore(%run_scoped3A : memref<!tpu.dma_semaphore, #tpu.memory_space<semaphore_mem>>)
      %dma_wait3A_132 = arith.constant 0 : i32
      %dma_wait3A_133 = tpu.memref_slice %arg22[%add3A_45, %dma_wait3A_132] : memref<10112x128xf32, #tpu.memory_space<vmem_shared>> -> memref<32x128xf32, #tpu.memory_space<vmem_shared>>
      %dma_wait3A_134 = arith.constant 0 : i32
      %dma_wait3A_135 = tpu.memref_slice %arg22[%add3A_45, %dma_wait3A_134] : memref<10112x128xf32, #tpu.memory_space<vmem_shared>> -> memref<32x128xf32, #tpu.memory_space<vmem_shared>>
      tpu.wait_dma2 semaphore(%run_scoped3A : memref<!tpu.dma_semaphore, #tpu.memory_space<semaphore_mem>>) src(%arg18 : memref<32x128xf32, #tpu.memory_space<vmem>>) dst(%dma_wait3A_135 : memref<32x128xf32, #tpu.memory_space<vmem_shared>>)
      tpu.yield
    }) : () -> ()
    %mul3A_46 = arith.constant 632 : i32
    %mul3A_47 = arith.muli %arg1, %mul3A_46 : i32
    %add3A_48 = arith.constant 160 : i32
    %add3A_49 = arith.addi %mul3A_47, %add3A_48 : i32
    "tpu.region"() ({
      %run_scoped3A = tpu.sem_alloc : memref<!tpu.dma_semaphore, #tpu.memory_space<semaphore_mem>>
      %dma_start3A_128 = arith.constant 0 : i32
      %dma_start3A_129 = tpu.memref_slice %arg22[%add3A_49, %dma_start3A_128] : memref<10112x128xf32, #tpu.memory_space<vmem_shared>> -> memref<32x128xf32, #tpu.memory_space<vmem_shared>>
      %dma_start3A_130 = arith.constant 0 : i32
      %dma_start3A_131 = tpu.memref_slice %arg22[%add3A_49, %dma_start3A_130] : memref<10112x128xf32, #tpu.memory_space<vmem_shared>> -> memref<32x128xf32, #tpu.memory_space<vmem_shared>>
      tpu.enqueue_dma source(%arg18 : memref<32x128xf32, #tpu.memory_space<vmem>>) target(%dma_start3A_131 : memref<32x128xf32, #tpu.memory_space<vmem_shared>>) target_semaphore(%run_scoped3A : memref<!tpu.dma_semaphore, #tpu.memory_space<semaphore_mem>>)
      %dma_wait3A_132 = arith.constant 0 : i32
      %dma_wait3A_133 = tpu.memref_slice %arg22[%add3A_49, %dma_wait3A_132] : memref<10112x128xf32, #tpu.memory_space<vmem_shared>> -> memref<32x128xf32, #tpu.memory_space<vmem_shared>>
      %dma_wait3A_134 = arith.constant 0 : i32
      %dma_wait3A_135 = tpu.memref_slice %arg22[%add3A_49, %dma_wait3A_134] : memref<10112x128xf32, #tpu.memory_space<vmem_shared>> -> memref<32x128xf32, #tpu.memory_space<vmem_shared>>
      tpu.wait_dma2 semaphore(%run_scoped3A : memref<!tpu.dma_semaphore, #tpu.memory_space<semaphore_mem>>) src(%arg18 : memref<32x128xf32, #tpu.memory_space<vmem>>) dst(%dma_wait3A_135 : memref<32x128xf32, #tpu.memory_space<vmem_shared>>)
      tpu.yield
    }) : () -> ()
    %mul3A_50 = arith.constant 632 : i32
    %mul3A_51 = arith.muli %arg1, %mul3A_50 : i32
    %add3A_52 = arith.constant 192 : i32
    %add3A_53 = arith.addi %mul3A_51, %add3A_52 : i32
    "tpu.region"() ({
      %run_scoped3A = tpu.sem_alloc : memref<!tpu.dma_semaphore, #tpu.memory_space<semaphore_mem>>
      %dma_start3A_128 = arith.constant 0 : i32
      %dma_start3A_129 = tpu.memref_slice %arg22[%add3A_53, %dma_start3A_128] : memref<10112x128xf32, #tpu.memory_space<vmem_shared>> -> memref<32x128xf32, #tpu.memory_space<vmem_shared>>
      %dma_start3A_130 = arith.constant 0 : i32
      %dma_start3A_131 = tpu.memref_slice %arg22[%add3A_53, %dma_start3A_130] : memref<10112x128xf32, #tpu.memory_space<vmem_shared>> -> memref<32x128xf32, #tpu.memory_space<vmem_shared>>
      tpu.enqueue_dma source(%arg18 : memref<32x128xf32, #tpu.memory_space<vmem>>) target(%dma_start3A_131 : memref<32x128xf32, #tpu.memory_space<vmem_shared>>) target_semaphore(%run_scoped3A : memref<!tpu.dma_semaphore, #tpu.memory_space<semaphore_mem>>)
      %dma_wait3A_132 = arith.constant 0 : i32
      %dma_wait3A_133 = tpu.memref_slice %arg22[%add3A_53, %dma_wait3A_132] : memref<10112x128xf32, #tpu.memory_space<vmem_shared>> -> memref<32x128xf32, #tpu.memory_space<vmem_shared>>
      %dma_wait3A_134 = arith.constant 0 : i32
      %dma_wait3A_135 = tpu.memref_slice %arg22[%add3A_53, %dma_wait3A_134] : memref<10112x128xf32, #tpu.memory_space<vmem_shared>> -> memref<32x128xf32, #tpu.memory_space<vmem_shared>>
      tpu.wait_dma2 semaphore(%run_scoped3A : memref<!tpu.dma_semaphore, #tpu.memory_space<semaphore_mem>>) src(%arg18 : memref<32x128xf32, #tpu.memory_space<vmem>>) dst(%dma_wait3A_135 : memref<32x128xf32, #tpu.memory_space<vmem_shared>>)
      tpu.yield
    }) : () -> ()
    %mul3A_54 = arith.constant 632 : i32
    %mul3A_55 = arith.muli %arg1, %mul3A_54 : i32
    %add3A_56 = arith.constant 224 : i32
    %add3A_57 = arith.addi %mul3A_55, %add3A_56 : i32
    "tpu.region"() ({
      %run_scoped3A = tpu.sem_alloc : memref<!tpu.dma_semaphore, #tpu.memory_space<semaphore_mem>>
      %dma_start3A_128 = arith.constant 0 : i32
      %dma_start3A_129 = tpu.memref_slice %arg22[%add3A_57, %dma_start3A_128] : memref<10112x128xf32, #tpu.memory_space<vmem_shared>> -> memref<32x128xf32, #tpu.memory_space<vmem_shared>>
      %dma_start3A_130 = arith.constant 0 : i32
      %dma_start3A_131 = tpu.memref_slice %arg22[%add3A_57, %dma_start3A_130] : memref<10112x128xf32, #tpu.memory_space<vmem_shared>> -> memref<32x128xf32, #tpu.memory_space<vmem_shared>>
      tpu.enqueue_dma source(%arg18 : memref<32x128xf32, #tpu.memory_space<vmem>>) target(%dma_start3A_131 : memref<32x128xf32, #tpu.memory_space<vmem_shared>>) target_semaphore(%run_scoped3A : memref<!tpu.dma_semaphore, #tpu.memory_space<semaphore_mem>>)
      %dma_wait3A_132 = arith.constant 0 : i32
      %dma_wait3A_133 = tpu.memref_slice %arg22[%add3A_57, %dma_wait3A_132] : memref<10112x128xf32, #tpu.memory_space<vmem_shared>> -> memref<32x128xf32, #tpu.memory_space<vmem_shared>>
      %dma_wait3A_134 = arith.constant 0 : i32
      %dma_wait3A_135 = tpu.memref_slice %arg22[%add3A_57, %dma_wait3A_134] : memref<10112x128xf32, #tpu.memory_space<vmem_shared>> -> memref<32x128xf32, #tpu.memory_space<vmem_shared>>
      tpu.wait_dma2 semaphore(%run_scoped3A : memref<!tpu.dma_semaphore, #tpu.memory_space<semaphore_mem>>) src(%arg18 : memref<32x128xf32, #tpu.memory_space<vmem>>) dst(%dma_wait3A_135 : memref<32x128xf32, #tpu.memory_space<vmem_shared>>)
      tpu.yield
    }) : () -> ()
    %mul3A_58 = arith.constant 632 : i32
    %mul3A_59 = arith.muli %arg1, %mul3A_58 : i32
    %add3A_60 = arith.constant 256 : i32
    %add3A_61 = arith.addi %mul3A_59, %add3A_60 : i32
    "tpu.region"() ({
      %run_scoped3A = tpu.sem_alloc : memref<!tpu.dma_semaphore, #tpu.memory_space<semaphore_mem>>
      %dma_start3A_128 = arith.constant 0 : i32
      %dma_start3A_129 = tpu.memref_slice %arg22[%add3A_61, %dma_start3A_128] : memref<10112x128xf32, #tpu.memory_space<vmem_shared>> -> memref<32x128xf32, #tpu.memory_space<vmem_shared>>
      %dma_start3A_130 = arith.constant 0 : i32
      %dma_start3A_131 = tpu.memref_slice %arg22[%add3A_61, %dma_start3A_130] : memref<10112x128xf32, #tpu.memory_space<vmem_shared>> -> memref<32x128xf32, #tpu.memory_space<vmem_shared>>
      tpu.enqueue_dma source(%arg18 : memref<32x128xf32, #tpu.memory_space<vmem>>) target(%dma_start3A_131 : memref<32x128xf32, #tpu.memory_space<vmem_shared>>) target_semaphore(%run_scoped3A : memref<!tpu.dma_semaphore, #tpu.memory_space<semaphore_mem>>)
      %dma_wait3A_132 = arith.constant 0 : i32
      %dma_wait3A_133 = tpu.memref_slice %arg22[%add3A_61, %dma_wait3A_132] : memref<10112x128xf32, #tpu.memory_space<vmem_shared>> -> memref<32x128xf32, #tpu.memory_space<vmem_shared>>
      %dma_wait3A_134 = arith.constant 0 : i32
      %dma_wait3A_135 = tpu.memref_slice %arg22[%add3A_61, %dma_wait3A_134] : memref<10112x128xf32, #tpu.memory_space<vmem_shared>> -> memref<32x128xf32, #tpu.memory_space<vmem_shared>>
      tpu.wait_dma2 semaphore(%run_scoped3A : memref<!tpu.dma_semaphore, #tpu.memory_space<semaphore_mem>>) src(%arg18 : memref<32x128xf32, #tpu.memory_space<vmem>>) dst(%dma_wait3A_135 : memref<32x128xf32, #tpu.memory_space<vmem_shared>>)
      tpu.yield
    }) : () -> ()
    %mul3A_62 = arith.constant 632 : i32
    %mul3A_63 = arith.muli %arg1, %mul3A_62 : i32
    %add3A_64 = arith.constant 288 : i32
    %add3A_65 = arith.addi %mul3A_63, %add3A_64 : i32
    "tpu.region"() ({
      %run_scoped3A = tpu.sem_alloc : memref<!tpu.dma_semaphore, #tpu.memory_space<semaphore_mem>>
      %dma_start3A_128 = arith.constant 0 : i32
      %dma_start3A_129 = tpu.memref_slice %arg22[%add3A_65, %dma_start3A_128] : memref<10112x128xf32, #tpu.memory_space<vmem_shared>> -> memref<32x128xf32, #tpu.memory_space<vmem_shared>>
      %dma_start3A_130 = arith.constant 0 : i32
      %dma_start3A_131 = tpu.memref_slice %arg22[%add3A_65, %dma_start3A_130] : memref<10112x128xf32, #tpu.memory_space<vmem_shared>> -> memref<32x128xf32, #tpu.memory_space<vmem_shared>>
      tpu.enqueue_dma source(%arg18 : memref<32x128xf32, #tpu.memory_space<vmem>>) target(%dma_start3A_131 : memref<32x128xf32, #tpu.memory_space<vmem_shared>>) target_semaphore(%run_scoped3A : memref<!tpu.dma_semaphore, #tpu.memory_space<semaphore_mem>>)
      %dma_wait3A_132 = arith.constant 0 : i32
      %dma_wait3A_133 = tpu.memref_slice %arg22[%add3A_65, %dma_wait3A_132] : memref<10112x128xf32, #tpu.memory_space<vmem_shared>> -> memref<32x128xf32, #tpu.memory_space<vmem_shared>>
      %dma_wait3A_134 = arith.constant 0 : i32
      %dma_wait3A_135 = tpu.memref_slice %arg22[%add3A_65, %dma_wait3A_134] : memref<10112x128xf32, #tpu.memory_space<vmem_shared>> -> memref<32x128xf32, #tpu.memory_space<vmem_shared>>
      tpu.wait_dma2 semaphore(%run_scoped3A : memref<!tpu.dma_semaphore, #tpu.memory_space<semaphore_mem>>) src(%arg18 : memref<32x128xf32, #tpu.memory_space<vmem>>) dst(%dma_wait3A_135 : memref<32x128xf32, #tpu.memory_space<vmem_shared>>)
      tpu.yield
    }) : () -> ()
    %mul3A_66 = arith.constant 632 : i32
    %mul3A_67 = arith.muli %arg1, %mul3A_66 : i32
    %add3A_68 = arith.constant 320 : i32
    %add3A_69 = arith.addi %mul3A_67, %add3A_68 : i32
    "tpu.region"() ({
      %run_scoped3A = tpu.sem_alloc : memref<!tpu.dma_semaphore, #tpu.memory_space<semaphore_mem>>
      %dma_start3A_128 = arith.constant 0 : i32
      %dma_start3A_129 = tpu.memref_slice %arg22[%add3A_69, %dma_start3A_128] : memref<10112x128xf32, #tpu.memory_space<vmem_shared>> -> memref<32x128xf32, #tpu.memory_space<vmem_shared>>
      %dma_start3A_130 = arith.constant 0 : i32
      %dma_start3A_131 = tpu.memref_slice %arg22[%add3A_69, %dma_start3A_130] : memref<10112x128xf32, #tpu.memory_space<vmem_shared>> -> memref<32x128xf32, #tpu.memory_space<vmem_shared>>
      tpu.enqueue_dma source(%arg18 : memref<32x128xf32, #tpu.memory_space<vmem>>) target(%dma_start3A_131 : memref<32x128xf32, #tpu.memory_space<vmem_shared>>) target_semaphore(%run_scoped3A : memref<!tpu.dma_semaphore, #tpu.memory_space<semaphore_mem>>)
      %dma_wait3A_132 = arith.constant 0 : i32
      %dma_wait3A_133 = tpu.memref_slice %arg22[%add3A_69, %dma_wait3A_132] : memref<10112x128xf32, #tpu.memory_space<vmem_shared>> -> memref<32x128xf32, #tpu.memory_space<vmem_shared>>
      %dma_wait3A_134 = arith.constant 0 : i32
      %dma_wait3A_135 = tpu.memref_slice %arg22[%add3A_69, %dma_wait3A_134] : memref<10112x128xf32, #tpu.memory_space<vmem_shared>> -> memref<32x128xf32, #tpu.memory_space<vmem_shared>>
      tpu.wait_dma2 semaphore(%run_scoped3A : memref<!tpu.dma_semaphore, #tpu.memory_space<semaphore_mem>>) src(%arg18 : memref<32x128xf32, #tpu.memory_space<vmem>>) dst(%dma_wait3A_135 : memref<32x128xf32, #tpu.memory_space<vmem_shared>>)
      tpu.yield
    }) : () -> ()
    %mul3A_70 = arith.constant 632 : i32
    %mul3A_71 = arith.muli %arg1, %mul3A_70 : i32
    %add3A_72 = arith.constant 352 : i32
    %add3A_73 = arith.addi %mul3A_71, %add3A_72 : i32
    "tpu.region"() ({
      %run_scoped3A = tpu.sem_alloc : memref<!tpu.dma_semaphore, #tpu.memory_space<semaphore_mem>>
      %dma_start3A_128 = arith.constant 0 : i32
      %dma_start3A_129 = tpu.memref_slice %arg22[%add3A_73, %dma_start3A_128] : memref<10112x128xf32, #tpu.memory_space<vmem_shared>> -> memref<32x128xf32, #tpu.memory_space<vmem_shared>>
      %dma_start3A_130 = arith.constant 0 : i32
      %dma_start3A_131 = tpu.memref_slice %arg22[%add3A_73, %dma_start3A_130] : memref<10112x128xf32, #tpu.memory_space<vmem_shared>> -> memref<32x128xf32, #tpu.memory_space<vmem_shared>>
      tpu.enqueue_dma source(%arg18 : memref<32x128xf32, #tpu.memory_space<vmem>>) target(%dma_start3A_131 : memref<32x128xf32, #tpu.memory_space<vmem_shared>>) target_semaphore(%run_scoped3A : memref<!tpu.dma_semaphore, #tpu.memory_space<semaphore_mem>>)
      %dma_wait3A_132 = arith.constant 0 : i32
      %dma_wait3A_133 = tpu.memref_slice %arg22[%add3A_73, %dma_wait3A_132] : memref<10112x128xf32, #tpu.memory_space<vmem_shared>> -> memref<32x128xf32, #tpu.memory_space<vmem_shared>>
      %dma_wait3A_134 = arith.constant 0 : i32
      %dma_wait3A_135 = tpu.memref_slice %arg22[%add3A_73, %dma_wait3A_134] : memref<10112x128xf32, #tpu.memory_space<vmem_shared>> -> memref<32x128xf32, #tpu.memory_space<vmem_shared>>
      tpu.wait_dma2 semaphore(%run_scoped3A : memref<!tpu.dma_semaphore, #tpu.memory_space<semaphore_mem>>) src(%arg18 : memref<32x128xf32, #tpu.memory_space<vmem>>) dst(%dma_wait3A_135 : memref<32x128xf32, #tpu.memory_space<vmem_shared>>)
      tpu.yield
    }) : () -> ()
    %mul3A_74 = arith.constant 632 : i32
    %mul3A_75 = arith.muli %arg1, %mul3A_74 : i32
    %add3A_76 = arith.constant 384 : i32
    %add3A_77 = arith.addi %mul3A_75, %add3A_76 : i32
    "tpu.region"() ({
      %run_scoped3A = tpu.sem_alloc : memref<!tpu.dma_semaphore, #tpu.memory_space<semaphore_mem>>
      %dma_start3A_128 = arith.constant 0 : i32
      %dma_start3A_129 = tpu.memref_slice %arg22[%add3A_77, %dma_start3A_128] : memref<10112x128xf32, #tpu.memory_space<vmem_shared>> -> memref<32x128xf32, #tpu.memory_space<vmem_shared>>
      %dma_start3A_130 = arith.constant 0 : i32
      %dma_start3A_131 = tpu.memref_slice %arg22[%add3A_77, %dma_start3A_130] : memref<10112x128xf32, #tpu.memory_space<vmem_shared>> -> memref<32x128xf32, #tpu.memory_space<vmem_shared>>
      tpu.enqueue_dma source(%arg18 : memref<32x128xf32, #tpu.memory_space<vmem>>) target(%dma_start3A_131 : memref<32x128xf32, #tpu.memory_space<vmem_shared>>) target_semaphore(%run_scoped3A : memref<!tpu.dma_semaphore, #tpu.memory_space<semaphore_mem>>)
      %dma_wait3A_132 = arith.constant 0 : i32
      %dma_wait3A_133 = tpu.memref_slice %arg22[%add3A_77, %dma_wait3A_132] : memref<10112x128xf32, #tpu.memory_space<vmem_shared>> -> memref<32x128xf32, #tpu.memory_space<vmem_shared>>
      %dma_wait3A_134 = arith.constant 0 : i32
      %dma_wait3A_135 = tpu.memref_slice %arg22[%add3A_77, %dma_wait3A_134] : memref<10112x128xf32, #tpu.memory_space<vmem_shared>> -> memref<32x128xf32, #tpu.memory_space<vmem_shared>>
      tpu.wait_dma2 semaphore(%run_scoped3A : memref<!tpu.dma_semaphore, #tpu.memory_space<semaphore_mem>>) src(%arg18 : memref<32x128xf32, #tpu.memory_space<vmem>>) dst(%dma_wait3A_135 : memref<32x128xf32, #tpu.memory_space<vmem_shared>>)
      tpu.yield
    }) : () -> ()
    %mul3A_78 = arith.constant 632 : i32
    %mul3A_79 = arith.muli %arg1, %mul3A_78 : i32
    %add3A_80 = arith.constant 416 : i32
    %add3A_81 = arith.addi %mul3A_79, %add3A_80 : i32
    "tpu.region"() ({
      %run_scoped3A = tpu.sem_alloc : memref<!tpu.dma_semaphore, #tpu.memory_space<semaphore_mem>>
      %dma_start3A_128 = arith.constant 0 : i32
      %dma_start3A_129 = tpu.memref_slice %arg22[%add3A_81, %dma_start3A_128] : memref<10112x128xf32, #tpu.memory_space<vmem_shared>> -> memref<32x128xf32, #tpu.memory_space<vmem_shared>>
      %dma_start3A_130 = arith.constant 0 : i32
      %dma_start3A_131 = tpu.memref_slice %arg22[%add3A_81, %dma_start3A_130] : memref<10112x128xf32, #tpu.memory_space<vmem_shared>> -> memref<32x128xf32, #tpu.memory_space<vmem_shared>>
      tpu.enqueue_dma source(%arg18 : memref<32x128xf32, #tpu.memory_space<vmem>>) target(%dma_start3A_131 : memref<32x128xf32, #tpu.memory_space<vmem_shared>>) target_semaphore(%run_scoped3A : memref<!tpu.dma_semaphore, #tpu.memory_space<semaphore_mem>>)
      %dma_wait3A_132 = arith.constant 0 : i32
      %dma_wait3A_133 = tpu.memref_slice %arg22[%add3A_81, %dma_wait3A_132] : memref<10112x128xf32, #tpu.memory_space<vmem_shared>> -> memref<32x128xf32, #tpu.memory_space<vmem_shared>>
      %dma_wait3A_134 = arith.constant 0 : i32
      %dma_wait3A_135 = tpu.memref_slice %arg22[%add3A_81, %dma_wait3A_134] : memref<10112x128xf32, #tpu.memory_space<vmem_shared>> -> memref<32x128xf32, #tpu.memory_space<vmem_shared>>
      tpu.wait_dma2 semaphore(%run_scoped3A : memref<!tpu.dma_semaphore, #tpu.memory_space<semaphore_mem>>) src(%arg18 : memref<32x128xf32, #tpu.memory_space<vmem>>) dst(%dma_wait3A_135 : memref<32x128xf32, #tpu.memory_space<vmem_shared>>)
      tpu.yield
    }) : () -> ()
    %mul3A_82 = arith.constant 632 : i32
    %mul3A_83 = arith.muli %arg1, %mul3A_82 : i32
    %add3A_84 = arith.constant 448 : i32
    %add3A_85 = arith.addi %mul3A_83, %add3A_84 : i32
    "tpu.region"() ({
      %run_scoped3A = tpu.sem_alloc : memref<!tpu.dma_semaphore, #tpu.memory_space<semaphore_mem>>
      %dma_start3A_128 = arith.constant 0 : i32
      %dma_start3A_129 = tpu.memref_slice %arg22[%add3A_85, %dma_start3A_128] : memref<10112x128xf32, #tpu.memory_space<vmem_shared>> -> memref<32x128xf32, #tpu.memory_space<vmem_shared>>
      %dma_start3A_130 = arith.constant 0 : i32
      %dma_start3A_131 = tpu.memref_slice %arg22[%add3A_85, %dma_start3A_130] : memref<10112x128xf32, #tpu.memory_space<vmem_shared>> -> memref<32x128xf32, #tpu.memory_space<vmem_shared>>
      tpu.enqueue_dma source(%arg18 : memref<32x128xf32, #tpu.memory_space<vmem>>) target(%dma_start3A_131 : memref<32x128xf32, #tpu.memory_space<vmem_shared>>) target_semaphore(%run_scoped3A : memref<!tpu.dma_semaphore, #tpu.memory_space<semaphore_mem>>)
      %dma_wait3A_132 = arith.constant 0 : i32
      %dma_wait3A_133 = tpu.memref_slice %arg22[%add3A_85, %dma_wait3A_132] : memref<10112x128xf32, #tpu.memory_space<vmem_shared>> -> memref<32x128xf32, #tpu.memory_space<vmem_shared>>
      %dma_wait3A_134 = arith.constant 0 : i32
      %dma_wait3A_135 = tpu.memref_slice %arg22[%add3A_85, %dma_wait3A_134] : memref<10112x128xf32, #tpu.memory_space<vmem_shared>> -> memref<32x128xf32, #tpu.memory_space<vmem_shared>>
      tpu.wait_dma2 semaphore(%run_scoped3A : memref<!tpu.dma_semaphore, #tpu.memory_space<semaphore_mem>>) src(%arg18 : memref<32x128xf32, #tpu.memory_space<vmem>>) dst(%dma_wait3A_135 : memref<32x128xf32, #tpu.memory_space<vmem_shared>>)
      tpu.yield
    }) : () -> ()
    %mul3A_86 = arith.constant 632 : i32
    %mul3A_87 = arith.muli %arg1, %mul3A_86 : i32
    %add3A_88 = arith.constant 480 : i32
    %add3A_89 = arith.addi %mul3A_87, %add3A_88 : i32
    "tpu.region"() ({
      %run_scoped3A = tpu.sem_alloc : memref<!tpu.dma_semaphore, #tpu.memory_space<semaphore_mem>>
      %dma_start3A_128 = arith.constant 0 : i32
      %dma_start3A_129 = tpu.memref_slice %arg22[%add3A_89, %dma_start3A_128] : memref<10112x128xf32, #tpu.memory_space<vmem_shared>> -> memref<32x128xf32, #tpu.memory_space<vmem_shared>>
      %dma_start3A_130 = arith.constant 0 : i32
      %dma_start3A_131 = tpu.memref_slice %arg22[%add3A_89, %dma_start3A_130] : memref<10112x128xf32, #tpu.memory_space<vmem_shared>> -> memref<32x128xf32, #tpu.memory_space<vmem_shared>>
      tpu.enqueue_dma source(%arg18 : memref<32x128xf32, #tpu.memory_space<vmem>>) target(%dma_start3A_131 : memref<32x128xf32, #tpu.memory_space<vmem_shared>>) target_semaphore(%run_scoped3A : memref<!tpu.dma_semaphore, #tpu.memory_space<semaphore_mem>>)
      %dma_wait3A_132 = arith.constant 0 : i32
      %dma_wait3A_133 = tpu.memref_slice %arg22[%add3A_89, %dma_wait3A_132] : memref<10112x128xf32, #tpu.memory_space<vmem_shared>> -> memref<32x128xf32, #tpu.memory_space<vmem_shared>>
      %dma_wait3A_134 = arith.constant 0 : i32
      %dma_wait3A_135 = tpu.memref_slice %arg22[%add3A_89, %dma_wait3A_134] : memref<10112x128xf32, #tpu.memory_space<vmem_shared>> -> memref<32x128xf32, #tpu.memory_space<vmem_shared>>
      tpu.wait_dma2 semaphore(%run_scoped3A : memref<!tpu.dma_semaphore, #tpu.memory_space<semaphore_mem>>) src(%arg18 : memref<32x128xf32, #tpu.memory_space<vmem>>) dst(%dma_wait3A_135 : memref<32x128xf32, #tpu.memory_space<vmem_shared>>)
      tpu.yield
    }) : () -> ()
    %mul3A_90 = arith.constant 632 : i32
    %mul3A_91 = arith.muli %arg1, %mul3A_90 : i32
    %add3A_92 = arith.constant 512 : i32
    %add3A_93 = arith.addi %mul3A_91, %add3A_92 : i32
    "tpu.region"() ({
      %run_scoped3A = tpu.sem_alloc : memref<!tpu.dma_semaphore, #tpu.memory_space<semaphore_mem>>
      %dma_start3A_128 = arith.constant 0 : i32
      %dma_start3A_129 = tpu.memref_slice %arg22[%add3A_93, %dma_start3A_128] : memref<10112x128xf32, #tpu.memory_space<vmem_shared>> -> memref<32x128xf32, #tpu.memory_space<vmem_shared>>
      %dma_start3A_130 = arith.constant 0 : i32
      %dma_start3A_131 = tpu.memref_slice %arg22[%add3A_93, %dma_start3A_130] : memref<10112x128xf32, #tpu.memory_space<vmem_shared>> -> memref<32x128xf32, #tpu.memory_space<vmem_shared>>
      tpu.enqueue_dma source(%arg18 : memref<32x128xf32, #tpu.memory_space<vmem>>) target(%dma_start3A_131 : memref<32x128xf32, #tpu.memory_space<vmem_shared>>) target_semaphore(%run_scoped3A : memref<!tpu.dma_semaphore, #tpu.memory_space<semaphore_mem>>)
      %dma_wait3A_132 = arith.constant 0 : i32
      %dma_wait3A_133 = tpu.memref_slice %arg22[%add3A_93, %dma_wait3A_132] : memref<10112x128xf32, #tpu.memory_space<vmem_shared>> -> memref<32x128xf32, #tpu.memory_space<vmem_shared>>
      %dma_wait3A_134 = arith.constant 0 : i32
      %dma_wait3A_135 = tpu.memref_slice %arg22[%add3A_93, %dma_wait3A_134] : memref<10112x128xf32, #tpu.memory_space<vmem_shared>> -> memref<32x128xf32, #tpu.memory_space<vmem_shared>>
      tpu.wait_dma2 semaphore(%run_scoped3A : memref<!tpu.dma_semaphore, #tpu.memory_space<semaphore_mem>>) src(%arg18 : memref<32x128xf32, #tpu.memory_space<vmem>>) dst(%dma_wait3A_135 : memref<32x128xf32, #tpu.memory_space<vmem_shared>>)
      tpu.yield
    }) : () -> ()
    %mul3A_94 = arith.constant 632 : i32
    %mul3A_95 = arith.muli %arg1, %mul3A_94 : i32
    %add3A_96 = arith.constant 544 : i32
    %add3A_97 = arith.addi %mul3A_95, %add3A_96 : i32
    "tpu.region"() ({
      %run_scoped3A = tpu.sem_alloc : memref<!tpu.dma_semaphore, #tpu.memory_space<semaphore_mem>>
      %dma_start3A_128 = arith.constant 0 : i32
      %dma_start3A_129 = tpu.memref_slice %arg22[%add3A_97, %dma_start3A_128] : memref<10112x128xf32, #tpu.memory_space<vmem_shared>> -> memref<32x128xf32, #tpu.memory_space<vmem_shared>>
      %dma_start3A_130 = arith.constant 0 : i32
      %dma_start3A_131 = tpu.memref_slice %arg22[%add3A_97, %dma_start3A_130] : memref<10112x128xf32, #tpu.memory_space<vmem_shared>> -> memref<32x128xf32, #tpu.memory_space<vmem_shared>>
      tpu.enqueue_dma source(%arg18 : memref<32x128xf32, #tpu.memory_space<vmem>>) target(%dma_start3A_131 : memref<32x128xf32, #tpu.memory_space<vmem_shared>>) target_semaphore(%run_scoped3A : memref<!tpu.dma_semaphore, #tpu.memory_space<semaphore_mem>>)
      %dma_wait3A_132 = arith.constant 0 : i32
      %dma_wait3A_133 = tpu.memref_slice %arg22[%add3A_97, %dma_wait3A_132] : memref<10112x128xf32, #tpu.memory_space<vmem_shared>> -> memref<32x128xf32, #tpu.memory_space<vmem_shared>>
      %dma_wait3A_134 = arith.constant 0 : i32
      %dma_wait3A_135 = tpu.memref_slice %arg22[%add3A_97, %dma_wait3A_134] : memref<10112x128xf32, #tpu.memory_space<vmem_shared>> -> memref<32x128xf32, #tpu.memory_space<vmem_shared>>
      tpu.wait_dma2 semaphore(%run_scoped3A : memref<!tpu.dma_semaphore, #tpu.memory_space<semaphore_mem>>) src(%arg18 : memref<32x128xf32, #tpu.memory_space<vmem>>) dst(%dma_wait3A_135 : memref<32x128xf32, #tpu.memory_space<vmem_shared>>)
      tpu.yield
    }) : () -> ()
    %mul3A_98 = arith.constant 632 : i32
    %mul3A_99 = arith.muli %arg1, %mul3A_98 : i32
    %add3A_100 = arith.constant 576 : i32
    %add3A_101 = arith.addi %mul3A_99, %add3A_100 : i32
    "tpu.region"() ({
      %run_scoped3A = tpu.sem_alloc : memref<!tpu.dma_semaphore, #tpu.memory_space<semaphore_mem>>
      %dma_start3A_128 = arith.constant 0 : i32
      %dma_start3A_129 = tpu.memref_slice %arg22[%add3A_101, %dma_start3A_128] : memref<10112x128xf32, #tpu.memory_space<vmem_shared>> -> memref<32x128xf32, #tpu.memory_space<vmem_shared>>
      %dma_start3A_130 = arith.constant 0 : i32
      %dma_start3A_131 = tpu.memref_slice %arg22[%add3A_101, %dma_start3A_130] : memref<10112x128xf32, #tpu.memory_space<vmem_shared>> -> memref<32x128xf32, #tpu.memory_space<vmem_shared>>
      tpu.enqueue_dma source(%arg18 : memref<32x128xf32, #tpu.memory_space<vmem>>) target(%dma_start3A_131 : memref<32x128xf32, #tpu.memory_space<vmem_shared>>) target_semaphore(%run_scoped3A : memref<!tpu.dma_semaphore, #tpu.memory_space<semaphore_mem>>)
      %dma_wait3A_132 = arith.constant 0 : i32
      %dma_wait3A_133 = tpu.memref_slice %arg22[%add3A_101, %dma_wait3A_132] : memref<10112x128xf32, #tpu.memory_space<vmem_shared>> -> memref<32x128xf32, #tpu.memory_space<vmem_shared>>
      %dma_wait3A_134 = arith.constant 0 : i32
      %dma_wait3A_135 = tpu.memref_slice %arg22[%add3A_101, %dma_wait3A_134] : memref<10112x128xf32, #tpu.memory_space<vmem_shared>> -> memref<32x128xf32, #tpu.memory_space<vmem_shared>>
      tpu.wait_dma2 semaphore(%run_scoped3A : memref<!tpu.dma_semaphore, #tpu.memory_space<semaphore_mem>>) src(%arg18 : memref<32x128xf32, #tpu.memory_space<vmem>>) dst(%dma_wait3A_135 : memref<32x128xf32, #tpu.memory_space<vmem_shared>>)
      tpu.yield
    }) : () -> ()
    %mul3A_102 = arith.constant 632 : i32
    %mul3A_103 = arith.muli %arg1, %mul3A_102 : i32
    %add3A_104 = arith.constant 608 : i32
    %add3A_105 = arith.addi %mul3A_103, %add3A_104 : i32
    "tpu.region"() ({
      %run_scoped3A = tpu.sem_alloc : memref<!tpu.dma_semaphore, #tpu.memory_space<semaphore_mem>>
      %dma_start3A_128 = arith.constant 0 : i32
      %dma_start3A_129 = arith.constant 0 : i32
      %dma_start3A_130 = tpu.memref_slice %arg18[%dma_start3A_128, %dma_start3A_129] : memref<32x128xf32, #tpu.memory_space<vmem>> -> memref<24x128xf32, #tpu.memory_space<vmem>>
      %dma_start3A_131 = arith.constant 0 : i32
      %dma_start3A_132 = tpu.memref_slice %arg22[%add3A_105, %dma_start3A_131] : memref<10112x128xf32, #tpu.memory_space<vmem_shared>> -> memref<24x128xf32, #tpu.memory_space<vmem_shared>>
      %dma_start3A_133 = arith.constant 0 : i32
      %dma_start3A_134 = tpu.memref_slice %arg22[%add3A_105, %dma_start3A_133] : memref<10112x128xf32, #tpu.memory_space<vmem_shared>> -> memref<24x128xf32, #tpu.memory_space<vmem_shared>>
      %dma_start3A_135 = arith.constant 0 : i32
      %dma_start3A_136 = arith.constant 0 : i32
      %dma_start3A_137 = tpu.memref_slice %arg18[%dma_start3A_135, %dma_start3A_136] : memref<32x128xf32, #tpu.memory_space<vmem>> -> memref<24x128xf32, #tpu.memory_space<vmem>>
      tpu.enqueue_dma source(%dma_start3A_137 : memref<24x128xf32, #tpu.memory_space<vmem>>) target(%dma_start3A_134 : memref<24x128xf32, #tpu.memory_space<vmem_shared>>) target_semaphore(%run_scoped3A : memref<!tpu.dma_semaphore, #tpu.memory_space<semaphore_mem>>)
      %dma_wait3A_138 = arith.constant 0 : i32
      %dma_wait3A_139 = arith.constant 0 : i32
      %dma_wait3A_140 = tpu.memref_slice %arg18[%dma_wait3A_138, %dma_wait3A_139] : memref<32x128xf32, #tpu.memory_space<vmem>> -> memref<24x128xf32, #tpu.memory_space<vmem>>
      %dma_wait3A_141 = arith.constant 0 : i32
      %dma_wait3A_142 = tpu.memref_slice %arg22[%add3A_105, %dma_wait3A_141] : memref<10112x128xf32, #tpu.memory_space<vmem_shared>> -> memref<24x128xf32, #tpu.memory_space<vmem_shared>>
      %dma_wait3A_143 = arith.constant 0 : i32
      %dma_wait3A_144 = tpu.memref_slice %arg22[%add3A_105, %dma_wait3A_143] : memref<10112x128xf32, #tpu.memory_space<vmem_shared>> -> memref<24x128xf32, #tpu.memory_space<vmem_shared>>
      %dma_wait3A_145 = arith.constant 0 : i32
      %dma_wait3A_146 = arith.constant 0 : i32
      %dma_wait3A_147 = tpu.memref_slice %arg18[%dma_wait3A_145, %dma_wait3A_146] : memref<32x128xf32, #tpu.memory_space<vmem>> -> memref<24x128xf32, #tpu.memory_space<vmem>>
      tpu.wait_dma2 semaphore(%run_scoped3A : memref<!tpu.dma_semaphore, #tpu.memory_space<semaphore_mem>>) src(%dma_wait3A_147 : memref<24x128xf32, #tpu.memory_space<vmem>>) dst(%dma_wait3A_144 : memref<24x128xf32, #tpu.memory_space<vmem_shared>>)
      tpu.yield
    }) : () -> ()
    tpu.wait_dma2 semaphore(%arg32 : memref<!tpu.dma_semaphore, #tpu.memory_space<semaphore_mem>>) src(%arg3 : memref<20016xi32, #tpu.memory_space<hbm>>) dst(%arg21 : memref<20016xi32, #tpu.memory_space<vmem>>)
    %barrier3A = arith.constant 0 : index
    tpu.barrier barrier_id(%barrier3A)
    %scan3A_106 = arith.constant 0 : i32
    %scan3A_107 = arith.constant 0 : i32
    %scan3A_108 = arith.constant 105 : i32
    %scan3A_109 = arith.addi %scan3A_107, %scan3A_108 : i32
    %scan3A_110 = arith.constant 1 : i32
    %scan3A_111 = scf.for %scan3A_128 = %scan3A_107 to %scan3A_109 step %scan3A_110 iter_args(%scan3A_129 = %scan3A_106) -> (i32)  : i32 {
      %mul3A_130 = arith.constant 3 : i32
      %mul3A_131 = arith.muli %scan3A_128, %mul3A_130 : i32
      %add3A_132 = arith.constant 0 : i32
      %add3A_133 = arith.addi %mul3A_131, %add3A_132 : i32
      %ge3A = arith.constant 2 : i32
      %ge3A_134 = arith.cmpi sge, %add3A_133, %ge3A : i32
      %lt3A = arith.constant 315 : i32
      %lt3A_135 = arith.cmpi slt, %add3A_133, %lt3A : i32
      %and3A = arith.andi %ge3A_134, %lt3A_135 : i1
      %convert_element_type3A_136 = arith.extui %and3A : i1 to i32
      %cond3A_137 = arith.constant 0 : i32
      %cond3A_138 = arith.cmpi ne, %convert_element_type3A_136, %cond3A_137 : i32
      scf.if %cond3A_138 {
        %dma_wait3A_179 = arith.constant 0 : i32
        %dma_wait3A_180 = arith.constant 0 : i32
        %dma_wait3A_181 = tpu.memref_slice %arg2[%dma_wait3A_179, %dma_wait3A_180] : memref<80000x128xf32, #tpu.memory_space<hbm>> -> memref<80000x128xf32, #tpu.memory_space<hbm>>
        tpu.wait_indirect_dma semaphore(%arg27 : memref<!tpu.dma_semaphore, #tpu.memory_space<semaphore_mem>>) src(%dma_wait3A_181 : memref<80000x128xf32, #tpu.memory_space<hbm>>) dst(%arg19 : memref<32x128xf32, #tpu.memory_space<vmem>>)
        %scan3A_182 = arith.constant 0 : i32
        %scan3A_183 = arith.constant 0 : i32
        %scan3A_184 = arith.constant 8 : i32
        %scan3A_185 = arith.addi %scan3A_183, %scan3A_184 : i32
        %scan3A_186 = arith.constant 1 : i32
        %scan3A_187 = scf.for %scan3A_192 = %scan3A_183 to %scan3A_185 step %scan3A_186 iter_args(%scan3A_193 = %scan3A_182) -> (i32)  : i32 {
          %mul3A_194 = arith.constant 4 : i32
          %mul3A_195 = arith.muli %scan3A_192, %mul3A_194 : i32
          %add3A_196 = arith.constant 0 : i32
          %add3A_197 = arith.addi %mul3A_195, %add3A_196 : i32
          %get3A = arith.index_cast %add3A_197 : i32 to index
          %get3A_198 = tpu.vector_load %arg16[%get3A] {strides = array<i32>} : memref<48xf32, #tpu.memory_space<vmem>>, vector<16xf32>,
          %slice3A = vector.extract_strided_slice %get3A_198 {offsets = [0], sizes = [1], strides = [1]} : vector<16xf32> to vector<1xf32>
          %squeeze3A = vector.extract %slice3A[0] : f32 from vector<1xf32>
          %get3A_199 = arith.index_cast %add3A_197 : i32 to index
          %get3A_200 = arith.constant 0 : index
          %get3A_201 = tpu.vector_load %arg19[%get3A_199, %get3A_200] {strides = array<i32>} : memref<32x128xf32, #tpu.memory_space<vmem>>, vector<16xf32>,
          %mul3A_202 = vector.broadcast %squeeze3A : f32 to vector<16xf32>
          %mul3A_203 = arith.mulf %get3A_201, %mul3A_202 : vector<16xf32>
          %swap3A = arith.index_cast %add3A_197 : i32 to index
          %swap3A_204 = arith.constant 0 : index
          %swap3A_205 = tpu.vector_load %arg19[%swap3A, %swap3A_204] {strides = array<i32>} : memref<32x128xf32, #tpu.memory_space<vmem>>, vector<16xf32>,
          tpu.vector_store %arg19[%swap3A, %swap3A_204], %mul3A_203 {strides = array<i32>} : memref<32x128xf32, #tpu.memory_space<vmem>>, vector<16xf32>,
          %get3A_206 = arith.index_cast %add3A_197 : i32 to index
          %get3A_207 = arith.constant 16 : index
          %get3A_208 = tpu.vector_load %arg19[%get3A_206, %get3A_207] {strides = array<i32>} : memref<32x128xf32, #tpu.memory_space<vmem>>, vector<16xf32>,
          %mul3A_209 = vector.broadcast %squeeze3A : f32 to vector<16xf32>
          %mul3A_210 = arith.mulf %get3A_208, %mul3A_209 : vector<16xf32>
          %swap3A_211 = arith.index_cast %add3A_197 : i32 to index
          %swap3A_212 = arith.constant 16 : index
          %swap3A_213 = tpu.vector_load %arg19[%swap3A_211, %swap3A_212] {strides = array<i32>} : memref<32x128xf32, #tpu.memory_space<vmem>>, vector<16xf32>,
          tpu.vector_store %arg19[%swap3A_211, %swap3A_212], %mul3A_210 {strides = array<i32>} : memref<32x128xf32, #tpu.memory_space<vmem>>, vector<16xf32>,
          %get3A_214 = arith.index_cast %add3A_197 : i32 to index
          %get3A_215 = arith.constant 32 : index
          %get3A_216 = tpu.vector_load %arg19[%get3A_214, %get3A_215] {strides = array<i32>} : memref<32x128xf32, #tpu.memory_space<vmem>>, vector<16xf32>,
          %mul3A_217 = vector.broadcast %squeeze3A : f32 to vector<16xf32>
          %mul3A_218 = arith.mulf %get3A_216, %mul3A_217 : vector<16xf32>
          %swap3A_219 = arith.index_cast %add3A_197 : i32 to index
          %swap3A_220 = arith.constant 32 : index
          %swap3A_221 = tpu.vector_load %arg19[%swap3A_219, %swap3A_220] {strides = array<i32>} : memref<32x128xf32, #tpu.memory_space<vmem>>, vector<16xf32>,
          tpu.vector_store %arg19[%swap3A_219, %swap3A_220], %mul3A_218 {strides = array<i32>} : memref<32x128xf32, #tpu.memory_space<vmem>>, vector<16xf32>,
          %get3A_222 = arith.index_cast %add3A_197 : i32 to index
          %get3A_223 = arith.constant 48 : index
          %get3A_224 = tpu.vector_load %arg19[%get3A_222, %get3A_223] {strides = array<i32>} : memref<32x128xf32, #tpu.memory_space<vmem>>, vector<16xf32>,
          %mul3A_225 = vector.broadcast %squeeze3A : f32 to vector<16xf32>
          %mul3A_226 = arith.mulf %get3A_224, %mul3A_225 : vector<16xf32>
          %swap3A_227 = arith.index_cast %add3A_197 : i32 to index
          %swap3A_228 = arith.constant 48 : index
          %swap3A_229 = tpu.vector_load %arg19[%swap3A_227, %swap3A_228] {strides = array<i32>} : memref<32x128xf32, #tpu.memory_space<vmem>>, vector<16xf32>,
          tpu.vector_store %arg19[%swap3A_227, %swap3A_228], %mul3A_226 {strides = array<i32>} : memref<32x128xf32, #tpu.memory_space<vmem>>, vector<16xf32>,
          %get3A_230 = arith.index_cast %add3A_197 : i32 to index
          %get3A_231 = arith.constant 64 : index
          %get3A_232 = tpu.vector_load %arg19[%get3A_230, %get3A_231] {strides = array<i32>} : memref<32x128xf32, #tpu.memory_space<vmem>>, vector<16xf32>,
          %mul3A_233 = vector.broadcast %squeeze3A : f32 to vector<16xf32>
          %mul3A_234 = arith.mulf %get3A_232, %mul3A_233 : vector<16xf32>
          %swap3A_235 = arith.index_cast %add3A_197 : i32 to index
          %swap3A_236 = arith.constant 64 : index
          %swap3A_237 = tpu.vector_load %arg19[%swap3A_235, %swap3A_236] {strides = array<i32>} : memref<32x128xf32, #tpu.memory_space<vmem>>, vector<16xf32>,
          tpu.vector_store %arg19[%swap3A_235, %swap3A_236], %mul3A_234 {strides = array<i32>} : memref<32x128xf32, #tpu.memory_space<vmem>>, vector<16xf32>,
          %get3A_238 = arith.index_cast %add3A_197 : i32 to index
          %get3A_239 = arith.constant 80 : index
          %get3A_240 = tpu.vector_load %arg19[%get3A_238, %get3A_239] {strides = array<i32>} : memref<32x128xf32, #tpu.memory_space<vmem>>, vector<16xf32>,
          %mul3A_241 = vector.broadcast %squeeze3A : f32 to vector<16xf32>
          %mul3A_242 = arith.mulf %get3A_240, %mul3A_241 : vector<16xf32>
          %swap3A_243 = arith.index_cast %add3A_197 : i32 to index
          %swap3A_244 = arith.constant 80 : index
          %swap3A_245 = tpu.vector_load %arg19[%swap3A_243, %swap3A_244] {strides = array<i32>} : memref<32x128xf32, #tpu.memory_space<vmem>>, vector<16xf32>,
          tpu.vector_store %arg19[%swap3A_243, %swap3A_244], %mul3A_242 {strides = array<i32>} : memref<32x128xf32, #tpu.memory_space<vmem>>, vector<16xf32>,
          %get3A_246 = arith.index_cast %add3A_197 : i32 to index
          %get3A_247 = arith.constant 96 : index
          %get3A_248 = tpu.vector_load %arg19[%get3A_246, %get3A_247] {strides = array<i32>} : memref<32x128xf32, #tpu.memory_space<vmem>>, vector<16xf32>,
          %mul3A_249 = vector.broadcast %squeeze3A : f32 to vector<16xf32>
          %mul3A_250 = arith.mulf %get3A_248, %mul3A_249 : vector<16xf32>
          %swap3A_251 = arith.index_cast %add3A_197 : i32 to index
          %swap3A_252 = arith.constant 96 : index
          %swap3A_253 = tpu.vector_load %arg19[%swap3A_251, %swap3A_252] {strides = array<i32>} : memref<32x128xf32, #tpu.memory_space<vmem>>, vector<16xf32>,
          tpu.vector_store %arg19[%swap3A_251, %swap3A_252], %mul3A_250 {strides = array<i32>} : memref<32x128xf32, #tpu.memory_space<vmem>>, vector<16xf32>,
          %get3A_254 = arith.index_cast %add3A_197 : i32 to index
          %get3A_255 = arith.constant 112 : index
          %get3A_256 = tpu.vector_load %arg19[%get3A_254, %get3A_255] {strides = array<i32>} : memref<32x128xf32, #tpu.memory_space<vmem>>, vector<16xf32>,
          %mul3A_257 = vector.broadcast %squeeze3A : f32 to vector<16xf32>
          %mul3A_258 = arith.mulf %get3A_256, %mul3A_257 : vector<16xf32>
          %swap3A_259 = arith.index_cast %add3A_197 : i32 to index
          %swap3A_260 = arith.constant 112 : index
          %swap3A_261 = tpu.vector_load %arg19[%swap3A_259, %swap3A_260] {strides = array<i32>} : memref<32x128xf32, #tpu.memory_space<vmem>>, vector<16xf32>,
          tpu.vector_store %arg19[%swap3A_259, %swap3A_260], %mul3A_258 {strides = array<i32>} : memref<32x128xf32, #tpu.memory_space<vmem>>, vector<16xf32>,
          %mul3A_262 = arith.constant 4 : i32
          %mul3A_263 = arith.muli %scan3A_192, %mul3A_262 : i32
          %add3A_264 = arith.constant 1 : i32
          %add3A_265 = arith.addi %mul3A_263, %add3A_264 : i32
          %get3A_266 = arith.index_cast %add3A_265 : i32 to index
          %get3A_267 = tpu.vector_load %arg16[%get3A_266] {strides = array<i32>} : memref<48xf32, #tpu.memory_space<vmem>>, vector<16xf32>,
          %slice3A_268 = vector.extract_strided_slice %get3A_267 {offsets = [0], sizes = [1], strides = [1]} : vector<16xf32> to vector<1xf32>
          %squeeze3A_269 = vector.extract %slice3A_268[0] : f32 from vector<1xf32>
          %get3A_270 = arith.index_cast %add3A_265 : i32 to index
          %get3A_271 = arith.constant 0 : index
          %get3A_272 = tpu.vector_load %arg19[%get3A_270, %get3A_271] {strides = array<i32>} : memref<32x128xf32, #tpu.memory_space<vmem>>, vector<16xf32>,
          %mul3A_273 = vector.broadcast %squeeze3A_269 : f32 to vector<16xf32>
          %mul3A_274 = arith.mulf %get3A_272, %mul3A_273 : vector<16xf32>
          %swap3A_275 = arith.index_cast %add3A_265 : i32 to index
          %swap3A_276 = arith.constant 0 : index
          %swap3A_277 = tpu.vector_load %arg19[%swap3A_275, %swap3A_276] {strides = array<i32>} : memref<32x128xf32, #tpu.memory_space<vmem>>, vector<16xf32>,
          tpu.vector_store %arg19[%swap3A_275, %swap3A_276], %mul3A_274 {strides = array<i32>} : memref<32x128xf32, #tpu.memory_space<vmem>>, vector<16xf32>,
          %get3A_278 = arith.index_cast %add3A_265 : i32 to index
          %get3A_279 = arith.constant 16 : index
          %get3A_280 = tpu.vector_load %arg19[%get3A_278, %get3A_279] {strides = array<i32>} : memref<32x128xf32, #tpu.memory_space<vmem>>, vector<16xf32>,
          %mul3A_281 = vector.broadcast %squeeze3A_269 : f32 to vector<16xf32>
          %mul3A_282 = arith.mulf %get3A_280, %mul3A_281 : vector<16xf32>
          %swap3A_283 = arith.index_cast %add3A_265 : i32 to index
          %swap3A_284 = arith.constant 16 : index
          %swap3A_285 = tpu.vector_load %arg19[%swap3A_283, %swap3A_284] {strides = array<i32>} : memref<32x128xf32, #tpu.memory_space<vmem>>, vector<16xf32>,
          tpu.vector_store %arg19[%swap3A_283, %swap3A_284], %mul3A_282 {strides = array<i32>} : memref<32x128xf32, #tpu.memory_space<vmem>>, vector<16xf32>,
          %get3A_286 = arith.index_cast %add3A_265 : i32 to index
          %get3A_287 = arith.constant 32 : index
          %get3A_288 = tpu.vector_load %arg19[%get3A_286, %get3A_287] {strides = array<i32>} : memref<32x128xf32, #tpu.memory_space<vmem>>, vector<16xf32>,
          %mul3A_289 = vector.broadcast %squeeze3A_269 : f32 to vector<16xf32>
          %mul3A_290 = arith.mulf %get3A_288, %mul3A_289 : vector<16xf32>
          %swap3A_291 = arith.index_cast %add3A_265 : i32 to index
          %swap3A_292 = arith.constant 32 : index
          %swap3A_293 = tpu.vector_load %arg19[%swap3A_291, %swap3A_292] {strides = array<i32>} : memref<32x128xf32, #tpu.memory_space<vmem>>, vector<16xf32>,
          tpu.vector_store %arg19[%swap3A_291, %swap3A_292], %mul3A_290 {strides = array<i32>} : memref<32x128xf32, #tpu.memory_space<vmem>>, vector<16xf32>,
          %get3A_294 = arith.index_cast %add3A_265 : i32 to index
          %get3A_295 = arith.constant 48 : index
          %get3A_296 = tpu.vector_load %arg19[%get3A_294, %get3A_295] {strides = array<i32>} : memref<32x128xf32, #tpu.memory_space<vmem>>, vector<16xf32>,
          %mul3A_297 = vector.broadcast %squeeze3A_269 : f32 to vector<16xf32>
          %mul3A_298 = arith.mulf %get3A_296, %mul3A_297 : vector<16xf32>
          %swap3A_299 = arith.index_cast %add3A_265 : i32 to index
          %swap3A_300 = arith.constant 48 : index
          %swap3A_301 = tpu.vector_load %arg19[%swap3A_299, %swap3A_300] {strides = array<i32>} : memref<32x128xf32, #tpu.memory_space<vmem>>, vector<16xf32>,
          tpu.vector_store %arg19[%swap3A_299, %swap3A_300], %mul3A_298 {strides = array<i32>} : memref<32x128xf32, #tpu.memory_space<vmem>>, vector<16xf32>,
          %get3A_302 = arith.index_cast %add3A_265 : i32 to index
          %get3A_303 = arith.constant 64 : index
          %get3A_304 = tpu.vector_load %arg19[%get3A_302, %get3A_303] {strides = array<i32>} : memref<32x128xf32, #tpu.memory_space<vmem>>, vector<16xf32>,
          %mul3A_305 = vector.broadcast %squeeze3A_269 : f32 to vector<16xf32>
          %mul3A_306 = arith.mulf %get3A_304, %mul3A_305 : vector<16xf32>
          %swap3A_307 = arith.index_cast %add3A_265 : i32 to index
          %swap3A_308 = arith.constant 64 : index
          %swap3A_309 = tpu.vector_load %arg19[%swap3A_307, %swap3A_308] {strides = array<i32>} : memref<32x128xf32, #tpu.memory_space<vmem>>, vector<16xf32>,
          tpu.vector_store %arg19[%swap3A_307, %swap3A_308], %mul3A_306 {strides = array<i32>} : memref<32x128xf32, #tpu.memory_space<vmem>>, vector<16xf32>,
          %get3A_310 = arith.index_cast %add3A_265 : i32 to index
          %get3A_311 = arith.constant 80 : index
          %get3A_312 = tpu.vector_load %arg19[%get3A_310, %get3A_311] {strides = array<i32>} : memref<32x128xf32, #tpu.memory_space<vmem>>, vector<16xf32>,
          %mul3A_313 = vector.broadcast %squeeze3A_269 : f32 to vector<16xf32>
          %mul3A_314 = arith.mulf %get3A_312, %mul3A_313 : vector<16xf32>
          %swap3A_315 = arith.index_cast %add3A_265 : i32 to index
          %swap3A_316 = arith.constant 80 : index
          %swap3A_317 = tpu.vector_load %arg19[%swap3A_315, %swap3A_316] {strides = array<i32>} : memref<32x128xf32, #tpu.memory_space<vmem>>, vector<16xf32>,
          tpu.vector_store %arg19[%swap3A_315, %swap3A_316], %mul3A_314 {strides = array<i32>} : memref<32x128xf32, #tpu.memory_space<vmem>>, vector<16xf32>,
          %get3A_318 = arith.index_cast %add3A_265 : i32 to index
          %get3A_319 = arith.constant 96 : index
          %get3A_320 = tpu.vector_load %arg19[%get3A_318, %get3A_319] {strides = array<i32>} : memref<32x128xf32, #tpu.memory_space<vmem>>, vector<16xf32>,
          %mul3A_321 = vector.broadcast %squeeze3A_269 : f32 to vector<16xf32>
          %mul3A_322 = arith.mulf %get3A_320, %mul3A_321 : vector<16xf32>
          %swap3A_323 = arith.index_cast %add3A_265 : i32 to index
          %swap3A_324 = arith.constant 96 : index
          %swap3A_325 = tpu.vector_load %arg19[%swap3A_323, %swap3A_324] {strides = array<i32>} : memref<32x128xf32, #tpu.memory_space<vmem>>, vector<16xf32>,
          tpu.vector_store %arg19[%swap3A_323, %swap3A_324], %mul3A_322 {strides = array<i32>} : memref<32x128xf32, #tpu.memory_space<vmem>>, vector<16xf32>,
          %get3A_326 = arith.index_cast %add3A_265 : i32 to index
          %get3A_327 = arith.constant 112 : index
          %get3A_328 = tpu.vector_load %arg19[%get3A_326, %get3A_327] {strides = array<i32>} : memref<32x128xf32, #tpu.memory_space<vmem>>, vector<16xf32>,
          %mul3A_329 = vector.broadcast %squeeze3A_269 : f32 to vector<16xf32>
          %mul3A_330 = arith.mulf %get3A_328, %mul3A_329 : vector<16xf32>
          %swap3A_331 = arith.index_cast %add3A_265 : i32 to index
          %swap3A_332 = arith.constant 112 : index
          %swap3A_333 = tpu.vector_load %arg19[%swap3A_331, %swap3A_332] {strides = array<i32>} : memref<32x128xf32, #tpu.memory_space<vmem>>, vector<16xf32>,
          tpu.vector_store %arg19[%swap3A_331, %swap3A_332], %mul3A_330 {strides = array<i32>} : memref<32x128xf32, #tpu.memory_space<vmem>>, vector<16xf32>,
          %mul3A_334 = arith.constant 4 : i32
          %mul3A_335 = arith.muli %scan3A_192, %mul3A_334 : i32
          %add3A_336 = arith.constant 2 : i32
          %add3A_337 = arith.addi %mul3A_335, %add3A_336 : i32
          %get3A_338 = arith.index_cast %add3A_337 : i32 to index
          %get3A_339 = tpu.vector_load %arg16[%get3A_338] {strides = array<i32>} : memref<48xf32, #tpu.memory_space<vmem>>, vector<16xf32>,
          %slice3A_340 = vector.extract_strided_slice %get3A_339 {offsets = [0], sizes = [1], strides = [1]} : vector<16xf32> to vector<1xf32>
          %squeeze3A_341 = vector.extract %slice3A_340[0] : f32 from vector<1xf32>
          %get3A_342 = arith.index_cast %add3A_337 : i32 to index
          %get3A_343 = arith.constant 0 : index
          %get3A_344 = tpu.vector_load %arg19[%get3A_342, %get3A_343] {strides = array<i32>} : memref<32x128xf32, #tpu.memory_space<vmem>>, vector<16xf32>,
          %mul3A_345 = vector.broadcast %squeeze3A_341 : f32 to vector<16xf32>
          %mul3A_346 = arith.mulf %get3A_344, %mul3A_345 : vector<16xf32>
          %swap3A_347 = arith.index_cast %add3A_337 : i32 to index
          %swap3A_348 = arith.constant 0 : index
          %swap3A_349 = tpu.vector_load %arg19[%swap3A_347, %swap3A_348] {strides = array<i32>} : memref<32x128xf32, #tpu.memory_space<vmem>>, vector<16xf32>,
          tpu.vector_store %arg19[%swap3A_347, %swap3A_348], %mul3A_346 {strides = array<i32>} : memref<32x128xf32, #tpu.memory_space<vmem>>, vector<16xf32>,
          %get3A_350 = arith.index_cast %add3A_337 : i32 to index
          %get3A_351 = arith.constant 16 : index
          %get3A_352 = tpu.vector_load %arg19[%get3A_350, %get3A_351] {strides = array<i32>} : memref<32x128xf32, #tpu.memory_space<vmem>>, vector<16xf32>,
          %mul3A_353 = vector.broadcast %squeeze3A_341 : f32 to vector<16xf32>
          %mul3A_354 = arith.mulf %get3A_352, %mul3A_353 : vector<16xf32>
          %swap3A_355 = arith.index_cast %add3A_337 : i32 to index
          %swap3A_356 = arith.constant 16 : index
          %swap3A_357 = tpu.vector_load %arg19[%swap3A_355, %swap3A_356] {strides = array<i32>} : memref<32x128xf32, #tpu.memory_space<vmem>>, vector<16xf32>,
          tpu.vector_store %arg19[%swap3A_355, %swap3A_356], %mul3A_354 {strides = array<i32>} : memref<32x128xf32, #tpu.memory_space<vmem>>, vector<16xf32>,
          %get3A_358 = arith.index_cast %add3A_337 : i32 to index
          %get3A_359 = arith.constant 32 : index
          %get3A_360 = tpu.vector_load %arg19[%get3A_358, %get3A_359] {strides = array<i32>} : memref<32x128xf32, #tpu.memory_space<vmem>>, vector<16xf32>,
          %mul3A_361 = vector.broadcast %squeeze3A_341 : f32 to vector<16xf32>
          %mul3A_362 = arith.mulf %get3A_360, %mul3A_361 : vector<16xf32>
          %swap3A_363 = arith.index_cast %add3A_337 : i32 to index
          %swap3A_364 = arith.constant 32 : index
          %swap3A_365 = tpu.vector_load %arg19[%swap3A_363, %swap3A_364] {strides = array<i32>} : memref<32x128xf32, #tpu.memory_space<vmem>>, vector<16xf32>,
          tpu.vector_store %arg19[%swap3A_363, %swap3A_364], %mul3A_362 {strides = array<i32>} : memref<32x128xf32, #tpu.memory_space<vmem>>, vector<16xf32>,
          %get3A_366 = arith.index_cast %add3A_337 : i32 to index
          %get3A_367 = arith.constant 48 : index
          %get3A_368 = tpu.vector_load %arg19[%get3A_366, %get3A_367] {strides = array<i32>} : memref<32x128xf32, #tpu.memory_space<vmem>>, vector<16xf32>,
          %mul3A_369 = vector.broadcast %squeeze3A_341 : f32 to vector<16xf32>
          %mul3A_370 = arith.mulf %get3A_368, %mul3A_369 : vector<16xf32>
          %swap3A_371 = arith.index_cast %add3A_337 : i32 to index
          %swap3A_372 = arith.constant 48 : index
          %swap3A_373 = tpu.vector_load %arg19[%swap3A_371, %swap3A_372] {strides = array<i32>} : memref<32x128xf32, #tpu.memory_space<vmem>>, vector<16xf32>,
          tpu.vector_store %arg19[%swap3A_371, %swap3A_372], %mul3A_370 {strides = array<i32>} : memref<32x128xf32, #tpu.memory_space<vmem>>, vector<16xf32>,
          %get3A_374 = arith.index_cast %add3A_337 : i32 to index
          %get3A_375 = arith.constant 64 : index
          %get3A_376 = tpu.vector_load %arg19[%get3A_374, %get3A_375] {strides = array<i32>} : memref<32x128xf32, #tpu.memory_space<vmem>>, vector<16xf32>,
          %mul3A_377 = vector.broadcast %squeeze3A_341 : f32 to vector<16xf32>
          %mul3A_378 = arith.mulf %get3A_376, %mul3A_377 : vector<16xf32>
          %swap3A_379 = arith.index_cast %add3A_337 : i32 to index
          %swap3A_380 = arith.constant 64 : index
          %swap3A_381 = tpu.vector_load %arg19[%swap3A_379, %swap3A_380] {strides = array<i32>} : memref<32x128xf32, #tpu.memory_space<vmem>>, vector<16xf32>,
          tpu.vector_store %arg19[%swap3A_379, %swap3A_380], %mul3A_378 {strides = array<i32>} : memref<32x128xf32, #tpu.memory_space<vmem>>, vector<16xf32>,
          %get3A_382 = arith.index_cast %add3A_337 : i32 to index
          %get3A_383 = arith.constant 80 : index
          %get3A_384 = tpu.vector_load %arg19[%get3A_382, %get3A_383] {strides = array<i32>} : memref<32x128xf32, #tpu.memory_space<vmem>>, vector<16xf32>,
          %mul3A_385 = vector.broadcast %squeeze3A_341 : f32 to vector<16xf32>
          %mul3A_386 = arith.mulf %get3A_384, %mul3A_385 : vector<16xf32>
          %swap3A_387 = arith.index_cast %add3A_337 : i32 to index
          %swap3A_388 = arith.constant 80 : index
          %swap3A_389 = tpu.vector_load %arg19[%swap3A_387, %swap3A_388] {strides = array<i32>} : memref<32x128xf32, #tpu.memory_space<vmem>>, vector<16xf32>,
          tpu.vector_store %arg19[%swap3A_387, %swap3A_388], %mul3A_386 {strides = array<i32>} : memref<32x128xf32, #tpu.memory_space<vmem>>, vector<16xf32>,
          %get3A_390 = arith.index_cast %add3A_337 : i32 to index
          %get3A_391 = arith.constant 96 : index
          %get3A_392 = tpu.vector_load %arg19[%get3A_390, %get3A_391] {strides = array<i32>} : memref<32x128xf32, #tpu.memory_space<vmem>>, vector<16xf32>,
          %mul3A_393 = vector.broadcast %squeeze3A_341 : f32 to vector<16xf32>
          %mul3A_394 = arith.mulf %get3A_392, %mul3A_393 : vector<16xf32>
          %swap3A_395 = arith.index_cast %add3A_337 : i32 to index
          %swap3A_396 = arith.constant 96 : index
          %swap3A_397 = tpu.vector_load %arg19[%swap3A_395, %swap3A_396] {strides = array<i32>} : memref<32x128xf32, #tpu.memory_space<vmem>>, vector<16xf32>,
          tpu.vector_store %arg19[%swap3A_395, %swap3A_396], %mul3A_394 {strides = array<i32>} : memref<32x128xf32, #tpu.memory_space<vmem>>, vector<16xf32>,
          %get3A_398 = arith.index_cast %add3A_337 : i32 to index
          %get3A_399 = arith.constant 112 : index
          %get3A_400 = tpu.vector_load %arg19[%get3A_398, %get3A_399] {strides = array<i32>} : memref<32x128xf32, #tpu.memory_space<vmem>>, vector<16xf32>,
          %mul3A_401 = vector.broadcast %squeeze3A_341 : f32 to vector<16xf32>
          %mul3A_402 = arith.mulf %get3A_400, %mul3A_401 : vector<16xf32>
          %swap3A_403 = arith.index_cast %add3A_337 : i32 to index
          %swap3A_404 = arith.constant 112 : index
          %swap3A_405 = tpu.vector_load %arg19[%swap3A_403, %swap3A_404] {strides = array<i32>} : memref<32x128xf32, #tpu.memory_space<vmem>>, vector<16xf32>,
          tpu.vector_store %arg19[%swap3A_403, %swap3A_404], %mul3A_402 {strides = array<i32>} : memref<32x128xf32, #tpu.memory_space<vmem>>, vector<16xf32>,
          %mul3A_406 = arith.constant 4 : i32
          %mul3A_407 = arith.muli %scan3A_192, %mul3A_406 : i32
          %add3A_408 = arith.constant 3 : i32
          %add3A_409 = arith.addi %mul3A_407, %add3A_408 : i32
          %get3A_410 = arith.index_cast %add3A_409 : i32 to index
          %get3A_411 = tpu.vector_load %arg16[%get3A_410] {strides = array<i32>} : memref<48xf32, #tpu.memory_space<vmem>>, vector<16xf32>,
          %slice3A_412 = vector.extract_strided_slice %get3A_411 {offsets = [0], sizes = [1], strides = [1]} : vector<16xf32> to vector<1xf32>
          %squeeze3A_413 = vector.extract %slice3A_412[0] : f32 from vector<1xf32>
          %get3A_414 = arith.index_cast %add3A_409 : i32 to index
          %get3A_415 = arith.constant 0 : index
          %get3A_416 = tpu.vector_load %arg19[%get3A_414, %get3A_415] {strides = array<i32>} : memref<32x128xf32, #tpu.memory_space<vmem>>, vector<16xf32>,
          %mul3A_417 = vector.broadcast %squeeze3A_413 : f32 to vector<16xf32>
          %mul3A_418 = arith.mulf %get3A_416, %mul3A_417 : vector<16xf32>
          %swap3A_419 = arith.index_cast %add3A_409 : i32 to index
          %swap3A_420 = arith.constant 0 : index
          %swap3A_421 = tpu.vector_load %arg19[%swap3A_419, %swap3A_420] {strides = array<i32>} : memref<32x128xf32, #tpu.memory_space<vmem>>, vector<16xf32>,
          tpu.vector_store %arg19[%swap3A_419, %swap3A_420], %mul3A_418 {strides = array<i32>} : memref<32x128xf32, #tpu.memory_space<vmem>>, vector<16xf32>,
          %get3A_422 = arith.index_cast %add3A_409 : i32 to index
          %get3A_423 = arith.constant 16 : index
          %get3A_424 = tpu.vector_load %arg19[%get3A_422, %get3A_423] {strides = array<i32>} : memref<32x128xf32, #tpu.memory_space<vmem>>, vector<16xf32>,
          %mul3A_425 = vector.broadcast %squeeze3A_413 : f32 to vector<16xf32>
          %mul3A_426 = arith.mulf %get3A_424, %mul3A_425 : vector<16xf32>
          %swap3A_427 = arith.index_cast %add3A_409 : i32 to index
          %swap3A_428 = arith.constant 16 : index
          %swap3A_429 = tpu.vector_load %arg19[%swap3A_427, %swap3A_428] {strides = array<i32>} : memref<32x128xf32, #tpu.memory_space<vmem>>, vector<16xf32>,
          tpu.vector_store %arg19[%swap3A_427, %swap3A_428], %mul3A_426 {strides = array<i32>} : memref<32x128xf32, #tpu.memory_space<vmem>>, vector<16xf32>,
          %get3A_430 = arith.index_cast %add3A_409 : i32 to index
          %get3A_431 = arith.constant 32 : index
          %get3A_432 = tpu.vector_load %arg19[%get3A_430, %get3A_431] {strides = array<i32>} : memref<32x128xf32, #tpu.memory_space<vmem>>, vector<16xf32>,
          %mul3A_433 = vector.broadcast %squeeze3A_413 : f32 to vector<16xf32>
          %mul3A_434 = arith.mulf %get3A_432, %mul3A_433 : vector<16xf32>
          %swap3A_435 = arith.index_cast %add3A_409 : i32 to index
          %swap3A_436 = arith.constant 32 : index
          %swap3A_437 = tpu.vector_load %arg19[%swap3A_435, %swap3A_436] {strides = array<i32>} : memref<32x128xf32, #tpu.memory_space<vmem>>, vector<16xf32>,
          tpu.vector_store %arg19[%swap3A_435, %swap3A_436], %mul3A_434 {strides = array<i32>} : memref<32x128xf32, #tpu.memory_space<vmem>>, vector<16xf32>,
          %get3A_438 = arith.index_cast %add3A_409 : i32 to index
          %get3A_439 = arith.constant 48 : index
          %get3A_440 = tpu.vector_load %arg19[%get3A_438, %get3A_439] {strides = array<i32>} : memref<32x128xf32, #tpu.memory_space<vmem>>, vector<16xf32>,
          %mul3A_441 = vector.broadcast %squeeze3A_413 : f32 to vector<16xf32>
          %mul3A_442 = arith.mulf %get3A_440, %mul3A_441 : vector<16xf32>
          %swap3A_443 = arith.index_cast %add3A_409 : i32 to index
          %swap3A_444 = arith.constant 48 : index
          %swap3A_445 = tpu.vector_load %arg19[%swap3A_443, %swap3A_444] {strides = array<i32>} : memref<32x128xf32, #tpu.memory_space<vmem>>, vector<16xf32>,
          tpu.vector_store %arg19[%swap3A_443, %swap3A_444], %mul3A_442 {strides = array<i32>} : memref<32x128xf32, #tpu.memory_space<vmem>>, vector<16xf32>,
          %get3A_446 = arith.index_cast %add3A_409 : i32 to index
          %get3A_447 = arith.constant 64 : index
          %get3A_448 = tpu.vector_load %arg19[%get3A_446, %get3A_447] {strides = array<i32>} : memref<32x128xf32, #tpu.memory_space<vmem>>, vector<16xf32>,
          %mul3A_449 = vector.broadcast %squeeze3A_413 : f32 to vector<16xf32>
          %mul3A_450 = arith.mulf %get3A_448, %mul3A_449 : vector<16xf32>
          %swap3A_451 = arith.index_cast %add3A_409 : i32 to index
          %swap3A_452 = arith.constant 64 : index
          %swap3A_453 = tpu.vector_load %arg19[%swap3A_451, %swap3A_452] {strides = array<i32>} : memref<32x128xf32, #tpu.memory_space<vmem>>, vector<16xf32>,
          tpu.vector_store %arg19[%swap3A_451, %swap3A_452], %mul3A_450 {strides = array<i32>} : memref<32x128xf32, #tpu.memory_space<vmem>>, vector<16xf32>,
          %get3A_454 = arith.index_cast %add3A_409 : i32 to index
          %get3A_455 = arith.constant 80 : index
          %get3A_456 = tpu.vector_load %arg19[%get3A_454, %get3A_455] {strides = array<i32>} : memref<32x128xf32, #tpu.memory_space<vmem>>, vector<16xf32>,
          %mul3A_457 = vector.broadcast %squeeze3A_413 : f32 to vector<16xf32>
          %mul3A_458 = arith.mulf %get3A_456, %mul3A_457 : vector<16xf32>
          %swap3A_459 = arith.index_cast %add3A_409 : i32 to index
          %swap3A_460 = arith.constant 80 : index
          %swap3A_461 = tpu.vector_load %arg19[%swap3A_459, %swap3A_460] {strides = array<i32>} : memref<32x128xf32, #tpu.memory_space<vmem>>, vector<16xf32>,
          tpu.vector_store %arg19[%swap3A_459, %swap3A_460], %mul3A_458 {strides = array<i32>} : memref<32x128xf32, #tpu.memory_space<vmem>>, vector<16xf32>,
          %get3A_462 = arith.index_cast %add3A_409 : i32 to index
          %get3A_463 = arith.constant 96 : index
          %get3A_464 = tpu.vector_load %arg19[%get3A_462, %get3A_463] {strides = array<i32>} : memref<32x128xf32, #tpu.memory_space<vmem>>, vector<16xf32>,
          %mul3A_465 = vector.broadcast %squeeze3A_413 : f32 to vector<16xf32>
          %mul3A_466 = arith.mulf %get3A_464, %mul3A_465 : vector<16xf32>
          %swap3A_467 = arith.index_cast %add3A_409 : i32 to index
          %swap3A_468 = arith.constant 96 : index
          %swap3A_469 = tpu.vector_load %arg19[%swap3A_467, %swap3A_468] {strides = array<i32>} : memref<32x128xf32, #tpu.memory_space<vmem>>, vector<16xf32>,
          tpu.vector_store %arg19[%swap3A_467, %swap3A_468], %mul3A_466 {strides = array<i32>} : memref<32x128xf32, #tpu.memory_space<vmem>>, vector<16xf32>,
          %get3A_470 = arith.index_cast %add3A_409 : i32 to index
          %get3A_471 = arith.constant 112 : index
          %get3A_472 = tpu.vector_load %arg19[%get3A_470, %get3A_471] {strides = array<i32>} : memref<32x128xf32, #tpu.memory_space<vmem>>, vector<16xf32>,
          %mul3A_473 = vector.broadcast %squeeze3A_413 : f32 to vector<16xf32>
          %mul3A_474 = arith.mulf %get3A_472, %mul3A_473 : vector<16xf32>
          %swap3A_475 = arith.index_cast %add3A_409 : i32 to index
          %swap3A_476 = arith.constant 112 : index
          %swap3A_477 = tpu.vector_load %arg19[%swap3A_475, %swap3A_476] {strides = array<i32>} : memref<32x128xf32, #tpu.memory_space<vmem>>, vector<16xf32>,
          tpu.vector_store %arg19[%swap3A_475, %swap3A_476], %mul3A_474 {strides = array<i32>} : memref<32x128xf32, #tpu.memory_space<vmem>>, vector<16xf32>,
          %scan3A_478 = arith.constant 0 : i32
          scf.yield %scan3A_478 : i32
        }
        %scan3A_188 = arith.constant 8 : i32
        %dma_start3A_189 = arith.constant 0 : i32
        %dma_start3A_190 = arith.constant 0 : i32
        %dma_start3A_191 = tpu.memref_slice %arg22[%dma_start3A_189, %dma_start3A_190] : memref<10112x128xf32, #tpu.memory_space<vmem_shared>> -> memref<10112x128xf32, #tpu.memory_space<vmem_shared>>
        tpu.enqueue_indirect_dma source(%arg19 : memref<32x128xf32, #tpu.memory_space<vmem>>) target(%dma_start3A_191 : memref<10112x128xf32, #tpu.memory_space<vmem_shared>>) offsets(%arg13 : memref<32xi32, #tpu.memory_space<vmem>>) semaphore(%arg30 : memref<!tpu.dma_semaphore, #tpu.memory_space<semaphore_mem>>) {add = true}
      } else {
      }
      %lt3A_139 = arith.constant 313 : i32
      %lt3A_140 = arith.cmpi slt, %add3A_133, %lt3A_139 : i32
      %convert_element_type3A_141 = arith.extui %lt3A_140 : i1 to i32
      %cond3A_142 = arith.constant 0 : i32
      %cond3A_143 = arith.cmpi ne, %convert_element_type3A_141, %cond3A_142 : i32
      scf.if %cond3A_143 {
        %ge3A_179 = arith.constant 3 : i32
        %ge3A_180 = arith.cmpi sge, %add3A_133, %ge3A_179 : i32
        %convert_element_type3A_181 = arith.extui %ge3A_180 : i1 to i32
        %cond3A_182 = arith.constant 0 : i32
        %cond3A_183 = arith.cmpi ne, %convert_element_type3A_181, %cond3A_182 : i32
        scf.if %cond3A_183 {
          %dma_wait3A_295 = arith.constant 0 : i32
          %dma_wait3A_296 = arith.constant 0 : i32
          %dma_wait3A_297 = tpu.memref_slice %arg22[%dma_wait3A_295, %dma_wait3A_296] : memref<10112x128xf32, #tpu.memory_space<vmem_shared>> -> memref<10112x128xf32, #tpu.memory_space<vmem_shared>>
          tpu.wait_indirect_dma semaphore(%arg29 : memref<!tpu.dma_semaphore, #tpu.memory_space<semaphore_mem>>) src(%arg18 : memref<32x128xf32, #tpu.memory_space<vmem>>) dst(%dma_wait3A_297 : memref<10112x128xf32, #tpu.memory_space<vmem_shared>>)
        } else {
        }
        %add3A_184 = arith.addi %mul3A_2, %add3A_133 : i32
        %dma_wait3A_185 = arith.constant 0 : i32
        %dma_wait3A_186 = arith.constant 0 : i32
        %dma_wait3A_187 = tpu.memref_slice %arg4[%add3A_184, %dma_wait3A_185, %dma_wait3A_186] : memref<10016x3x32xi32, #tpu.memory_space<hbm>> -> memref<1x3x32xi32, #tpu.memory_space<hbm>>
        %dma_wait3A_188 = tpu.memref_squeeze %dma_wait3A_187 : memref<1x3x32xi32, #tpu.memory_space<hbm>> -> memref<3x32xi32, #tpu.memory_space<hbm>>
        %dma_wait3A_189 = arith.constant 0 : i32
        %dma_wait3A_190 = arith.constant 0 : i32
        %dma_wait3A_191 = tpu.memref_slice %arg4[%add3A_184, %dma_wait3A_189, %dma_wait3A_190] : memref<10016x3x32xi32, #tpu.memory_space<hbm>> -> memref<1x3x32xi32, #tpu.memory_space<hbm>>
        %dma_wait3A_192 = tpu.memref_squeeze %dma_wait3A_191 : memref<1x3x32xi32, #tpu.memory_space<hbm>> -> memref<3x32xi32, #tpu.memory_space<hbm>>
        tpu.wait_dma2 semaphore(%arg23 : memref<!tpu.dma_semaphore, #tpu.memory_space<semaphore_mem>>) src(%dma_wait3A_192 : memref<3x32xi32, #tpu.memory_space<hbm>>) dst(%arg6 : memref<3x32xi32, #tpu.memory_space<vmem>>)
        %get3A = arith.constant 2 : i32
        %get3A_193 = arith.index_cast %get3A : i32 to index
        %get3A_194 = arith.constant 0 : index
        %get3A_195 = tpu.vector_load %arg6[%get3A_193, %get3A_194] {strides = array<i32>} : memref<3x32xi32, #tpu.memory_space<vmem>>, vector<16xi32>,
        %mul3A_196 = arith.constant 10000 : i32
        %mul3A_197 = vector.broadcast %mul3A_196 : i32 to vector<16xi32>
        %mul3A_198 = arith.muli %get3A_195, %mul3A_197 : vector<16xi32>
        %get3A_199 = arith.constant 0 : i32
        %get3A_200 = arith.index_cast %get3A_199 : i32 to index
        %get3A_201 = arith.constant 0 : index
        %get3A_202 = tpu.vector_load %arg6[%get3A_200, %get3A_201] {strides = array<i32>} : memref<3x32xi32, #tpu.memory_space<vmem>>, vector<16xi32>,
        %add3A_203 = arith.addi %mul3A_198, %get3A_202 : vector<16xi32>
        %swap3A = arith.constant 0 : index
        %swap3A_204 = tpu.vector_load %arg9[%swap3A] {strides = array<i32>} : memref<32xi32, #tpu.memory_space<vmem>>, vector<16xi32>,
        tpu.vector_store %arg9[%swap3A], %add3A_203 {strides = array<i32>} : memref<32xi32, #tpu.memory_space<vmem>>, vector<16xi32>,
        %get3A_205 = arith.constant 2 : i32
        %get3A_206 = arith.index_cast %get3A_205 : i32 to index
        %get3A_207 = arith.constant 16 : index
        %get3A_208 = tpu.vector_load %arg6[%get3A_206, %get3A_207] {strides = array<i32>} : memref<3x32xi32, #tpu.memory_space<vmem>>, vector<16xi32>,
        %mul3A_209 = arith.constant 10000 : i32
        %mul3A_210 = vector.broadcast %mul3A_209 : i32 to vector<16xi32>
        %mul3A_211 = arith.muli %get3A_208, %mul3A_210 : vector<16xi32>
        %get3A_212 = arith.constant 0 : i32
        %get3A_213 = arith.index_cast %get3A_212 : i32 to index
        %get3A_214 = arith.constant 16 : index
        %get3A_215 = tpu.vector_load %arg6[%get3A_213, %get3A_214] {strides = array<i32>} : memref<3x32xi32, #tpu.memory_space<vmem>>, vector<16xi32>,
        %add3A_216 = arith.addi %mul3A_211, %get3A_215 : vector<16xi32>
        %swap3A_217 = arith.constant 16 : index
        %swap3A_218 = tpu.vector_load %arg9[%swap3A_217] {strides = array<i32>} : memref<32xi32, #tpu.memory_space<vmem>>, vector<16xi32>,
        tpu.vector_store %arg9[%swap3A_217], %add3A_216 {strides = array<i32>} : memref<32xi32, #tpu.memory_space<vmem>>, vector<16xi32>,
        %dma_start3A_219 = arith.constant 0 : i32
        %dma_start3A_220 = arith.constant 0 : i32
        %dma_start3A_221 = tpu.memref_slice %arg2[%dma_start3A_219, %dma_start3A_220] : memref<80000x128xf32, #tpu.memory_space<hbm>> -> memref<80000x128xf32, #tpu.memory_space<hbm>>
        tpu.enqueue_indirect_dma source(%dma_start3A_221 : memref<80000x128xf32, #tpu.memory_space<hbm>>) target(%arg18 : memref<32x128xf32, #tpu.memory_space<vmem>>) offsets(%arg9 : memref<32xi32, #tpu.memory_space<vmem>>) semaphore(%arg26 : memref<!tpu.dma_semaphore, #tpu.memory_space<semaphore_mem>>)
        %add3A_222 = arith.constant 2 : i32
        %add3A_223 = arith.addi %add3A_133, %add3A_222 : i32
        %lt3A_224 = arith.constant 313 : i32
        %lt3A_225 = arith.cmpi slt, %add3A_223, %lt3A_224 : i32
        %convert_element_type3A_226 = arith.extui %lt3A_225 : i1 to i32
        %cond3A_227 = arith.constant 0 : i32
        %cond3A_228 = arith.cmpi ne, %convert_element_type3A_226, %cond3A_227 : i32
        scf.if %cond3A_228 {
          %add3A_295 = arith.addi %mul3A_2, %add3A_133 : i32
          %add3A_296 = arith.constant 2 : i32
          %add3A_297 = arith.addi %add3A_295, %add3A_296 : i32
          %dma_start3A_298 = arith.constant 0 : i32
          %dma_start3A_299 = arith.constant 0 : i32
          %dma_start3A_300 = tpu.memref_slice %arg4[%add3A_297, %dma_start3A_298, %dma_start3A_299] : memref<10016x3x32xi32, #tpu.memory_space<hbm>> -> memref<1x3x32xi32, #tpu.memory_space<hbm>>
          %dma_start3A_301 = tpu.memref_squeeze %dma_start3A_300 : memref<1x3x32xi32, #tpu.memory_space<hbm>> -> memref<3x32xi32, #tpu.memory_space<hbm>>
          %dma_start3A_302 = arith.constant 0 : i32
          %dma_start3A_303 = arith.constant 0 : i32
          %dma_start3A_304 = tpu.memref_slice %arg4[%add3A_297, %dma_start3A_302, %dma_start3A_303] : memref<10016x3x32xi32, #tpu.memory_space<hbm>> -> memref<1x3x32xi32, #tpu.memory_space<hbm>>
          %dma_start3A_305 = tpu.memref_squeeze %dma_start3A_304 : memref<1x3x32xi32, #tpu.memory_space<hbm>> -> memref<3x32xi32, #tpu.memory_space<hbm>>
          tpu.enqueue_dma source(%dma_start3A_305 : memref<3x32xi32, #tpu.memory_space<hbm>>) target(%arg8 : memref<3x32xi32, #tpu.memory_space<vmem>>) target_semaphore(%arg25 : memref<!tpu.dma_semaphore, #tpu.memory_space<semaphore_mem>>)
        } else {
        }
        %get3A_229 = arith.constant 1 : i32
        %get3A_230 = arith.index_cast %get3A_229 : i32 to index
        %get3A_231 = arith.constant 0 : index
        %get3A_232 = tpu.vector_load %arg6[%get3A_230, %get3A_231] {strides = array<i32>} : memref<3x32xi32, #tpu.memory_space<vmem>>, vector<16xi32>,
        %swap3A_233 = arith.constant 0 : index
        %swap3A_234 = tpu.vector_load %arg12[%swap3A_233] {strides = array<i32>} : memref<32xi32, #tpu.memory_space<vmem>>, vector<16xi32>,
        tpu.vector_store %arg12[%swap3A_233], %get3A_232 {strides = array<i32>} : memref<32xi32, #tpu.memory_space<vmem>>, vector<16xi32>,
        %mul3A_235 = arith.constant 8 : i32
        %mul3A_236 = vector.broadcast %mul3A_235 : i32 to vector<16xi32>
        %mul3A_237 = arith.muli %get3A_232, %mul3A_236 : vector<16xi32>
        %get3A_238 = arith.constant 2 : i32
        %get3A_239 = arith.index_cast %get3A_238 : i32 to index
        %get3A_240 = arith.constant 0 : index
        %get3A_241 = tpu.vector_load %arg6[%get3A_239, %get3A_240] {strides = array<i32>} : memref<3x32xi32, #tpu.memory_space<vmem>>, vector<16xi32>,
        %add3A_242 = arith.addi %mul3A_237, %get3A_241 : vector<16xi32>
        %shift_right_logical3A = arith.constant 2 : i32
        %shift_right_logical3A_243 = vector.broadcast %shift_right_logical3A : i32 to vector<16xi32>
        %shift_right_logical3A_244 = arith.shrui %add3A_242, %shift_right_logical3A_243 : vector<16xi32>
        %gather3A = tpu.vector_load_idx %arg21[%shift_right_logical3A_244] : memref<20016xi32, #tpu.memory_space<vmem>>[vector<16xi32>], vector<16xi32>,
        %and3A_245 = arith.constant 3 : i32
        %and3A_246 = vector.broadcast %and3A_245 : i32 to vector<16xi32>
        %and3A_247 = arith.andi %add3A_242, %and3A_246 : vector<16xi32>
        %mul3A_248 = arith.constant 8 : i32
        %mul3A_249 = vector.broadcast %mul3A_248 : i32 to vector<16xi32>
        %mul3A_250 = arith.muli %and3A_247, %mul3A_249 : vector<16xi32>
        %shift_right_logical3A_251 = arith.shrui %gather3A, %mul3A_250 : vector<16xi32>
        %and3A_252 = arith.constant 255 : i32
        %and3A_253 = vector.broadcast %and3A_252 : i32 to vector<16xi32>
        %and3A_254 = arith.andi %shift_right_logical3A_251, %and3A_253 : vector<16xi32>
        %convert_element_type3A_255 = arith.sitofp %and3A_254 : vector<16xi32> to vector<16xf32>
        %mul3A_256 = arith.constant 0.00392156886 : f32
        %mul3A_257 = vector.broadcast %mul3A_256 : f32 to vector<16xf32>
        %mul3A_258 = arith.mulf %convert_element_type3A_255, %mul3A_257 : vector<16xf32>
        %swap3A_259 = arith.constant 0 : index
        %swap3A_260 = tpu.vector_load %arg15[%swap3A_259] {strides = array<i32>} : memref<48xf32, #tpu.memory_space<vmem>>, vector<16xf32>,
        tpu.vector_store %arg15[%swap3A_259], %mul3A_258 {strides = array<i32>} : memref<48xf32, #tpu.memory_space<vmem>>, vector<16xf32>,
        %get3A_261 = arith.constant 1 : i32
        %get3A_262 = arith.index_cast %get3A_261 : i32 to index
        %get3A_263 = arith.constant 16 : index
        %get3A_264 = tpu.vector_load %arg6[%get3A_262, %get3A_263] {strides = array<i32>} : memref<3x32xi32, #tpu.memory_space<vmem>>, vector<16xi32>,
        %swap3A_265 = arith.constant 16 : index
        %swap3A_266 = tpu.vector_load %arg12[%swap3A_265] {strides = array<i32>} : memref<32xi32, #tpu.memory_space<vmem>>, vector<16xi32>,
        tpu.vector_store %arg12[%swap3A_265], %get3A_264 {strides = array<i32>} : memref<32xi32, #tpu.memory_space<vmem>>, vector<16xi32>,
        %mul3A_267 = arith.constant 8 : i32
        %mul3A_268 = vector.broadcast %mul3A_267 : i32 to vector<16xi32>
        %mul3A_269 = arith.muli %get3A_264, %mul3A_268 : vector<16xi32>
        %get3A_270 = arith.constant 2 : i32
        %get3A_271 = arith.index_cast %get3A_270 : i32 to index
        %get3A_272 = arith.constant 16 : index
        %get3A_273 = tpu.vector_load %arg6[%get3A_271, %get3A_272] {strides = array<i32>} : memref<3x32xi32, #tpu.memory_space<vmem>>, vector<16xi32>,
        %add3A_274 = arith.addi %mul3A_269, %get3A_273 : vector<16xi32>
        %shift_right_logical3A_275 = arith.constant 2 : i32
        %shift_right_logical3A_276 = vector.broadcast %shift_right_logical3A_275 : i32 to vector<16xi32>
        %shift_right_logical3A_277 = arith.shrui %add3A_274, %shift_right_logical3A_276 : vector<16xi32>
        %gather3A_278 = tpu.vector_load_idx %arg21[%shift_right_logical3A_277] : memref<20016xi32, #tpu.memory_space<vmem>>[vector<16xi32>], vector<16xi32>,
        %and3A_279 = arith.constant 3 : i32
        %and3A_280 = vector.broadcast %and3A_279 : i32 to vector<16xi32>
        %and3A_281 = arith.andi %add3A_274, %and3A_280 : vector<16xi32>
        %mul3A_282 = arith.constant 8 : i32
        %mul3A_283 = vector.broadcast %mul3A_282 : i32 to vector<16xi32>
        %mul3A_284 = arith.muli %and3A_281, %mul3A_283 : vector<16xi32>
        %shift_right_logical3A_285 = arith.shrui %gather3A_278, %mul3A_284 : vector<16xi32>
        %and3A_286 = arith.constant 255 : i32
        %and3A_287 = vector.broadcast %and3A_286 : i32 to vector<16xi32>
        %and3A_288 = arith.andi %shift_right_logical3A_285, %and3A_287 : vector<16xi32>
        %convert_element_type3A_289 = arith.sitofp %and3A_288 : vector<16xi32> to vector<16xf32>
        %mul3A_290 = arith.constant 0.00392156886 : f32
        %mul3A_291 = vector.broadcast %mul3A_290 : f32 to vector<16xf32>
        %mul3A_292 = arith.mulf %convert_element_type3A_289, %mul3A_291 : vector<16xf32>
        %swap3A_293 = arith.constant 16 : index
        %swap3A_294 = tpu.vector_load %arg15[%swap3A_293] {strides = array<i32>} : memref<48xf32, #tpu.memory_space<vmem>>, vector<16xf32>,
        tpu.vector_store %arg15[%swap3A_293], %mul3A_292 {strides = array<i32>} : memref<48xf32, #tpu.memory_space<vmem>>, vector<16xf32>,
      } else {
      }
      %mul3A_144 = arith.constant 3 : i32
      %mul3A_145 = arith.muli %scan3A_128, %mul3A_144 : i32
      %add3A_146 = arith.constant 1 : i32
      %add3A_147 = arith.addi %mul3A_145, %add3A_146 : i32
      %ge3A_148 = arith.constant 2 : i32
      %ge3A_149 = arith.cmpi sge, %add3A_147, %ge3A_148 : i32
      %lt3A_150 = arith.constant 315 : i32
      %lt3A_151 = arith.cmpi slt, %add3A_147, %lt3A_150 : i32
      %and3A_152 = arith.andi %ge3A_149, %lt3A_151 : i1
      %convert_element_type3A_153 = arith.extui %and3A_152 : i1 to i32
      %cond3A_154 = arith.constant 0 : i32
      %cond3A_155 = arith.cmpi ne, %convert_element_type3A_153, %cond3A_154 : i32
      scf.if %cond3A_155 {
        %dma_wait3A_179 = arith.constant 0 : i32
        %dma_wait3A_180 = arith.constant 0 : i32
        %dma_wait3A_181 = tpu.memref_slice %arg2[%dma_wait3A_179, %dma_wait3A_180] : memref<80000x128xf32, #tpu.memory_space<hbm>> -> memref<80000x128xf32, #tpu.memory_space<hbm>>
        tpu.wait_indirect_dma semaphore(%arg28 : memref<!tpu.dma_semaphore, #tpu.memory_space<semaphore_mem>>) src(%dma_wait3A_181 : memref<80000x128xf32, #tpu.memory_space<hbm>>) dst(%arg20 : memref<32x128xf32, #tpu.memory_space<vmem>>)
        %scan3A_182 = arith.constant 0 : i32
        %scan3A_183 = arith.constant 0 : i32
        %scan3A_184 = arith.constant 8 : i32
        %scan3A_185 = arith.addi %scan3A_183, %scan3A_184 : i32
        %scan3A_186 = arith.constant 1 : i32
        %scan3A_187 = scf.for %scan3A_192 = %scan3A_183 to %scan3A_185 step %scan3A_186 iter_args(%scan3A_193 = %scan3A_182) -> (i32)  : i32 {
          %mul3A_194 = arith.constant 4 : i32
          %mul3A_195 = arith.muli %scan3A_192, %mul3A_194 : i32
          %add3A_196 = arith.constant 0 : i32
          %add3A_197 = arith.addi %mul3A_195, %add3A_196 : i32
          %get3A = arith.index_cast %add3A_197 : i32 to index
          %get3A_198 = tpu.vector_load %arg17[%get3A] {strides = array<i32>} : memref<48xf32, #tpu.memory_space<vmem>>, vector<16xf32>,
          %slice3A = vector.extract_strided_slice %get3A_198 {offsets = [0], sizes = [1], strides = [1]} : vector<16xf32> to vector<1xf32>
          %squeeze3A = vector.extract %slice3A[0] : f32 from vector<1xf32>
          %get3A_199 = arith.index_cast %add3A_197 : i32 to index
          %get3A_200 = arith.constant 0 : index
          %get3A_201 = tpu.vector_load %arg20[%get3A_199, %get3A_200] {strides = array<i32>} : memref<32x128xf32, #tpu.memory_space<vmem>>, vector<16xf32>,
          %mul3A_202 = vector.broadcast %squeeze3A : f32 to vector<16xf32>
          %mul3A_203 = arith.mulf %get3A_201, %mul3A_202 : vector<16xf32>
          %swap3A = arith.index_cast %add3A_197 : i32 to index
          %swap3A_204 = arith.constant 0 : index
          %swap3A_205 = tpu.vector_load %arg20[%swap3A, %swap3A_204] {strides = array<i32>} : memref<32x128xf32, #tpu.memory_space<vmem>>, vector<16xf32>,
          tpu.vector_store %arg20[%swap3A, %swap3A_204], %mul3A_203 {strides = array<i32>} : memref<32x128xf32, #tpu.memory_space<vmem>>, vector<16xf32>,
          %get3A_206 = arith.index_cast %add3A_197 : i32 to index
          %get3A_207 = arith.constant 16 : index
          %get3A_208 = tpu.vector_load %arg20[%get3A_206, %get3A_207] {strides = array<i32>} : memref<32x128xf32, #tpu.memory_space<vmem>>, vector<16xf32>,
          %mul3A_209 = vector.broadcast %squeeze3A : f32 to vector<16xf32>
          %mul3A_210 = arith.mulf %get3A_208, %mul3A_209 : vector<16xf32>
          %swap3A_211 = arith.index_cast %add3A_197 : i32 to index
          %swap3A_212 = arith.constant 16 : index
          %swap3A_213 = tpu.vector_load %arg20[%swap3A_211, %swap3A_212] {strides = array<i32>} : memref<32x128xf32, #tpu.memory_space<vmem>>, vector<16xf32>,
          tpu.vector_store %arg20[%swap3A_211, %swap3A_212], %mul3A_210 {strides = array<i32>} : memref<32x128xf32, #tpu.memory_space<vmem>>, vector<16xf32>,
          %get3A_214 = arith.index_cast %add3A_197 : i32 to index
          %get3A_215 = arith.constant 32 : index
          %get3A_216 = tpu.vector_load %arg20[%get3A_214, %get3A_215] {strides = array<i32>} : memref<32x128xf32, #tpu.memory_space<vmem>>, vector<16xf32>,
          %mul3A_217 = vector.broadcast %squeeze3A : f32 to vector<16xf32>
          %mul3A_218 = arith.mulf %get3A_216, %mul3A_217 : vector<16xf32>
          %swap3A_219 = arith.index_cast %add3A_197 : i32 to index
          %swap3A_220 = arith.constant 32 : index
          %swap3A_221 = tpu.vector_load %arg20[%swap3A_219, %swap3A_220] {strides = array<i32>} : memref<32x128xf32, #tpu.memory_space<vmem>>, vector<16xf32>,
          tpu.vector_store %arg20[%swap3A_219, %swap3A_220], %mul3A_218 {strides = array<i32>} : memref<32x128xf32, #tpu.memory_space<vmem>>, vector<16xf32>,
          %get3A_222 = arith.index_cast %add3A_197 : i32 to index
          %get3A_223 = arith.constant 48 : index
          %get3A_224 = tpu.vector_load %arg20[%get3A_222, %get3A_223] {strides = array<i32>} : memref<32x128xf32, #tpu.memory_space<vmem>>, vector<16xf32>,
          %mul3A_225 = vector.broadcast %squeeze3A : f32 to vector<16xf32>
          %mul3A_226 = arith.mulf %get3A_224, %mul3A_225 : vector<16xf32>
          %swap3A_227 = arith.index_cast %add3A_197 : i32 to index
          %swap3A_228 = arith.constant 48 : index
          %swap3A_229 = tpu.vector_load %arg20[%swap3A_227, %swap3A_228] {strides = array<i32>} : memref<32x128xf32, #tpu.memory_space<vmem>>, vector<16xf32>,
          tpu.vector_store %arg20[%swap3A_227, %swap3A_228], %mul3A_226 {strides = array<i32>} : memref<32x128xf32, #tpu.memory_space<vmem>>, vector<16xf32>,
          %get3A_230 = arith.index_cast %add3A_197 : i32 to index
          %get3A_231 = arith.constant 64 : index
          %get3A_232 = tpu.vector_load %arg20[%get3A_230, %get3A_231] {strides = array<i32>} : memref<32x128xf32, #tpu.memory_space<vmem>>, vector<16xf32>,
          %mul3A_233 = vector.broadcast %squeeze3A : f32 to vector<16xf32>
          %mul3A_234 = arith.mulf %get3A_232, %mul3A_233 : vector<16xf32>
          %swap3A_235 = arith.index_cast %add3A_197 : i32 to index
          %swap3A_236 = arith.constant 64 : index
          %swap3A_237 = tpu.vector_load %arg20[%swap3A_235, %swap3A_236] {strides = array<i32>} : memref<32x128xf32, #tpu.memory_space<vmem>>, vector<16xf32>,
          tpu.vector_store %arg20[%swap3A_235, %swap3A_236], %mul3A_234 {strides = array<i32>} : memref<32x128xf32, #tpu.memory_space<vmem>>, vector<16xf32>,
          %get3A_238 = arith.index_cast %add3A_197 : i32 to index
          %get3A_239 = arith.constant 80 : index
          %get3A_240 = tpu.vector_load %arg20[%get3A_238, %get3A_239] {strides = array<i32>} : memref<32x128xf32, #tpu.memory_space<vmem>>, vector<16xf32>,
          %mul3A_241 = vector.broadcast %squeeze3A : f32 to vector<16xf32>
          %mul3A_242 = arith.mulf %get3A_240, %mul3A_241 : vector<16xf32>
          %swap3A_243 = arith.index_cast %add3A_197 : i32 to index
          %swap3A_244 = arith.constant 80 : index
          %swap3A_245 = tpu.vector_load %arg20[%swap3A_243, %swap3A_244] {strides = array<i32>} : memref<32x128xf32, #tpu.memory_space<vmem>>, vector<16xf32>,
          tpu.vector_store %arg20[%swap3A_243, %swap3A_244], %mul3A_242 {strides = array<i32>} : memref<32x128xf32, #tpu.memory_space<vmem>>, vector<16xf32>,
          %get3A_246 = arith.index_cast %add3A_197 : i32 to index
          %get3A_247 = arith.constant 96 : index
          %get3A_248 = tpu.vector_load %arg20[%get3A_246, %get3A_247] {strides = array<i32>} : memref<32x128xf32, #tpu.memory_space<vmem>>, vector<16xf32>,
          %mul3A_249 = vector.broadcast %squeeze3A : f32 to vector<16xf32>
          %mul3A_250 = arith.mulf %get3A_248, %mul3A_249 : vector<16xf32>
          %swap3A_251 = arith.index_cast %add3A_197 : i32 to index
          %swap3A_252 = arith.constant 96 : index
          %swap3A_253 = tpu.vector_load %arg20[%swap3A_251, %swap3A_252] {strides = array<i32>} : memref<32x128xf32, #tpu.memory_space<vmem>>, vector<16xf32>,
          tpu.vector_store %arg20[%swap3A_251, %swap3A_252], %mul3A_250 {strides = array<i32>} : memref<32x128xf32, #tpu.memory_space<vmem>>, vector<16xf32>,
          %get3A_254 = arith.index_cast %add3A_197 : i32 to index
          %get3A_255 = arith.constant 112 : index
          %get3A_256 = tpu.vector_load %arg20[%get3A_254, %get3A_255] {strides = array<i32>} : memref<32x128xf32, #tpu.memory_space<vmem>>, vector<16xf32>,
          %mul3A_257 = vector.broadcast %squeeze3A : f32 to vector<16xf32>
          %mul3A_258 = arith.mulf %get3A_256, %mul3A_257 : vector<16xf32>
          %swap3A_259 = arith.index_cast %add3A_197 : i32 to index
          %swap3A_260 = arith.constant 112 : index
          %swap3A_261 = tpu.vector_load %arg20[%swap3A_259, %swap3A_260] {strides = array<i32>} : memref<32x128xf32, #tpu.memory_space<vmem>>, vector<16xf32>,
          tpu.vector_store %arg20[%swap3A_259, %swap3A_260], %mul3A_258 {strides = array<i32>} : memref<32x128xf32, #tpu.memory_space<vmem>>, vector<16xf32>,
          %mul3A_262 = arith.constant 4 : i32
          %mul3A_263 = arith.muli %scan3A_192, %mul3A_262 : i32
          %add3A_264 = arith.constant 1 : i32
          %add3A_265 = arith.addi %mul3A_263, %add3A_264 : i32
          %get3A_266 = arith.index_cast %add3A_265 : i32 to index
          %get3A_267 = tpu.vector_load %arg17[%get3A_266] {strides = array<i32>} : memref<48xf32, #tpu.memory_space<vmem>>, vector<16xf32>,
          %slice3A_268 = vector.extract_strided_slice %get3A_267 {offsets = [0], sizes = [1], strides = [1]} : vector<16xf32> to vector<1xf32>
          %squeeze3A_269 = vector.extract %slice3A_268[0] : f32 from vector<1xf32>
          %get3A_270 = arith.index_cast %add3A_265 : i32 to index
          %get3A_271 = arith.constant 0 : index
          %get3A_272 = tpu.vector_load %arg20[%get3A_270, %get3A_271] {strides = array<i32>} : memref<32x128xf32, #tpu.memory_space<vmem>>, vector<16xf32>,
          %mul3A_273 = vector.broadcast %squeeze3A_269 : f32 to vector<16xf32>
          %mul3A_274 = arith.mulf %get3A_272, %mul3A_273 : vector<16xf32>
          %swap3A_275 = arith.index_cast %add3A_265 : i32 to index
          %swap3A_276 = arith.constant 0 : index
          %swap3A_277 = tpu.vector_load %arg20[%swap3A_275, %swap3A_276] {strides = array<i32>} : memref<32x128xf32, #tpu.memory_space<vmem>>, vector<16xf32>,
          tpu.vector_store %arg20[%swap3A_275, %swap3A_276], %mul3A_274 {strides = array<i32>} : memref<32x128xf32, #tpu.memory_space<vmem>>, vector<16xf32>,
          %get3A_278 = arith.index_cast %add3A_265 : i32 to index
          %get3A_279 = arith.constant 16 : index
          %get3A_280 = tpu.vector_load %arg20[%get3A_278, %get3A_279] {strides = array<i32>} : memref<32x128xf32, #tpu.memory_space<vmem>>, vector<16xf32>,
          %mul3A_281 = vector.broadcast %squeeze3A_269 : f32 to vector<16xf32>
          %mul3A_282 = arith.mulf %get3A_280, %mul3A_281 : vector<16xf32>
          %swap3A_283 = arith.index_cast %add3A_265 : i32 to index
          %swap3A_284 = arith.constant 16 : index
          %swap3A_285 = tpu.vector_load %arg20[%swap3A_283, %swap3A_284] {strides = array<i32>} : memref<32x128xf32, #tpu.memory_space<vmem>>, vector<16xf32>,
          tpu.vector_store %arg20[%swap3A_283, %swap3A_284], %mul3A_282 {strides = array<i32>} : memref<32x128xf32, #tpu.memory_space<vmem>>, vector<16xf32>,
          %get3A_286 = arith.index_cast %add3A_265 : i32 to index
          %get3A_287 = arith.constant 32 : index
          %get3A_288 = tpu.vector_load %arg20[%get3A_286, %get3A_287] {strides = array<i32>} : memref<32x128xf32, #tpu.memory_space<vmem>>, vector<16xf32>,
          %mul3A_289 = vector.broadcast %squeeze3A_269 : f32 to vector<16xf32>
          %mul3A_290 = arith.mulf %get3A_288, %mul3A_289 : vector<16xf32>
          %swap3A_291 = arith.index_cast %add3A_265 : i32 to index
          %swap3A_292 = arith.constant 32 : index
          %swap3A_293 = tpu.vector_load %arg20[%swap3A_291, %swap3A_292] {strides = array<i32>} : memref<32x128xf32, #tpu.memory_space<vmem>>, vector<16xf32>,
          tpu.vector_store %arg20[%swap3A_291, %swap3A_292], %mul3A_290 {strides = array<i32>} : memref<32x128xf32, #tpu.memory_space<vmem>>, vector<16xf32>,
          %get3A_294 = arith.index_cast %add3A_265 : i32 to index
          %get3A_295 = arith.constant 48 : index
          %get3A_296 = tpu.vector_load %arg20[%get3A_294, %get3A_295] {strides = array<i32>} : memref<32x128xf32, #tpu.memory_space<vmem>>, vector<16xf32>,
          %mul3A_297 = vector.broadcast %squeeze3A_269 : f32 to vector<16xf32>
          %mul3A_298 = arith.mulf %get3A_296, %mul3A_297 : vector<16xf32>
          %swap3A_299 = arith.index_cast %add3A_265 : i32 to index
          %swap3A_300 = arith.constant 48 : index
          %swap3A_301 = tpu.vector_load %arg20[%swap3A_299, %swap3A_300] {strides = array<i32>} : memref<32x128xf32, #tpu.memory_space<vmem>>, vector<16xf32>,
          tpu.vector_store %arg20[%swap3A_299, %swap3A_300], %mul3A_298 {strides = array<i32>} : memref<32x128xf32, #tpu.memory_space<vmem>>, vector<16xf32>,
          %get3A_302 = arith.index_cast %add3A_265 : i32 to index
          %get3A_303 = arith.constant 64 : index
          %get3A_304 = tpu.vector_load %arg20[%get3A_302, %get3A_303] {strides = array<i32>} : memref<32x128xf32, #tpu.memory_space<vmem>>, vector<16xf32>,
          %mul3A_305 = vector.broadcast %squeeze3A_269 : f32 to vector<16xf32>
          %mul3A_306 = arith.mulf %get3A_304, %mul3A_305 : vector<16xf32>
          %swap3A_307 = arith.index_cast %add3A_265 : i32 to index
          %swap3A_308 = arith.constant 64 : index
          %swap3A_309 = tpu.vector_load %arg20[%swap3A_307, %swap3A_308] {strides = array<i32>} : memref<32x128xf32, #tpu.memory_space<vmem>>, vector<16xf32>,
          tpu.vector_store %arg20[%swap3A_307, %swap3A_308], %mul3A_306 {strides = array<i32>} : memref<32x128xf32, #tpu.memory_space<vmem>>, vector<16xf32>,
          %get3A_310 = arith.index_cast %add3A_265 : i32 to index
          %get3A_311 = arith.constant 80 : index
          %get3A_312 = tpu.vector_load %arg20[%get3A_310, %get3A_311] {strides = array<i32>} : memref<32x128xf32, #tpu.memory_space<vmem>>, vector<16xf32>,
          %mul3A_313 = vector.broadcast %squeeze3A_269 : f32 to vector<16xf32>
          %mul3A_314 = arith.mulf %get3A_312, %mul3A_313 : vector<16xf32>
          %swap3A_315 = arith.index_cast %add3A_265 : i32 to index
          %swap3A_316 = arith.constant 80 : index
          %swap3A_317 = tpu.vector_load %arg20[%swap3A_315, %swap3A_316] {strides = array<i32>} : memref<32x128xf32, #tpu.memory_space<vmem>>, vector<16xf32>,
          tpu.vector_store %arg20[%swap3A_315, %swap3A_316], %mul3A_314 {strides = array<i32>} : memref<32x128xf32, #tpu.memory_space<vmem>>, vector<16xf32>,
          %get3A_318 = arith.index_cast %add3A_265 : i32 to index
          %get3A_319 = arith.constant 96 : index
          %get3A_320 = tpu.vector_load %arg20[%get3A_318, %get3A_319] {strides = array<i32>} : memref<32x128xf32, #tpu.memory_space<vmem>>, vector<16xf32>,
          %mul3A_321 = vector.broadcast %squeeze3A_269 : f32 to vector<16xf32>
          %mul3A_322 = arith.mulf %get3A_320, %mul3A_321 : vector<16xf32>
          %swap3A_323 = arith.index_cast %add3A_265 : i32 to index
          %swap3A_324 = arith.constant 96 : index
          %swap3A_325 = tpu.vector_load %arg20[%swap3A_323, %swap3A_324] {strides = array<i32>} : memref<32x128xf32, #tpu.memory_space<vmem>>, vector<16xf32>,
          tpu.vector_store %arg20[%swap3A_323, %swap3A_324], %mul3A_322 {strides = array<i32>} : memref<32x128xf32, #tpu.memory_space<vmem>>, vector<16xf32>,
          %get3A_326 = arith.index_cast %add3A_265 : i32 to index
          %get3A_327 = arith.constant 112 : index
          %get3A_328 = tpu.vector_load %arg20[%get3A_326, %get3A_327] {strides = array<i32>} : memref<32x128xf32, #tpu.memory_space<vmem>>, vector<16xf32>,
          %mul3A_329 = vector.broadcast %squeeze3A_269 : f32 to vector<16xf32>
          %mul3A_330 = arith.mulf %get3A_328, %mul3A_329 : vector<16xf32>
          %swap3A_331 = arith.index_cast %add3A_265 : i32 to index
          %swap3A_332 = arith.constant 112 : index
          %swap3A_333 = tpu.vector_load %arg20[%swap3A_331, %swap3A_332] {strides = array<i32>} : memref<32x128xf32, #tpu.memory_space<vmem>>, vector<16xf32>,
          tpu.vector_store %arg20[%swap3A_331, %swap3A_332], %mul3A_330 {strides = array<i32>} : memref<32x128xf32, #tpu.memory_space<vmem>>, vector<16xf32>,
          %mul3A_334 = arith.constant 4 : i32
          %mul3A_335 = arith.muli %scan3A_192, %mul3A_334 : i32
          %add3A_336 = arith.constant 2 : i32
          %add3A_337 = arith.addi %mul3A_335, %add3A_336 : i32
          %get3A_338 = arith.index_cast %add3A_337 : i32 to index
          %get3A_339 = tpu.vector_load %arg17[%get3A_338] {strides = array<i32>} : memref<48xf32, #tpu.memory_space<vmem>>, vector<16xf32>,
          %slice3A_340 = vector.extract_strided_slice %get3A_339 {offsets = [0], sizes = [1], strides = [1]} : vector<16xf32> to vector<1xf32>
          %squeeze3A_341 = vector.extract %slice3A_340[0] : f32 from vector<1xf32>
          %get3A_342 = arith.index_cast %add3A_337 : i32 to index
          %get3A_343 = arith.constant 0 : index
          %get3A_344 = tpu.vector_load %arg20[%get3A_342, %get3A_343] {strides = array<i32>} : memref<32x128xf32, #tpu.memory_space<vmem>>, vector<16xf32>,
          %mul3A_345 = vector.broadcast %squeeze3A_341 : f32 to vector<16xf32>
          %mul3A_346 = arith.mulf %get3A_344, %mul3A_345 : vector<16xf32>
          %swap3A_347 = arith.index_cast %add3A_337 : i32 to index
          %swap3A_348 = arith.constant 0 : index
          %swap3A_349 = tpu.vector_load %arg20[%swap3A_347, %swap3A_348] {strides = array<i32>} : memref<32x128xf32, #tpu.memory_space<vmem>>, vector<16xf32>,
          tpu.vector_store %arg20[%swap3A_347, %swap3A_348], %mul3A_346 {strides = array<i32>} : memref<32x128xf32, #tpu.memory_space<vmem>>, vector<16xf32>,
          %get3A_350 = arith.index_cast %add3A_337 : i32 to index
          %get3A_351 = arith.constant 16 : index
          %get3A_352 = tpu.vector_load %arg20[%get3A_350, %get3A_351] {strides = array<i32>} : memref<32x128xf32, #tpu.memory_space<vmem>>, vector<16xf32>,
          %mul3A_353 = vector.broadcast %squeeze3A_341 : f32 to vector<16xf32>
          %mul3A_354 = arith.mulf %get3A_352, %mul3A_353 : vector<16xf32>
          %swap3A_355 = arith.index_cast %add3A_337 : i32 to index
          %swap3A_356 = arith.constant 16 : index
          %swap3A_357 = tpu.vector_load %arg20[%swap3A_355, %swap3A_356] {strides = array<i32>} : memref<32x128xf32, #tpu.memory_space<vmem>>, vector<16xf32>,
          tpu.vector_store %arg20[%swap3A_355, %swap3A_356], %mul3A_354 {strides = array<i32>} : memref<32x128xf32, #tpu.memory_space<vmem>>, vector<16xf32>,
          %get3A_358 = arith.index_cast %add3A_337 : i32 to index
          %get3A_359 = arith.constant 32 : index
          %get3A_360 = tpu.vector_load %arg20[%get3A_358, %get3A_359] {strides = array<i32>} : memref<32x128xf32, #tpu.memory_space<vmem>>, vector<16xf32>,
          %mul3A_361 = vector.broadcast %squeeze3A_341 : f32 to vector<16xf32>
          %mul3A_362 = arith.mulf %get3A_360, %mul3A_361 : vector<16xf32>
          %swap3A_363 = arith.index_cast %add3A_337 : i32 to index
          %swap3A_364 = arith.constant 32 : index
          %swap3A_365 = tpu.vector_load %arg20[%swap3A_363, %swap3A_364] {strides = array<i32>} : memref<32x128xf32, #tpu.memory_space<vmem>>, vector<16xf32>,
          tpu.vector_store %arg20[%swap3A_363, %swap3A_364], %mul3A_362 {strides = array<i32>} : memref<32x128xf32, #tpu.memory_space<vmem>>, vector<16xf32>,
          %get3A_366 = arith.index_cast %add3A_337 : i32 to index
          %get3A_367 = arith.constant 48 : index
          %get3A_368 = tpu.vector_load %arg20[%get3A_366, %get3A_367] {strides = array<i32>} : memref<32x128xf32, #tpu.memory_space<vmem>>, vector<16xf32>,
          %mul3A_369 = vector.broadcast %squeeze3A_341 : f32 to vector<16xf32>
          %mul3A_370 = arith.mulf %get3A_368, %mul3A_369 : vector<16xf32>
          %swap3A_371 = arith.index_cast %add3A_337 : i32 to index
          %swap3A_372 = arith.constant 48 : index
          %swap3A_373 = tpu.vector_load %arg20[%swap3A_371, %swap3A_372] {strides = array<i32>} : memref<32x128xf32, #tpu.memory_space<vmem>>, vector<16xf32>,
          tpu.vector_store %arg20[%swap3A_371, %swap3A_372], %mul3A_370 {strides = array<i32>} : memref<32x128xf32, #tpu.memory_space<vmem>>, vector<16xf32>,
          %get3A_374 = arith.index_cast %add3A_337 : i32 to index
          %get3A_375 = arith.constant 64 : index
          %get3A_376 = tpu.vector_load %arg20[%get3A_374, %get3A_375] {strides = array<i32>} : memref<32x128xf32, #tpu.memory_space<vmem>>, vector<16xf32>,
          %mul3A_377 = vector.broadcast %squeeze3A_341 : f32 to vector<16xf32>
          %mul3A_378 = arith.mulf %get3A_376, %mul3A_377 : vector<16xf32>
          %swap3A_379 = arith.index_cast %add3A_337 : i32 to index
          %swap3A_380 = arith.constant 64 : index
          %swap3A_381 = tpu.vector_load %arg20[%swap3A_379, %swap3A_380] {strides = array<i32>} : memref<32x128xf32, #tpu.memory_space<vmem>>, vector<16xf32>,
          tpu.vector_store %arg20[%swap3A_379, %swap3A_380], %mul3A_378 {strides = array<i32>} : memref<32x128xf32, #tpu.memory_space<vmem>>, vector<16xf32>,
          %get3A_382 = arith.index_cast %add3A_337 : i32 to index
          %get3A_383 = arith.constant 80 : index
          %get3A_384 = tpu.vector_load %arg20[%get3A_382, %get3A_383] {strides = array<i32>} : memref<32x128xf32, #tpu.memory_space<vmem>>, vector<16xf32>,
          %mul3A_385 = vector.broadcast %squeeze3A_341 : f32 to vector<16xf32>
          %mul3A_386 = arith.mulf %get3A_384, %mul3A_385 : vector<16xf32>
          %swap3A_387 = arith.index_cast %add3A_337 : i32 to index
          %swap3A_388 = arith.constant 80 : index
          %swap3A_389 = tpu.vector_load %arg20[%swap3A_387, %swap3A_388] {strides = array<i32>} : memref<32x128xf32, #tpu.memory_space<vmem>>, vector<16xf32>,
          tpu.vector_store %arg20[%swap3A_387, %swap3A_388], %mul3A_386 {strides = array<i32>} : memref<32x128xf32, #tpu.memory_space<vmem>>, vector<16xf32>,
          %get3A_390 = arith.index_cast %add3A_337 : i32 to index
          %get3A_391 = arith.constant 96 : index
          %get3A_392 = tpu.vector_load %arg20[%get3A_390, %get3A_391] {strides = array<i32>} : memref<32x128xf32, #tpu.memory_space<vmem>>, vector<16xf32>,
          %mul3A_393 = vector.broadcast %squeeze3A_341 : f32 to vector<16xf32>
          %mul3A_394 = arith.mulf %get3A_392, %mul3A_393 : vector<16xf32>
          %swap3A_395 = arith.index_cast %add3A_337 : i32 to index
          %swap3A_396 = arith.constant 96 : index
          %swap3A_397 = tpu.vector_load %arg20[%swap3A_395, %swap3A_396] {strides = array<i32>} : memref<32x128xf32, #tpu.memory_space<vmem>>, vector<16xf32>,
          tpu.vector_store %arg20[%swap3A_395, %swap3A_396], %mul3A_394 {strides = array<i32>} : memref<32x128xf32, #tpu.memory_space<vmem>>, vector<16xf32>,
          %get3A_398 = arith.index_cast %add3A_337 : i32 to index
          %get3A_399 = arith.constant 112 : index
          %get3A_400 = tpu.vector_load %arg20[%get3A_398, %get3A_399] {strides = array<i32>} : memref<32x128xf32, #tpu.memory_space<vmem>>, vector<16xf32>,
          %mul3A_401 = vector.broadcast %squeeze3A_341 : f32 to vector<16xf32>
          %mul3A_402 = arith.mulf %get3A_400, %mul3A_401 : vector<16xf32>
          %swap3A_403 = arith.index_cast %add3A_337 : i32 to index
          %swap3A_404 = arith.constant 112 : index
          %swap3A_405 = tpu.vector_load %arg20[%swap3A_403, %swap3A_404] {strides = array<i32>} : memref<32x128xf32, #tpu.memory_space<vmem>>, vector<16xf32>,
          tpu.vector_store %arg20[%swap3A_403, %swap3A_404], %mul3A_402 {strides = array<i32>} : memref<32x128xf32, #tpu.memory_space<vmem>>, vector<16xf32>,
          %mul3A_406 = arith.constant 4 : i32
          %mul3A_407 = arith.muli %scan3A_192, %mul3A_406 : i32
          %add3A_408 = arith.constant 3 : i32
          %add3A_409 = arith.addi %mul3A_407, %add3A_408 : i32
          %get3A_410 = arith.index_cast %add3A_409 : i32 to index
          %get3A_411 = tpu.vector_load %arg17[%get3A_410] {strides = array<i32>} : memref<48xf32, #tpu.memory_space<vmem>>, vector<16xf32>,
          %slice3A_412 = vector.extract_strided_slice %get3A_411 {offsets = [0], sizes = [1], strides = [1]} : vector<16xf32> to vector<1xf32>
          %squeeze3A_413 = vector.extract %slice3A_412[0] : f32 from vector<1xf32>
          %get3A_414 = arith.index_cast %add3A_409 : i32 to index
          %get3A_415 = arith.constant 0 : index
          %get3A_416 = tpu.vector_load %arg20[%get3A_414, %get3A_415] {strides = array<i32>} : memref<32x128xf32, #tpu.memory_space<vmem>>, vector<16xf32>,
          %mul3A_417 = vector.broadcast %squeeze3A_413 : f32 to vector<16xf32>
          %mul3A_418 = arith.mulf %get3A_416, %mul3A_417 : vector<16xf32>
          %swap3A_419 = arith.index_cast %add3A_409 : i32 to index
          %swap3A_420 = arith.constant 0 : index
          %swap3A_421 = tpu.vector_load %arg20[%swap3A_419, %swap3A_420] {strides = array<i32>} : memref<32x128xf32, #tpu.memory_space<vmem>>, vector<16xf32>,
          tpu.vector_store %arg20[%swap3A_419, %swap3A_420], %mul3A_418 {strides = array<i32>} : memref<32x128xf32, #tpu.memory_space<vmem>>, vector<16xf32>,
          %get3A_422 = arith.index_cast %add3A_409 : i32 to index
          %get3A_423 = arith.constant 16 : index
          %get3A_424 = tpu.vector_load %arg20[%get3A_422, %get3A_423] {strides = array<i32>} : memref<32x128xf32, #tpu.memory_space<vmem>>, vector<16xf32>,
          %mul3A_425 = vector.broadcast %squeeze3A_413 : f32 to vector<16xf32>
          %mul3A_426 = arith.mulf %get3A_424, %mul3A_425 : vector<16xf32>
          %swap3A_427 = arith.index_cast %add3A_409 : i32 to index
          %swap3A_428 = arith.constant 16 : index
          %swap3A_429 = tpu.vector_load %arg20[%swap3A_427, %swap3A_428] {strides = array<i32>} : memref<32x128xf32, #tpu.memory_space<vmem>>, vector<16xf32>,
          tpu.vector_store %arg20[%swap3A_427, %swap3A_428], %mul3A_426 {strides = array<i32>} : memref<32x128xf32, #tpu.memory_space<vmem>>, vector<16xf32>,
          %get3A_430 = arith.index_cast %add3A_409 : i32 to index
          %get3A_431 = arith.constant 32 : index
          %get3A_432 = tpu.vector_load %arg20[%get3A_430, %get3A_431] {strides = array<i32>} : memref<32x128xf32, #tpu.memory_space<vmem>>, vector<16xf32>,
          %mul3A_433 = vector.broadcast %squeeze3A_413 : f32 to vector<16xf32>
          %mul3A_434 = arith.mulf %get3A_432, %mul3A_433 : vector<16xf32>
          %swap3A_435 = arith.index_cast %add3A_409 : i32 to index
          %swap3A_436 = arith.constant 32 : index
          %swap3A_437 = tpu.vector_load %arg20[%swap3A_435, %swap3A_436] {strides = array<i32>} : memref<32x128xf32, #tpu.memory_space<vmem>>, vector<16xf32>,
          tpu.vector_store %arg20[%swap3A_435, %swap3A_436], %mul3A_434 {strides = array<i32>} : memref<32x128xf32, #tpu.memory_space<vmem>>, vector<16xf32>,
          %get3A_438 = arith.index_cast %add3A_409 : i32 to index
          %get3A_439 = arith.constant 48 : index
          %get3A_440 = tpu.vector_load %arg20[%get3A_438, %get3A_439] {strides = array<i32>} : memref<32x128xf32, #tpu.memory_space<vmem>>, vector<16xf32>,
          %mul3A_441 = vector.broadcast %squeeze3A_413 : f32 to vector<16xf32>
          %mul3A_442 = arith.mulf %get3A_440, %mul3A_441 : vector<16xf32>
          %swap3A_443 = arith.index_cast %add3A_409 : i32 to index
          %swap3A_444 = arith.constant 48 : index
          %swap3A_445 = tpu.vector_load %arg20[%swap3A_443, %swap3A_444] {strides = array<i32>} : memref<32x128xf32, #tpu.memory_space<vmem>>, vector<16xf32>,
          tpu.vector_store %arg20[%swap3A_443, %swap3A_444], %mul3A_442 {strides = array<i32>} : memref<32x128xf32, #tpu.memory_space<vmem>>, vector<16xf32>,
          %get3A_446 = arith.index_cast %add3A_409 : i32 to index
          %get3A_447 = arith.constant 64 : index
          %get3A_448 = tpu.vector_load %arg20[%get3A_446, %get3A_447] {strides = array<i32>} : memref<32x128xf32, #tpu.memory_space<vmem>>, vector<16xf32>,
          %mul3A_449 = vector.broadcast %squeeze3A_413 : f32 to vector<16xf32>
          %mul3A_450 = arith.mulf %get3A_448, %mul3A_449 : vector<16xf32>
          %swap3A_451 = arith.index_cast %add3A_409 : i32 to index
          %swap3A_452 = arith.constant 64 : index
          %swap3A_453 = tpu.vector_load %arg20[%swap3A_451, %swap3A_452] {strides = array<i32>} : memref<32x128xf32, #tpu.memory_space<vmem>>, vector<16xf32>,
          tpu.vector_store %arg20[%swap3A_451, %swap3A_452], %mul3A_450 {strides = array<i32>} : memref<32x128xf32, #tpu.memory_space<vmem>>, vector<16xf32>,
          %get3A_454 = arith.index_cast %add3A_409 : i32 to index
          %get3A_455 = arith.constant 80 : index
          %get3A_456 = tpu.vector_load %arg20[%get3A_454, %get3A_455] {strides = array<i32>} : memref<32x128xf32, #tpu.memory_space<vmem>>, vector<16xf32>,
          %mul3A_457 = vector.broadcast %squeeze3A_413 : f32 to vector<16xf32>
          %mul3A_458 = arith.mulf %get3A_456, %mul3A_457 : vector<16xf32>
          %swap3A_459 = arith.index_cast %add3A_409 : i32 to index
          %swap3A_460 = arith.constant 80 : index
          %swap3A_461 = tpu.vector_load %arg20[%swap3A_459, %swap3A_460] {strides = array<i32>} : memref<32x128xf32, #tpu.memory_space<vmem>>, vector<16xf32>,
          tpu.vector_store %arg20[%swap3A_459, %swap3A_460], %mul3A_458 {strides = array<i32>} : memref<32x128xf32, #tpu.memory_space<vmem>>, vector<16xf32>,
          %get3A_462 = arith.index_cast %add3A_409 : i32 to index
          %get3A_463 = arith.constant 96 : index
          %get3A_464 = tpu.vector_load %arg20[%get3A_462, %get3A_463] {strides = array<i32>} : memref<32x128xf32, #tpu.memory_space<vmem>>, vector<16xf32>,
          %mul3A_465 = vector.broadcast %squeeze3A_413 : f32 to vector<16xf32>
          %mul3A_466 = arith.mulf %get3A_464, %mul3A_465 : vector<16xf32>
          %swap3A_467 = arith.index_cast %add3A_409 : i32 to index
          %swap3A_468 = arith.constant 96 : index
          %swap3A_469 = tpu.vector_load %arg20[%swap3A_467, %swap3A_468] {strides = array<i32>} : memref<32x128xf32, #tpu.memory_space<vmem>>, vector<16xf32>,
          tpu.vector_store %arg20[%swap3A_467, %swap3A_468], %mul3A_466 {strides = array<i32>} : memref<32x128xf32, #tpu.memory_space<vmem>>, vector<16xf32>,
          %get3A_470 = arith.index_cast %add3A_409 : i32 to index
          %get3A_471 = arith.constant 112 : index
          %get3A_472 = tpu.vector_load %arg20[%get3A_470, %get3A_471] {strides = array<i32>} : memref<32x128xf32, #tpu.memory_space<vmem>>, vector<16xf32>,
          %mul3A_473 = vector.broadcast %squeeze3A_413 : f32 to vector<16xf32>
          %mul3A_474 = arith.mulf %get3A_472, %mul3A_473 : vector<16xf32>
          %swap3A_475 = arith.index_cast %add3A_409 : i32 to index
          %swap3A_476 = arith.constant 112 : index
          %swap3A_477 = tpu.vector_load %arg20[%swap3A_475, %swap3A_476] {strides = array<i32>} : memref<32x128xf32, #tpu.memory_space<vmem>>, vector<16xf32>,
          tpu.vector_store %arg20[%swap3A_475, %swap3A_476], %mul3A_474 {strides = array<i32>} : memref<32x128xf32, #tpu.memory_space<vmem>>, vector<16xf32>,
          %scan3A_478 = arith.constant 0 : i32
          scf.yield %scan3A_478 : i32
        }
        %scan3A_188 = arith.constant 8 : i32
        %dma_start3A_189 = arith.constant 0 : i32
        %dma_start3A_190 = arith.constant 0 : i32
        %dma_start3A_191 = tpu.memref_slice %arg22[%dma_start3A_189, %dma_start3A_190] : memref<10112x128xf32, #tpu.memory_space<vmem_shared>> -> memref<10112x128xf32, #tpu.memory_space<vmem_shared>>
        tpu.enqueue_indirect_dma source(%arg20 : memref<32x128xf32, #tpu.memory_space<vmem>>) target(%dma_start3A_191 : memref<10112x128xf32, #tpu.memory_space<vmem_shared>>) offsets(%arg14 : memref<32xi32, #tpu.memory_space<vmem>>) semaphore(%arg31 : memref<!tpu.dma_semaphore, #tpu.memory_space<semaphore_mem>>) {add = true}
      } else {
      }
      %lt3A_156 = arith.constant 313 : i32
      %lt3A_157 = arith.cmpi slt, %add3A_147, %lt3A_156 : i32
      %convert_element_type3A_158 = arith.extui %lt3A_157 : i1 to i32
      %cond3A_159 = arith.constant 0 : i32
      %cond3A_160 = arith.cmpi ne, %convert_element_type3A_158, %cond3A_159 : i32
      scf.if %cond3A_160 {
        %ge3A_179 = arith.constant 3 : i32
        %ge3A_180 = arith.cmpi sge, %add3A_147, %ge3A_179 : i32
        %convert_element_type3A_181 = arith.extui %ge3A_180 : i1 to i32
        %cond3A_182 = arith.constant 0 : i32
        %cond3A_183 = arith.cmpi ne, %convert_element_type3A_181, %cond3A_182 : i32
        scf.if %cond3A_183 {
          %dma_wait3A_295 = arith.constant 0 : i32
          %dma_wait3A_296 = arith.constant 0 : i32
          %dma_wait3A_297 = tpu.memref_slice %arg22[%dma_wait3A_295, %dma_wait3A_296] : memref<10112x128xf32, #tpu.memory_space<vmem_shared>> -> memref<10112x128xf32, #tpu.memory_space<vmem_shared>>
          tpu.wait_indirect_dma semaphore(%arg30 : memref<!tpu.dma_semaphore, #tpu.memory_space<semaphore_mem>>) src(%arg19 : memref<32x128xf32, #tpu.memory_space<vmem>>) dst(%dma_wait3A_297 : memref<10112x128xf32, #tpu.memory_space<vmem_shared>>)
        } else {
        }
        %add3A_184 = arith.addi %mul3A_2, %add3A_147 : i32
        %dma_wait3A_185 = arith.constant 0 : i32
        %dma_wait3A_186 = arith.constant 0 : i32
        %dma_wait3A_187 = tpu.memref_slice %arg4[%add3A_184, %dma_wait3A_185, %dma_wait3A_186] : memref<10016x3x32xi32, #tpu.memory_space<hbm>> -> memref<1x3x32xi32, #tpu.memory_space<hbm>>
        %dma_wait3A_188 = tpu.memref_squeeze %dma_wait3A_187 : memref<1x3x32xi32, #tpu.memory_space<hbm>> -> memref<3x32xi32, #tpu.memory_space<hbm>>
        %dma_wait3A_189 = arith.constant 0 : i32
        %dma_wait3A_190 = arith.constant 0 : i32
        %dma_wait3A_191 = tpu.memref_slice %arg4[%add3A_184, %dma_wait3A_189, %dma_wait3A_190] : memref<10016x3x32xi32, #tpu.memory_space<hbm>> -> memref<1x3x32xi32, #tpu.memory_space<hbm>>
        %dma_wait3A_192 = tpu.memref_squeeze %dma_wait3A_191 : memref<1x3x32xi32, #tpu.memory_space<hbm>> -> memref<3x32xi32, #tpu.memory_space<hbm>>
        tpu.wait_dma2 semaphore(%arg24 : memref<!tpu.dma_semaphore, #tpu.memory_space<semaphore_mem>>) src(%dma_wait3A_192 : memref<3x32xi32, #tpu.memory_space<hbm>>) dst(%arg7 : memref<3x32xi32, #tpu.memory_space<vmem>>)
        %get3A = arith.constant 2 : i32
        %get3A_193 = arith.index_cast %get3A : i32 to index
        %get3A_194 = arith.constant 0 : index
        %get3A_195 = tpu.vector_load %arg7[%get3A_193, %get3A_194] {strides = array<i32>} : memref<3x32xi32, #tpu.memory_space<vmem>>, vector<16xi32>,
        %mul3A_196 = arith.constant 10000 : i32
        %mul3A_197 = vector.broadcast %mul3A_196 : i32 to vector<16xi32>
        %mul3A_198 = arith.muli %get3A_195, %mul3A_197 : vector<16xi32>
        %get3A_199 = arith.constant 0 : i32
        %get3A_200 = arith.index_cast %get3A_199 : i32 to index
        %get3A_201 = arith.constant 0 : index
        %get3A_202 = tpu.vector_load %arg7[%get3A_200, %get3A_201] {strides = array<i32>} : memref<3x32xi32, #tpu.memory_space<vmem>>, vector<16xi32>,
        %add3A_203 = arith.addi %mul3A_198, %get3A_202 : vector<16xi32>
        %swap3A = arith.constant 0 : index
        %swap3A_204 = tpu.vector_load %arg10[%swap3A] {strides = array<i32>} : memref<32xi32, #tpu.memory_space<vmem>>, vector<16xi32>,
        tpu.vector_store %arg10[%swap3A], %add3A_203 {strides = array<i32>} : memref<32xi32, #tpu.memory_space<vmem>>, vector<16xi32>,
        %get3A_205 = arith.constant 2 : i32
        %get3A_206 = arith.index_cast %get3A_205 : i32 to index
        %get3A_207 = arith.constant 16 : index
        %get3A_208 = tpu.vector_load %arg7[%get3A_206, %get3A_207] {strides = array<i32>} : memref<3x32xi32, #tpu.memory_space<vmem>>, vector<16xi32>,
        %mul3A_209 = arith.constant 10000 : i32
        %mul3A_210 = vector.broadcast %mul3A_209 : i32 to vector<16xi32>
        %mul3A_211 = arith.muli %get3A_208, %mul3A_210 : vector<16xi32>
        %get3A_212 = arith.constant 0 : i32
        %get3A_213 = arith.index_cast %get3A_212 : i32 to index
        %get3A_214 = arith.constant 16 : index
        %get3A_215 = tpu.vector_load %arg7[%get3A_213, %get3A_214] {strides = array<i32>} : memref<3x32xi32, #tpu.memory_space<vmem>>, vector<16xi32>,
        %add3A_216 = arith.addi %mul3A_211, %get3A_215 : vector<16xi32>
        %swap3A_217 = arith.constant 16 : index
        %swap3A_218 = tpu.vector_load %arg10[%swap3A_217] {strides = array<i32>} : memref<32xi32, #tpu.memory_space<vmem>>, vector<16xi32>,
        tpu.vector_store %arg10[%swap3A_217], %add3A_216 {strides = array<i32>} : memref<32xi32, #tpu.memory_space<vmem>>, vector<16xi32>,
        %dma_start3A_219 = arith.constant 0 : i32
        %dma_start3A_220 = arith.constant 0 : i32
        %dma_start3A_221 = tpu.memref_slice %arg2[%dma_start3A_219, %dma_start3A_220] : memref<80000x128xf32, #tpu.memory_space<hbm>> -> memref<80000x128xf32, #tpu.memory_space<hbm>>
        tpu.enqueue_indirect_dma source(%dma_start3A_221 : memref<80000x128xf32, #tpu.memory_space<hbm>>) target(%arg19 : memref<32x128xf32, #tpu.memory_space<vmem>>) offsets(%arg10 : memref<32xi32, #tpu.memory_space<vmem>>) semaphore(%arg27 : memref<!tpu.dma_semaphore, #tpu.memory_space<semaphore_mem>>)
        %add3A_222 = arith.constant 2 : i32
        %add3A_223 = arith.addi %add3A_147, %add3A_222 : i32
        %lt3A_224 = arith.constant 313 : i32
        %lt3A_225 = arith.cmpi slt, %add3A_223, %lt3A_224 : i32
        %convert_element_type3A_226 = arith.extui %lt3A_225 : i1 to i32
        %cond3A_227 = arith.constant 0 : i32
        %cond3A_228 = arith.cmpi ne, %convert_element_type3A_226, %cond3A_227 : i32
        scf.if %cond3A_228 {
          %add3A_295 = arith.addi %mul3A_2, %add3A_147 : i32
          %add3A_296 = arith.constant 2 : i32
          %add3A_297 = arith.addi %add3A_295, %add3A_296 : i32
          %dma_start3A_298 = arith.constant 0 : i32
          %dma_start3A_299 = arith.constant 0 : i32
          %dma_start3A_300 = tpu.memref_slice %arg4[%add3A_297, %dma_start3A_298, %dma_start3A_299] : memref<10016x3x32xi32, #tpu.memory_space<hbm>> -> memref<1x3x32xi32, #tpu.memory_space<hbm>>
          %dma_start3A_301 = tpu.memref_squeeze %dma_start3A_300 : memref<1x3x32xi32, #tpu.memory_space<hbm>> -> memref<3x32xi32, #tpu.memory_space<hbm>>
          %dma_start3A_302 = arith.constant 0 : i32
          %dma_start3A_303 = arith.constant 0 : i32
          %dma_start3A_304 = tpu.memref_slice %arg4[%add3A_297, %dma_start3A_302, %dma_start3A_303] : memref<10016x3x32xi32, #tpu.memory_space<hbm>> -> memref<1x3x32xi32, #tpu.memory_space<hbm>>
          %dma_start3A_305 = tpu.memref_squeeze %dma_start3A_304 : memref<1x3x32xi32, #tpu.memory_space<hbm>> -> memref<3x32xi32, #tpu.memory_space<hbm>>
          tpu.enqueue_dma source(%dma_start3A_305 : memref<3x32xi32, #tpu.memory_space<hbm>>) target(%arg6 : memref<3x32xi32, #tpu.memory_space<vmem>>) target_semaphore(%arg23 : memref<!tpu.dma_semaphore, #tpu.memory_space<semaphore_mem>>)
        } else {
        }
        %get3A_229 = arith.constant 1 : i32
        %get3A_230 = arith.index_cast %get3A_229 : i32 to index
        %get3A_231 = arith.constant 0 : index
        %get3A_232 = tpu.vector_load %arg7[%get3A_230, %get3A_231] {strides = array<i32>} : memref<3x32xi32, #tpu.memory_space<vmem>>, vector<16xi32>,
        %swap3A_233 = arith.constant 0 : index
        %swap3A_234 = tpu.vector_load %arg13[%swap3A_233] {strides = array<i32>} : memref<32xi32, #tpu.memory_space<vmem>>, vector<16xi32>,
        tpu.vector_store %arg13[%swap3A_233], %get3A_232 {strides = array<i32>} : memref<32xi32, #tpu.memory_space<vmem>>, vector<16xi32>,
        %mul3A_235 = arith.constant 8 : i32
        %mul3A_236 = vector.broadcast %mul3A_235 : i32 to vector<16xi32>
        %mul3A_237 = arith.muli %get3A_232, %mul3A_236 : vector<16xi32>
        %get3A_238 = arith.constant 2 : i32
        %get3A_239 = arith.index_cast %get3A_238 : i32 to index
        %get3A_240 = arith.constant 0 : index
        %get3A_241 = tpu.vector_load %arg7[%get3A_239, %get3A_240] {strides = array<i32>} : memref<3x32xi32, #tpu.memory_space<vmem>>, vector<16xi32>,
        %add3A_242 = arith.addi %mul3A_237, %get3A_241 : vector<16xi32>
        %shift_right_logical3A = arith.constant 2 : i32
        %shift_right_logical3A_243 = vector.broadcast %shift_right_logical3A : i32 to vector<16xi32>
        %shift_right_logical3A_244 = arith.shrui %add3A_242, %shift_right_logical3A_243 : vector<16xi32>
        %gather3A = tpu.vector_load_idx %arg21[%shift_right_logical3A_244] : memref<20016xi32, #tpu.memory_space<vmem>>[vector<16xi32>], vector<16xi32>,
        %and3A_245 = arith.constant 3 : i32
        %and3A_246 = vector.broadcast %and3A_245 : i32 to vector<16xi32>
        %and3A_247 = arith.andi %add3A_242, %and3A_246 : vector<16xi32>
        %mul3A_248 = arith.constant 8 : i32
        %mul3A_249 = vector.broadcast %mul3A_248 : i32 to vector<16xi32>
        %mul3A_250 = arith.muli %and3A_247, %mul3A_249 : vector<16xi32>
        %shift_right_logical3A_251 = arith.shrui %gather3A, %mul3A_250 : vector<16xi32>
        %and3A_252 = arith.constant 255 : i32
        %and3A_253 = vector.broadcast %and3A_252 : i32 to vector<16xi32>
        %and3A_254 = arith.andi %shift_right_logical3A_251, %and3A_253 : vector<16xi32>
        %convert_element_type3A_255 = arith.sitofp %and3A_254 : vector<16xi32> to vector<16xf32>
        %mul3A_256 = arith.constant 0.00392156886 : f32
        %mul3A_257 = vector.broadcast %mul3A_256 : f32 to vector<16xf32>
        %mul3A_258 = arith.mulf %convert_element_type3A_255, %mul3A_257 : vector<16xf32>
        %swap3A_259 = arith.constant 0 : index
        %swap3A_260 = tpu.vector_load %arg16[%swap3A_259] {strides = array<i32>} : memref<48xf32, #tpu.memory_space<vmem>>, vector<16xf32>,
        tpu.vector_store %arg16[%swap3A_259], %mul3A_258 {strides = array<i32>} : memref<48xf32, #tpu.memory_space<vmem>>, vector<16xf32>,
        %get3A_261 = arith.constant 1 : i32
        %get3A_262 = arith.index_cast %get3A_261 : i32 to index
        %get3A_263 = arith.constant 16 : index
        %get3A_264 = tpu.vector_load %arg7[%get3A_262, %get3A_263] {strides = array<i32>} : memref<3x32xi32, #tpu.memory_space<vmem>>, vector<16xi32>,
        %swap3A_265 = arith.constant 16 : index
        %swap3A_266 = tpu.vector_load %arg13[%swap3A_265] {strides = array<i32>} : memref<32xi32, #tpu.memory_space<vmem>>, vector<16xi32>,
        tpu.vector_store %arg13[%swap3A_265], %get3A_264 {strides = array<i32>} : memref<32xi32, #tpu.memory_space<vmem>>, vector<16xi32>,
        %mul3A_267 = arith.constant 8 : i32
        %mul3A_268 = vector.broadcast %mul3A_267 : i32 to vector<16xi32>
        %mul3A_269 = arith.muli %get3A_264, %mul3A_268 : vector<16xi32>
        %get3A_270 = arith.constant 2 : i32
        %get3A_271 = arith.index_cast %get3A_270 : i32 to index
        %get3A_272 = arith.constant 16 : index
        %get3A_273 = tpu.vector_load %arg7[%get3A_271, %get3A_272] {strides = array<i32>} : memref<3x32xi32, #tpu.memory_space<vmem>>, vector<16xi32>,
        %add3A_274 = arith.addi %mul3A_269, %get3A_273 : vector<16xi32>
        %shift_right_logical3A_275 = arith.constant 2 : i32
        %shift_right_logical3A_276 = vector.broadcast %shift_right_logical3A_275 : i32 to vector<16xi32>
        %shift_right_logical3A_277 = arith.shrui %add3A_274, %shift_right_logical3A_276 : vector<16xi32>
        %gather3A_278 = tpu.vector_load_idx %arg21[%shift_right_logical3A_277] : memref<20016xi32, #tpu.memory_space<vmem>>[vector<16xi32>], vector<16xi32>,
        %and3A_279 = arith.constant 3 : i32
        %and3A_280 = vector.broadcast %and3A_279 : i32 to vector<16xi32>
        %and3A_281 = arith.andi %add3A_274, %and3A_280 : vector<16xi32>
        %mul3A_282 = arith.constant 8 : i32
        %mul3A_283 = vector.broadcast %mul3A_282 : i32 to vector<16xi32>
        %mul3A_284 = arith.muli %and3A_281, %mul3A_283 : vector<16xi32>
        %shift_right_logical3A_285 = arith.shrui %gather3A_278, %mul3A_284 : vector<16xi32>
        %and3A_286 = arith.constant 255 : i32
        %and3A_287 = vector.broadcast %and3A_286 : i32 to vector<16xi32>
        %and3A_288 = arith.andi %shift_right_logical3A_285, %and3A_287 : vector<16xi32>
        %convert_element_type3A_289 = arith.sitofp %and3A_288 : vector<16xi32> to vector<16xf32>
        %mul3A_290 = arith.constant 0.00392156886 : f32
        %mul3A_291 = vector.broadcast %mul3A_290 : f32 to vector<16xf32>
        %mul3A_292 = arith.mulf %convert_element_type3A_289, %mul3A_291 : vector<16xf32>
        %swap3A_293 = arith.constant 16 : index
        %swap3A_294 = tpu.vector_load %arg16[%swap3A_293] {strides = array<i32>} : memref<48xf32, #tpu.memory_space<vmem>>, vector<16xf32>,
        tpu.vector_store %arg16[%swap3A_293], %mul3A_292 {strides = array<i32>} : memref<48xf32, #tpu.memory_space<vmem>>, vector<16xf32>,
      } else {
      }
      %mul3A_161 = arith.constant 3 : i32
      %mul3A_162 = arith.muli %scan3A_128, %mul3A_161 : i32
      %add3A_163 = arith.constant 2 : i32
      %add3A_164 = arith.addi %mul3A_162, %add3A_163 : i32
      %ge3A_165 = arith.constant 2 : i32
      %ge3A_166 = arith.cmpi sge, %add3A_164, %ge3A_165 : i32
      %lt3A_167 = arith.constant 315 : i32
      %lt3A_168 = arith.cmpi slt, %add3A_164, %lt3A_167 : i32
      %and3A_169 = arith.andi %ge3A_166, %lt3A_168 : i1
      %convert_element_type3A_170 = arith.extui %and3A_169 : i1 to i32
      %cond3A_171 = arith.constant 0 : i32
      %cond3A_172 = arith.cmpi ne, %convert_element_type3A_170, %cond3A_171 : i32
      scf.if %cond3A_172 {
        %dma_wait3A_179 = arith.constant 0 : i32
        %dma_wait3A_180 = arith.constant 0 : i32
        %dma_wait3A_181 = tpu.memref_slice %arg2[%dma_wait3A_179, %dma_wait3A_180] : memref<80000x128xf32, #tpu.memory_space<hbm>> -> memref<80000x128xf32, #tpu.memory_space<hbm>>
        tpu.wait_indirect_dma semaphore(%arg26 : memref<!tpu.dma_semaphore, #tpu.memory_space<semaphore_mem>>) src(%dma_wait3A_181 : memref<80000x128xf32, #tpu.memory_space<hbm>>) dst(%arg18 : memref<32x128xf32, #tpu.memory_space<vmem>>)
        %scan3A_182 = arith.constant 0 : i32
        %scan3A_183 = arith.constant 0 : i32
        %scan3A_184 = arith.constant 8 : i32
        %scan3A_185 = arith.addi %scan3A_183, %scan3A_184 : i32
        %scan3A_186 = arith.constant 1 : i32
        %scan3A_187 = scf.for %scan3A_192 = %scan3A_183 to %scan3A_185 step %scan3A_186 iter_args(%scan3A_193 = %scan3A_182) -> (i32)  : i32 {
          %mul3A_194 = arith.constant 4 : i32
          %mul3A_195 = arith.muli %scan3A_192, %mul3A_194 : i32
          %add3A_196 = arith.constant 0 : i32
          %add3A_197 = arith.addi %mul3A_195, %add3A_196 : i32
          %get3A = arith.index_cast %add3A_197 : i32 to index
          %get3A_198 = tpu.vector_load %arg15[%get3A] {strides = array<i32>} : memref<48xf32, #tpu.memory_space<vmem>>, vector<16xf32>,
          %slice3A = vector.extract_strided_slice %get3A_198 {offsets = [0], sizes = [1], strides = [1]} : vector<16xf32> to vector<1xf32>
          %squeeze3A = vector.extract %slice3A[0] : f32 from vector<1xf32>
          %get3A_199 = arith.index_cast %add3A_197 : i32 to index
          %get3A_200 = arith.constant 0 : index
          %get3A_201 = tpu.vector_load %arg18[%get3A_199, %get3A_200] {strides = array<i32>} : memref<32x128xf32, #tpu.memory_space<vmem>>, vector<16xf32>,
          %mul3A_202 = vector.broadcast %squeeze3A : f32 to vector<16xf32>
          %mul3A_203 = arith.mulf %get3A_201, %mul3A_202 : vector<16xf32>
          %swap3A = arith.index_cast %add3A_197 : i32 to index
          %swap3A_204 = arith.constant 0 : index
          %swap3A_205 = tpu.vector_load %arg18[%swap3A, %swap3A_204] {strides = array<i32>} : memref<32x128xf32, #tpu.memory_space<vmem>>, vector<16xf32>,
          tpu.vector_store %arg18[%swap3A, %swap3A_204], %mul3A_203 {strides = array<i32>} : memref<32x128xf32, #tpu.memory_space<vmem>>, vector<16xf32>,
          %get3A_206 = arith.index_cast %add3A_197 : i32 to index
          %get3A_207 = arith.constant 16 : index
          %get3A_208 = tpu.vector_load %arg18[%get3A_206, %get3A_207] {strides = array<i32>} : memref<32x128xf32, #tpu.memory_space<vmem>>, vector<16xf32>,
          %mul3A_209 = vector.broadcast %squeeze3A : f32 to vector<16xf32>
          %mul3A_210 = arith.mulf %get3A_208, %mul3A_209 : vector<16xf32>
          %swap3A_211 = arith.index_cast %add3A_197 : i32 to index
          %swap3A_212 = arith.constant 16 : index
          %swap3A_213 = tpu.vector_load %arg18[%swap3A_211, %swap3A_212] {strides = array<i32>} : memref<32x128xf32, #tpu.memory_space<vmem>>, vector<16xf32>,
          tpu.vector_store %arg18[%swap3A_211, %swap3A_212], %mul3A_210 {strides = array<i32>} : memref<32x128xf32, #tpu.memory_space<vmem>>, vector<16xf32>,
          %get3A_214 = arith.index_cast %add3A_197 : i32 to index
          %get3A_215 = arith.constant 32 : index
          %get3A_216 = tpu.vector_load %arg18[%get3A_214, %get3A_215] {strides = array<i32>} : memref<32x128xf32, #tpu.memory_space<vmem>>, vector<16xf32>,
          %mul3A_217 = vector.broadcast %squeeze3A : f32 to vector<16xf32>
          %mul3A_218 = arith.mulf %get3A_216, %mul3A_217 : vector<16xf32>
          %swap3A_219 = arith.index_cast %add3A_197 : i32 to index
          %swap3A_220 = arith.constant 32 : index
          %swap3A_221 = tpu.vector_load %arg18[%swap3A_219, %swap3A_220] {strides = array<i32>} : memref<32x128xf32, #tpu.memory_space<vmem>>, vector<16xf32>,
          tpu.vector_store %arg18[%swap3A_219, %swap3A_220], %mul3A_218 {strides = array<i32>} : memref<32x128xf32, #tpu.memory_space<vmem>>, vector<16xf32>,
          %get3A_222 = arith.index_cast %add3A_197 : i32 to index
          %get3A_223 = arith.constant 48 : index
          %get3A_224 = tpu.vector_load %arg18[%get3A_222, %get3A_223] {strides = array<i32>} : memref<32x128xf32, #tpu.memory_space<vmem>>, vector<16xf32>,
          %mul3A_225 = vector.broadcast %squeeze3A : f32 to vector<16xf32>
          %mul3A_226 = arith.mulf %get3A_224, %mul3A_225 : vector<16xf32>
          %swap3A_227 = arith.index_cast %add3A_197 : i32 to index
          %swap3A_228 = arith.constant 48 : index
          %swap3A_229 = tpu.vector_load %arg18[%swap3A_227, %swap3A_228] {strides = array<i32>} : memref<32x128xf32, #tpu.memory_space<vmem>>, vector<16xf32>,
          tpu.vector_store %arg18[%swap3A_227, %swap3A_228], %mul3A_226 {strides = array<i32>} : memref<32x128xf32, #tpu.memory_space<vmem>>, vector<16xf32>,
          %get3A_230 = arith.index_cast %add3A_197 : i32 to index
          %get3A_231 = arith.constant 64 : index
          %get3A_232 = tpu.vector_load %arg18[%get3A_230, %get3A_231] {strides = array<i32>} : memref<32x128xf32, #tpu.memory_space<vmem>>, vector<16xf32>,
          %mul3A_233 = vector.broadcast %squeeze3A : f32 to vector<16xf32>
          %mul3A_234 = arith.mulf %get3A_232, %mul3A_233 : vector<16xf32>
          %swap3A_235 = arith.index_cast %add3A_197 : i32 to index
          %swap3A_236 = arith.constant 64 : index
          %swap3A_237 = tpu.vector_load %arg18[%swap3A_235, %swap3A_236] {strides = array<i32>} : memref<32x128xf32, #tpu.memory_space<vmem>>, vector<16xf32>,
          tpu.vector_store %arg18[%swap3A_235, %swap3A_236], %mul3A_234 {strides = array<i32>} : memref<32x128xf32, #tpu.memory_space<vmem>>, vector<16xf32>,
          %get3A_238 = arith.index_cast %add3A_197 : i32 to index
          %get3A_239 = arith.constant 80 : index
          %get3A_240 = tpu.vector_load %arg18[%get3A_238, %get3A_239] {strides = array<i32>} : memref<32x128xf32, #tpu.memory_space<vmem>>, vector<16xf32>,
          %mul3A_241 = vector.broadcast %squeeze3A : f32 to vector<16xf32>
          %mul3A_242 = arith.mulf %get3A_240, %mul3A_241 : vector<16xf32>
          %swap3A_243 = arith.index_cast %add3A_197 : i32 to index
          %swap3A_244 = arith.constant 80 : index
          %swap3A_245 = tpu.vector_load %arg18[%swap3A_243, %swap3A_244] {strides = array<i32>} : memref<32x128xf32, #tpu.memory_space<vmem>>, vector<16xf32>,
          tpu.vector_store %arg18[%swap3A_243, %swap3A_244], %mul3A_242 {strides = array<i32>} : memref<32x128xf32, #tpu.memory_space<vmem>>, vector<16xf32>,
          %get3A_246 = arith.index_cast %add3A_197 : i32 to index
          %get3A_247 = arith.constant 96 : index
          %get3A_248 = tpu.vector_load %arg18[%get3A_246, %get3A_247] {strides = array<i32>} : memref<32x128xf32, #tpu.memory_space<vmem>>, vector<16xf32>,
          %mul3A_249 = vector.broadcast %squeeze3A : f32 to vector<16xf32>
          %mul3A_250 = arith.mulf %get3A_248, %mul3A_249 : vector<16xf32>
          %swap3A_251 = arith.index_cast %add3A_197 : i32 to index
          %swap3A_252 = arith.constant 96 : index
          %swap3A_253 = tpu.vector_load %arg18[%swap3A_251, %swap3A_252] {strides = array<i32>} : memref<32x128xf32, #tpu.memory_space<vmem>>, vector<16xf32>,
          tpu.vector_store %arg18[%swap3A_251, %swap3A_252], %mul3A_250 {strides = array<i32>} : memref<32x128xf32, #tpu.memory_space<vmem>>, vector<16xf32>,
          %get3A_254 = arith.index_cast %add3A_197 : i32 to index
          %get3A_255 = arith.constant 112 : index
          %get3A_256 = tpu.vector_load %arg18[%get3A_254, %get3A_255] {strides = array<i32>} : memref<32x128xf32, #tpu.memory_space<vmem>>, vector<16xf32>,
          %mul3A_257 = vector.broadcast %squeeze3A : f32 to vector<16xf32>
          %mul3A_258 = arith.mulf %get3A_256, %mul3A_257 : vector<16xf32>
          %swap3A_259 = arith.index_cast %add3A_197 : i32 to index
          %swap3A_260 = arith.constant 112 : index
          %swap3A_261 = tpu.vector_load %arg18[%swap3A_259, %swap3A_260] {strides = array<i32>} : memref<32x128xf32, #tpu.memory_space<vmem>>, vector<16xf32>,
          tpu.vector_store %arg18[%swap3A_259, %swap3A_260], %mul3A_258 {strides = array<i32>} : memref<32x128xf32, #tpu.memory_space<vmem>>, vector<16xf32>,
          %mul3A_262 = arith.constant 4 : i32
          %mul3A_263 = arith.muli %scan3A_192, %mul3A_262 : i32
          %add3A_264 = arith.constant 1 : i32
          %add3A_265 = arith.addi %mul3A_263, %add3A_264 : i32
          %get3A_266 = arith.index_cast %add3A_265 : i32 to index
          %get3A_267 = tpu.vector_load %arg15[%get3A_266] {strides = array<i32>} : memref<48xf32, #tpu.memory_space<vmem>>, vector<16xf32>,
          %slice3A_268 = vector.extract_strided_slice %get3A_267 {offsets = [0], sizes = [1], strides = [1]} : vector<16xf32> to vector<1xf32>
          %squeeze3A_269 = vector.extract %slice3A_268[0] : f32 from vector<1xf32>
          %get3A_270 = arith.index_cast %add3A_265 : i32 to index
          %get3A_271 = arith.constant 0 : index
          %get3A_272 = tpu.vector_load %arg18[%get3A_270, %get3A_271] {strides = array<i32>} : memref<32x128xf32, #tpu.memory_space<vmem>>, vector<16xf32>,
          %mul3A_273 = vector.broadcast %squeeze3A_269 : f32 to vector<16xf32>
          %mul3A_274 = arith.mulf %get3A_272, %mul3A_273 : vector<16xf32>
          %swap3A_275 = arith.index_cast %add3A_265 : i32 to index
          %swap3A_276 = arith.constant 0 : index
          %swap3A_277 = tpu.vector_load %arg18[%swap3A_275, %swap3A_276] {strides = array<i32>} : memref<32x128xf32, #tpu.memory_space<vmem>>, vector<16xf32>,
          tpu.vector_store %arg18[%swap3A_275, %swap3A_276], %mul3A_274 {strides = array<i32>} : memref<32x128xf32, #tpu.memory_space<vmem>>, vector<16xf32>,
          %get3A_278 = arith.index_cast %add3A_265 : i32 to index
          %get3A_279 = arith.constant 16 : index
          %get3A_280 = tpu.vector_load %arg18[%get3A_278, %get3A_279] {strides = array<i32>} : memref<32x128xf32, #tpu.memory_space<vmem>>, vector<16xf32>,
          %mul3A_281 = vector.broadcast %squeeze3A_269 : f32 to vector<16xf32>
          %mul3A_282 = arith.mulf %get3A_280, %mul3A_281 : vector<16xf32>
          %swap3A_283 = arith.index_cast %add3A_265 : i32 to index
          %swap3A_284 = arith.constant 16 : index
          %swap3A_285 = tpu.vector_load %arg18[%swap3A_283, %swap3A_284] {strides = array<i32>} : memref<32x128xf32, #tpu.memory_space<vmem>>, vector<16xf32>,
          tpu.vector_store %arg18[%swap3A_283, %swap3A_284], %mul3A_282 {strides = array<i32>} : memref<32x128xf32, #tpu.memory_space<vmem>>, vector<16xf32>,
          %get3A_286 = arith.index_cast %add3A_265 : i32 to index
          %get3A_287 = arith.constant 32 : index
          %get3A_288 = tpu.vector_load %arg18[%get3A_286, %get3A_287] {strides = array<i32>} : memref<32x128xf32, #tpu.memory_space<vmem>>, vector<16xf32>,
          %mul3A_289 = vector.broadcast %squeeze3A_269 : f32 to vector<16xf32>
          %mul3A_290 = arith.mulf %get3A_288, %mul3A_289 : vector<16xf32>
          %swap3A_291 = arith.index_cast %add3A_265 : i32 to index
          %swap3A_292 = arith.constant 32 : index
          %swap3A_293 = tpu.vector_load %arg18[%swap3A_291, %swap3A_292] {strides = array<i32>} : memref<32x128xf32, #tpu.memory_space<vmem>>, vector<16xf32>,
          tpu.vector_store %arg18[%swap3A_291, %swap3A_292], %mul3A_290 {strides = array<i32>} : memref<32x128xf32, #tpu.memory_space<vmem>>, vector<16xf32>,
          %get3A_294 = arith.index_cast %add3A_265 : i32 to index
          %get3A_295 = arith.constant 48 : index
          %get3A_296 = tpu.vector_load %arg18[%get3A_294, %get3A_295] {strides = array<i32>} : memref<32x128xf32, #tpu.memory_space<vmem>>, vector<16xf32>,
          %mul3A_297 = vector.broadcast %squeeze3A_269 : f32 to vector<16xf32>
          %mul3A_298 = arith.mulf %get3A_296, %mul3A_297 : vector<16xf32>
          %swap3A_299 = arith.index_cast %add3A_265 : i32 to index
          %swap3A_300 = arith.constant 48 : index
          %swap3A_301 = tpu.vector_load %arg18[%swap3A_299, %swap3A_300] {strides = array<i32>} : memref<32x128xf32, #tpu.memory_space<vmem>>, vector<16xf32>,
          tpu.vector_store %arg18[%swap3A_299, %swap3A_300], %mul3A_298 {strides = array<i32>} : memref<32x128xf32, #tpu.memory_space<vmem>>, vector<16xf32>,
          %get3A_302 = arith.index_cast %add3A_265 : i32 to index
          %get3A_303 = arith.constant 64 : index
          %get3A_304 = tpu.vector_load %arg18[%get3A_302, %get3A_303] {strides = array<i32>} : memref<32x128xf32, #tpu.memory_space<vmem>>, vector<16xf32>,
          %mul3A_305 = vector.broadcast %squeeze3A_269 : f32 to vector<16xf32>
          %mul3A_306 = arith.mulf %get3A_304, %mul3A_305 : vector<16xf32>
          %swap3A_307 = arith.index_cast %add3A_265 : i32 to index
          %swap3A_308 = arith.constant 64 : index
          %swap3A_309 = tpu.vector_load %arg18[%swap3A_307, %swap3A_308] {strides = array<i32>} : memref<32x128xf32, #tpu.memory_space<vmem>>, vector<16xf32>,
          tpu.vector_store %arg18[%swap3A_307, %swap3A_308], %mul3A_306 {strides = array<i32>} : memref<32x128xf32, #tpu.memory_space<vmem>>, vector<16xf32>,
          %get3A_310 = arith.index_cast %add3A_265 : i32 to index
          %get3A_311 = arith.constant 80 : index
          %get3A_312 = tpu.vector_load %arg18[%get3A_310, %get3A_311] {strides = array<i32>} : memref<32x128xf32, #tpu.memory_space<vmem>>, vector<16xf32>,
          %mul3A_313 = vector.broadcast %squeeze3A_269 : f32 to vector<16xf32>
          %mul3A_314 = arith.mulf %get3A_312, %mul3A_313 : vector<16xf32>
          %swap3A_315 = arith.index_cast %add3A_265 : i32 to index
          %swap3A_316 = arith.constant 80 : index
          %swap3A_317 = tpu.vector_load %arg18[%swap3A_315, %swap3A_316] {strides = array<i32>} : memref<32x128xf32, #tpu.memory_space<vmem>>, vector<16xf32>,
          tpu.vector_store %arg18[%swap3A_315, %swap3A_316], %mul3A_314 {strides = array<i32>} : memref<32x128xf32, #tpu.memory_space<vmem>>, vector<16xf32>,
          %get3A_318 = arith.index_cast %add3A_265 : i32 to index
          %get3A_319 = arith.constant 96 : index
          %get3A_320 = tpu.vector_load %arg18[%get3A_318, %get3A_319] {strides = array<i32>} : memref<32x128xf32, #tpu.memory_space<vmem>>, vector<16xf32>,
          %mul3A_321 = vector.broadcast %squeeze3A_269 : f32 to vector<16xf32>
          %mul3A_322 = arith.mulf %get3A_320, %mul3A_321 : vector<16xf32>
          %swap3A_323 = arith.index_cast %add3A_265 : i32 to index
          %swap3A_324 = arith.constant 96 : index
          %swap3A_325 = tpu.vector_load %arg18[%swap3A_323, %swap3A_324] {strides = array<i32>} : memref<32x128xf32, #tpu.memory_space<vmem>>, vector<16xf32>,
          tpu.vector_store %arg18[%swap3A_323, %swap3A_324], %mul3A_322 {strides = array<i32>} : memref<32x128xf32, #tpu.memory_space<vmem>>, vector<16xf32>,
          %get3A_326 = arith.index_cast %add3A_265 : i32 to index
          %get3A_327 = arith.constant 112 : index
          %get3A_328 = tpu.vector_load %arg18[%get3A_326, %get3A_327] {strides = array<i32>} : memref<32x128xf32, #tpu.memory_space<vmem>>, vector<16xf32>,
          %mul3A_329 = vector.broadcast %squeeze3A_269 : f32 to vector<16xf32>
          %mul3A_330 = arith.mulf %get3A_328, %mul3A_329 : vector<16xf32>
          %swap3A_331 = arith.index_cast %add3A_265 : i32 to index
          %swap3A_332 = arith.constant 112 : index
          %swap3A_333 = tpu.vector_load %arg18[%swap3A_331, %swap3A_332] {strides = array<i32>} : memref<32x128xf32, #tpu.memory_space<vmem>>, vector<16xf32>,
          tpu.vector_store %arg18[%swap3A_331, %swap3A_332], %mul3A_330 {strides = array<i32>} : memref<32x128xf32, #tpu.memory_space<vmem>>, vector<16xf32>,
          %mul3A_334 = arith.constant 4 : i32
          %mul3A_335 = arith.muli %scan3A_192, %mul3A_334 : i32
          %add3A_336 = arith.constant 2 : i32
          %add3A_337 = arith.addi %mul3A_335, %add3A_336 : i32
          %get3A_338 = arith.index_cast %add3A_337 : i32 to index
          %get3A_339 = tpu.vector_load %arg15[%get3A_338] {strides = array<i32>} : memref<48xf32, #tpu.memory_space<vmem>>, vector<16xf32>,
          %slice3A_340 = vector.extract_strided_slice %get3A_339 {offsets = [0], sizes = [1], strides = [1]} : vector<16xf32> to vector<1xf32>
          %squeeze3A_341 = vector.extract %slice3A_340[0] : f32 from vector<1xf32>
          %get3A_342 = arith.index_cast %add3A_337 : i32 to index
          %get3A_343 = arith.constant 0 : index
          %get3A_344 = tpu.vector_load %arg18[%get3A_342, %get3A_343] {strides = array<i32>} : memref<32x128xf32, #tpu.memory_space<vmem>>, vector<16xf32>,
          %mul3A_345 = vector.broadcast %squeeze3A_341 : f32 to vector<16xf32>
          %mul3A_346 = arith.mulf %get3A_344, %mul3A_345 : vector<16xf32>
          %swap3A_347 = arith.index_cast %add3A_337 : i32 to index
          %swap3A_348 = arith.constant 0 : index
          %swap3A_349 = tpu.vector_load %arg18[%swap3A_347, %swap3A_348] {strides = array<i32>} : memref<32x128xf32, #tpu.memory_space<vmem>>, vector<16xf32>,
          tpu.vector_store %arg18[%swap3A_347, %swap3A_348], %mul3A_346 {strides = array<i32>} : memref<32x128xf32, #tpu.memory_space<vmem>>, vector<16xf32>,
          %get3A_350 = arith.index_cast %add3A_337 : i32 to index
          %get3A_351 = arith.constant 16 : index
          %get3A_352 = tpu.vector_load %arg18[%get3A_350, %get3A_351] {strides = array<i32>} : memref<32x128xf32, #tpu.memory_space<vmem>>, vector<16xf32>,
          %mul3A_353 = vector.broadcast %squeeze3A_341 : f32 to vector<16xf32>
          %mul3A_354 = arith.mulf %get3A_352, %mul3A_353 : vector<16xf32>
          %swap3A_355 = arith.index_cast %add3A_337 : i32 to index
          %swap3A_356 = arith.constant 16 : index
          %swap3A_357 = tpu.vector_load %arg18[%swap3A_355, %swap3A_356] {strides = array<i32>} : memref<32x128xf32, #tpu.memory_space<vmem>>, vector<16xf32>,
          tpu.vector_store %arg18[%swap3A_355, %swap3A_356], %mul3A_354 {strides = array<i32>} : memref<32x128xf32, #tpu.memory_space<vmem>>, vector<16xf32>,
          %get3A_358 = arith.index_cast %add3A_337 : i32 to index
          %get3A_359 = arith.constant 32 : index
          %get3A_360 = tpu.vector_load %arg18[%get3A_358, %get3A_359] {strides = array<i32>} : memref<32x128xf32, #tpu.memory_space<vmem>>, vector<16xf32>,
          %mul3A_361 = vector.broadcast %squeeze3A_341 : f32 to vector<16xf32>
          %mul3A_362 = arith.mulf %get3A_360, %mul3A_361 : vector<16xf32>
          %swap3A_363 = arith.index_cast %add3A_337 : i32 to index
          %swap3A_364 = arith.constant 32 : index
          %swap3A_365 = tpu.vector_load %arg18[%swap3A_363, %swap3A_364] {strides = array<i32>} : memref<32x128xf32, #tpu.memory_space<vmem>>, vector<16xf32>,
          tpu.vector_store %arg18[%swap3A_363, %swap3A_364], %mul3A_362 {strides = array<i32>} : memref<32x128xf32, #tpu.memory_space<vmem>>, vector<16xf32>,
          %get3A_366 = arith.index_cast %add3A_337 : i32 to index
          %get3A_367 = arith.constant 48 : index
          %get3A_368 = tpu.vector_load %arg18[%get3A_366, %get3A_367] {strides = array<i32>} : memref<32x128xf32, #tpu.memory_space<vmem>>, vector<16xf32>,
          %mul3A_369 = vector.broadcast %squeeze3A_341 : f32 to vector<16xf32>
          %mul3A_370 = arith.mulf %get3A_368, %mul3A_369 : vector<16xf32>
          %swap3A_371 = arith.index_cast %add3A_337 : i32 to index
          %swap3A_372 = arith.constant 48 : index
          %swap3A_373 = tpu.vector_load %arg18[%swap3A_371, %swap3A_372] {strides = array<i32>} : memref<32x128xf32, #tpu.memory_space<vmem>>, vector<16xf32>,
          tpu.vector_store %arg18[%swap3A_371, %swap3A_372], %mul3A_370 {strides = array<i32>} : memref<32x128xf32, #tpu.memory_space<vmem>>, vector<16xf32>,
          %get3A_374 = arith.index_cast %add3A_337 : i32 to index
          %get3A_375 = arith.constant 64 : index
          %get3A_376 = tpu.vector_load %arg18[%get3A_374, %get3A_375] {strides = array<i32>} : memref<32x128xf32, #tpu.memory_space<vmem>>, vector<16xf32>,
          %mul3A_377 = vector.broadcast %squeeze3A_341 : f32 to vector<16xf32>
          %mul3A_378 = arith.mulf %get3A_376, %mul3A_377 : vector<16xf32>
          %swap3A_379 = arith.index_cast %add3A_337 : i32 to index
          %swap3A_380 = arith.constant 64 : index
          %swap3A_381 = tpu.vector_load %arg18[%swap3A_379, %swap3A_380] {strides = array<i32>} : memref<32x128xf32, #tpu.memory_space<vmem>>, vector<16xf32>,
          tpu.vector_store %arg18[%swap3A_379, %swap3A_380], %mul3A_378 {strides = array<i32>} : memref<32x128xf32, #tpu.memory_space<vmem>>, vector<16xf32>,
          %get3A_382 = arith.index_cast %add3A_337 : i32 to index
          %get3A_383 = arith.constant 80 : index
          %get3A_384 = tpu.vector_load %arg18[%get3A_382, %get3A_383] {strides = array<i32>} : memref<32x128xf32, #tpu.memory_space<vmem>>, vector<16xf32>,
          %mul3A_385 = vector.broadcast %squeeze3A_341 : f32 to vector<16xf32>
          %mul3A_386 = arith.mulf %get3A_384, %mul3A_385 : vector<16xf32>
          %swap3A_387 = arith.index_cast %add3A_337 : i32 to index
          %swap3A_388 = arith.constant 80 : index
          %swap3A_389 = tpu.vector_load %arg18[%swap3A_387, %swap3A_388] {strides = array<i32>} : memref<32x128xf32, #tpu.memory_space<vmem>>, vector<16xf32>,
          tpu.vector_store %arg18[%swap3A_387, %swap3A_388], %mul3A_386 {strides = array<i32>} : memref<32x128xf32, #tpu.memory_space<vmem>>, vector<16xf32>,
          %get3A_390 = arith.index_cast %add3A_337 : i32 to index
          %get3A_391 = arith.constant 96 : index
          %get3A_392 = tpu.vector_load %arg18[%get3A_390, %get3A_391] {strides = array<i32>} : memref<32x128xf32, #tpu.memory_space<vmem>>, vector<16xf32>,
          %mul3A_393 = vector.broadcast %squeeze3A_341 : f32 to vector<16xf32>
          %mul3A_394 = arith.mulf %get3A_392, %mul3A_393 : vector<16xf32>
          %swap3A_395 = arith.index_cast %add3A_337 : i32 to index
          %swap3A_396 = arith.constant 96 : index
          %swap3A_397 = tpu.vector_load %arg18[%swap3A_395, %swap3A_396] {strides = array<i32>} : memref<32x128xf32, #tpu.memory_space<vmem>>, vector<16xf32>,
          tpu.vector_store %arg18[%swap3A_395, %swap3A_396], %mul3A_394 {strides = array<i32>} : memref<32x128xf32, #tpu.memory_space<vmem>>, vector<16xf32>,
          %get3A_398 = arith.index_cast %add3A_337 : i32 to index
          %get3A_399 = arith.constant 112 : index
          %get3A_400 = tpu.vector_load %arg18[%get3A_398, %get3A_399] {strides = array<i32>} : memref<32x128xf32, #tpu.memory_space<vmem>>, vector<16xf32>,
          %mul3A_401 = vector.broadcast %squeeze3A_341 : f32 to vector<16xf32>
          %mul3A_402 = arith.mulf %get3A_400, %mul3A_401 : vector<16xf32>
          %swap3A_403 = arith.index_cast %add3A_337 : i32 to index
          %swap3A_404 = arith.constant 112 : index
          %swap3A_405 = tpu.vector_load %arg18[%swap3A_403, %swap3A_404] {strides = array<i32>} : memref<32x128xf32, #tpu.memory_space<vmem>>, vector<16xf32>,
          tpu.vector_store %arg18[%swap3A_403, %swap3A_404], %mul3A_402 {strides = array<i32>} : memref<32x128xf32, #tpu.memory_space<vmem>>, vector<16xf32>,
          %mul3A_406 = arith.constant 4 : i32
          %mul3A_407 = arith.muli %scan3A_192, %mul3A_406 : i32
          %add3A_408 = arith.constant 3 : i32
          %add3A_409 = arith.addi %mul3A_407, %add3A_408 : i32
          %get3A_410 = arith.index_cast %add3A_409 : i32 to index
          %get3A_411 = tpu.vector_load %arg15[%get3A_410] {strides = array<i32>} : memref<48xf32, #tpu.memory_space<vmem>>, vector<16xf32>,
          %slice3A_412 = vector.extract_strided_slice %get3A_411 {offsets = [0], sizes = [1], strides = [1]} : vector<16xf32> to vector<1xf32>
          %squeeze3A_413 = vector.extract %slice3A_412[0] : f32 from vector<1xf32>
          %get3A_414 = arith.index_cast %add3A_409 : i32 to index
          %get3A_415 = arith.constant 0 : index
          %get3A_416 = tpu.vector_load %arg18[%get3A_414, %get3A_415] {strides = array<i32>} : memref<32x128xf32, #tpu.memory_space<vmem>>, vector<16xf32>,
          %mul3A_417 = vector.broadcast %squeeze3A_413 : f32 to vector<16xf32>
          %mul3A_418 = arith.mulf %get3A_416, %mul3A_417 : vector<16xf32>
          %swap3A_419 = arith.index_cast %add3A_409 : i32 to index
          %swap3A_420 = arith.constant 0 : index
          %swap3A_421 = tpu.vector_load %arg18[%swap3A_419, %swap3A_420] {strides = array<i32>} : memref<32x128xf32, #tpu.memory_space<vmem>>, vector<16xf32>,
          tpu.vector_store %arg18[%swap3A_419, %swap3A_420], %mul3A_418 {strides = array<i32>} : memref<32x128xf32, #tpu.memory_space<vmem>>, vector<16xf32>,
          %get3A_422 = arith.index_cast %add3A_409 : i32 to index
          %get3A_423 = arith.constant 16 : index
          %get3A_424 = tpu.vector_load %arg18[%get3A_422, %get3A_423] {strides = array<i32>} : memref<32x128xf32, #tpu.memory_space<vmem>>, vector<16xf32>,
          %mul3A_425 = vector.broadcast %squeeze3A_413 : f32 to vector<16xf32>
          %mul3A_426 = arith.mulf %get3A_424, %mul3A_425 : vector<16xf32>
          %swap3A_427 = arith.index_cast %add3A_409 : i32 to index
          %swap3A_428 = arith.constant 16 : index
          %swap3A_429 = tpu.vector_load %arg18[%swap3A_427, %swap3A_428] {strides = array<i32>} : memref<32x128xf32, #tpu.memory_space<vmem>>, vector<16xf32>,
          tpu.vector_store %arg18[%swap3A_427, %swap3A_428], %mul3A_426 {strides = array<i32>} : memref<32x128xf32, #tpu.memory_space<vmem>>, vector<16xf32>,
          %get3A_430 = arith.index_cast %add3A_409 : i32 to index
          %get3A_431 = arith.constant 32 : index
          %get3A_432 = tpu.vector_load %arg18[%get3A_430, %get3A_431] {strides = array<i32>} : memref<32x128xf32, #tpu.memory_space<vmem>>, vector<16xf32>,
          %mul3A_433 = vector.broadcast %squeeze3A_413 : f32 to vector<16xf32>
          %mul3A_434 = arith.mulf %get3A_432, %mul3A_433 : vector<16xf32>
          %swap3A_435 = arith.index_cast %add3A_409 : i32 to index
          %swap3A_436 = arith.constant 32 : index
          %swap3A_437 = tpu.vector_load %arg18[%swap3A_435, %swap3A_436] {strides = array<i32>} : memref<32x128xf32, #tpu.memory_space<vmem>>, vector<16xf32>,
          tpu.vector_store %arg18[%swap3A_435, %swap3A_436], %mul3A_434 {strides = array<i32>} : memref<32x128xf32, #tpu.memory_space<vmem>>, vector<16xf32>,
          %get3A_438 = arith.index_cast %add3A_409 : i32 to index
          %get3A_439 = arith.constant 48 : index
          %get3A_440 = tpu.vector_load %arg18[%get3A_438, %get3A_439] {strides = array<i32>} : memref<32x128xf32, #tpu.memory_space<vmem>>, vector<16xf32>,
          %mul3A_441 = vector.broadcast %squeeze3A_413 : f32 to vector<16xf32>
          %mul3A_442 = arith.mulf %get3A_440, %mul3A_441 : vector<16xf32>
          %swap3A_443 = arith.index_cast %add3A_409 : i32 to index
          %swap3A_444 = arith.constant 48 : index
          %swap3A_445 = tpu.vector_load %arg18[%swap3A_443, %swap3A_444] {strides = array<i32>} : memref<32x128xf32, #tpu.memory_space<vmem>>, vector<16xf32>,
          tpu.vector_store %arg18[%swap3A_443, %swap3A_444], %mul3A_442 {strides = array<i32>} : memref<32x128xf32, #tpu.memory_space<vmem>>, vector<16xf32>,
          %get3A_446 = arith.index_cast %add3A_409 : i32 to index
          %get3A_447 = arith.constant 64 : index
          %get3A_448 = tpu.vector_load %arg18[%get3A_446, %get3A_447] {strides = array<i32>} : memref<32x128xf32, #tpu.memory_space<vmem>>, vector<16xf32>,
          %mul3A_449 = vector.broadcast %squeeze3A_413 : f32 to vector<16xf32>
          %mul3A_450 = arith.mulf %get3A_448, %mul3A_449 : vector<16xf32>
          %swap3A_451 = arith.index_cast %add3A_409 : i32 to index
          %swap3A_452 = arith.constant 64 : index
          %swap3A_453 = tpu.vector_load %arg18[%swap3A_451, %swap3A_452] {strides = array<i32>} : memref<32x128xf32, #tpu.memory_space<vmem>>, vector<16xf32>,
          tpu.vector_store %arg18[%swap3A_451, %swap3A_452], %mul3A_450 {strides = array<i32>} : memref<32x128xf32, #tpu.memory_space<vmem>>, vector<16xf32>,
          %get3A_454 = arith.index_cast %add3A_409 : i32 to index
          %get3A_455 = arith.constant 80 : index
          %get3A_456 = tpu.vector_load %arg18[%get3A_454, %get3A_455] {strides = array<i32>} : memref<32x128xf32, #tpu.memory_space<vmem>>, vector<16xf32>,
          %mul3A_457 = vector.broadcast %squeeze3A_413 : f32 to vector<16xf32>
          %mul3A_458 = arith.mulf %get3A_456, %mul3A_457 : vector<16xf32>
          %swap3A_459 = arith.index_cast %add3A_409 : i32 to index
          %swap3A_460 = arith.constant 80 : index
          %swap3A_461 = tpu.vector_load %arg18[%swap3A_459, %swap3A_460] {strides = array<i32>} : memref<32x128xf32, #tpu.memory_space<vmem>>, vector<16xf32>,
          tpu.vector_store %arg18[%swap3A_459, %swap3A_460], %mul3A_458 {strides = array<i32>} : memref<32x128xf32, #tpu.memory_space<vmem>>, vector<16xf32>,
          %get3A_462 = arith.index_cast %add3A_409 : i32 to index
          %get3A_463 = arith.constant 96 : index
          %get3A_464 = tpu.vector_load %arg18[%get3A_462, %get3A_463] {strides = array<i32>} : memref<32x128xf32, #tpu.memory_space<vmem>>, vector<16xf32>,
          %mul3A_465 = vector.broadcast %squeeze3A_413 : f32 to vector<16xf32>
          %mul3A_466 = arith.mulf %get3A_464, %mul3A_465 : vector<16xf32>
          %swap3A_467 = arith.index_cast %add3A_409 : i32 to index
          %swap3A_468 = arith.constant 96 : index
          %swap3A_469 = tpu.vector_load %arg18[%swap3A_467, %swap3A_468] {strides = array<i32>} : memref<32x128xf32, #tpu.memory_space<vmem>>, vector<16xf32>,
          tpu.vector_store %arg18[%swap3A_467, %swap3A_468], %mul3A_466 {strides = array<i32>} : memref<32x128xf32, #tpu.memory_space<vmem>>, vector<16xf32>,
          %get3A_470 = arith.index_cast %add3A_409 : i32 to index
          %get3A_471 = arith.constant 112 : index
          %get3A_472 = tpu.vector_load %arg18[%get3A_470, %get3A_471] {strides = array<i32>} : memref<32x128xf32, #tpu.memory_space<vmem>>, vector<16xf32>,
          %mul3A_473 = vector.broadcast %squeeze3A_413 : f32 to vector<16xf32>
          %mul3A_474 = arith.mulf %get3A_472, %mul3A_473 : vector<16xf32>
          %swap3A_475 = arith.index_cast %add3A_409 : i32 to index
          %swap3A_476 = arith.constant 112 : index
          %swap3A_477 = tpu.vector_load %arg18[%swap3A_475, %swap3A_476] {strides = array<i32>} : memref<32x128xf32, #tpu.memory_space<vmem>>, vector<16xf32>,
          tpu.vector_store %arg18[%swap3A_475, %swap3A_476], %mul3A_474 {strides = array<i32>} : memref<32x128xf32, #tpu.memory_space<vmem>>, vector<16xf32>,
          %scan3A_478 = arith.constant 0 : i32
          scf.yield %scan3A_478 : i32
        }
        %scan3A_188 = arith.constant 8 : i32
        %dma_start3A_189 = arith.constant 0 : i32
        %dma_start3A_190 = arith.constant 0 : i32
        %dma_start3A_191 = tpu.memref_slice %arg22[%dma_start3A_189, %dma_start3A_190] : memref<10112x128xf32, #tpu.memory_space<vmem_shared>> -> memref<10112x128xf32, #tpu.memory_space<vmem_shared>>
        tpu.enqueue_indirect_dma source(%arg18 : memref<32x128xf32, #tpu.memory_space<vmem>>) target(%dma_start3A_191 : memref<10112x128xf32, #tpu.memory_space<vmem_shared>>) offsets(%arg12 : memref<32xi32, #tpu.memory_space<vmem>>) semaphore(%arg29 : memref<!tpu.dma_semaphore, #tpu.memory_space<semaphore_mem>>) {add = true}
      } else {
      }
      %lt3A_173 = arith.constant 313 : i32
      %lt3A_174 = arith.cmpi slt, %add3A_164, %lt3A_173 : i32
      %convert_element_type3A_175 = arith.extui %lt3A_174 : i1 to i32
      %cond3A_176 = arith.constant 0 : i32
      %cond3A_177 = arith.cmpi ne, %convert_element_type3A_175, %cond3A_176 : i32
      scf.if %cond3A_177 {
        %ge3A_179 = arith.constant 3 : i32
        %ge3A_180 = arith.cmpi sge, %add3A_164, %ge3A_179 : i32
        %convert_element_type3A_181 = arith.extui %ge3A_180 : i1 to i32
        %cond3A_182 = arith.constant 0 : i32
        %cond3A_183 = arith.cmpi ne, %convert_element_type3A_181, %cond3A_182 : i32
        scf.if %cond3A_183 {
          %dma_wait3A_295 = arith.constant 0 : i32
          %dma_wait3A_296 = arith.constant 0 : i32
          %dma_wait3A_297 = tpu.memref_slice %arg22[%dma_wait3A_295, %dma_wait3A_296] : memref<10112x128xf32, #tpu.memory_space<vmem_shared>> -> memref<10112x128xf32, #tpu.memory_space<vmem_shared>>
          tpu.wait_indirect_dma semaphore(%arg31 : memref<!tpu.dma_semaphore, #tpu.memory_space<semaphore_mem>>) src(%arg20 : memref<32x128xf32, #tpu.memory_space<vmem>>) dst(%dma_wait3A_297 : memref<10112x128xf32, #tpu.memory_space<vmem_shared>>)
        } else {
        }
        %add3A_184 = arith.addi %mul3A_2, %add3A_164 : i32
        %dma_wait3A_185 = arith.constant 0 : i32
        %dma_wait3A_186 = arith.constant 0 : i32
        %dma_wait3A_187 = tpu.memref_slice %arg4[%add3A_184, %dma_wait3A_185, %dma_wait3A_186] : memref<10016x3x32xi32, #tpu.memory_space<hbm>> -> memref<1x3x32xi32, #tpu.memory_space<hbm>>
        %dma_wait3A_188 = tpu.memref_squeeze %dma_wait3A_187 : memref<1x3x32xi32, #tpu.memory_space<hbm>> -> memref<3x32xi32, #tpu.memory_space<hbm>>
        %dma_wait3A_189 = arith.constant 0 : i32
        %dma_wait3A_190 = arith.constant 0 : i32
        %dma_wait3A_191 = tpu.memref_slice %arg4[%add3A_184, %dma_wait3A_189, %dma_wait3A_190] : memref<10016x3x32xi32, #tpu.memory_space<hbm>> -> memref<1x3x32xi32, #tpu.memory_space<hbm>>
        %dma_wait3A_192 = tpu.memref_squeeze %dma_wait3A_191 : memref<1x3x32xi32, #tpu.memory_space<hbm>> -> memref<3x32xi32, #tpu.memory_space<hbm>>
        tpu.wait_dma2 semaphore(%arg25 : memref<!tpu.dma_semaphore, #tpu.memory_space<semaphore_mem>>) src(%dma_wait3A_192 : memref<3x32xi32, #tpu.memory_space<hbm>>) dst(%arg8 : memref<3x32xi32, #tpu.memory_space<vmem>>)
        %get3A = arith.constant 2 : i32
        %get3A_193 = arith.index_cast %get3A : i32 to index
        %get3A_194 = arith.constant 0 : index
        %get3A_195 = tpu.vector_load %arg8[%get3A_193, %get3A_194] {strides = array<i32>} : memref<3x32xi32, #tpu.memory_space<vmem>>, vector<16xi32>,
        %mul3A_196 = arith.constant 10000 : i32
        %mul3A_197 = vector.broadcast %mul3A_196 : i32 to vector<16xi32>
        %mul3A_198 = arith.muli %get3A_195, %mul3A_197 : vector<16xi32>
        %get3A_199 = arith.constant 0 : i32
        %get3A_200 = arith.index_cast %get3A_199 : i32 to index
        %get3A_201 = arith.constant 0 : index
        %get3A_202 = tpu.vector_load %arg8[%get3A_200, %get3A_201] {strides = array<i32>} : memref<3x32xi32, #tpu.memory_space<vmem>>, vector<16xi32>,
        %add3A_203 = arith.addi %mul3A_198, %get3A_202 : vector<16xi32>
        %swap3A = arith.constant 0 : index
        %swap3A_204 = tpu.vector_load %arg11[%swap3A] {strides = array<i32>} : memref<32xi32, #tpu.memory_space<vmem>>, vector<16xi32>,
        tpu.vector_store %arg11[%swap3A], %add3A_203 {strides = array<i32>} : memref<32xi32, #tpu.memory_space<vmem>>, vector<16xi32>,
        %get3A_205 = arith.constant 2 : i32
        %get3A_206 = arith.index_cast %get3A_205 : i32 to index
        %get3A_207 = arith.constant 16 : index
        %get3A_208 = tpu.vector_load %arg8[%get3A_206, %get3A_207] {strides = array<i32>} : memref<3x32xi32, #tpu.memory_space<vmem>>, vector<16xi32>,
        %mul3A_209 = arith.constant 10000 : i32
        %mul3A_210 = vector.broadcast %mul3A_209 : i32 to vector<16xi32>
        %mul3A_211 = arith.muli %get3A_208, %mul3A_210 : vector<16xi32>
        %get3A_212 = arith.constant 0 : i32
        %get3A_213 = arith.index_cast %get3A_212 : i32 to index
        %get3A_214 = arith.constant 16 : index
        %get3A_215 = tpu.vector_load %arg8[%get3A_213, %get3A_214] {strides = array<i32>} : memref<3x32xi32, #tpu.memory_space<vmem>>, vector<16xi32>,
        %add3A_216 = arith.addi %mul3A_211, %get3A_215 : vector<16xi32>
        %swap3A_217 = arith.constant 16 : index
        %swap3A_218 = tpu.vector_load %arg11[%swap3A_217] {strides = array<i32>} : memref<32xi32, #tpu.memory_space<vmem>>, vector<16xi32>,
        tpu.vector_store %arg11[%swap3A_217], %add3A_216 {strides = array<i32>} : memref<32xi32, #tpu.memory_space<vmem>>, vector<16xi32>,
        %dma_start3A_219 = arith.constant 0 : i32
        %dma_start3A_220 = arith.constant 0 : i32
        %dma_start3A_221 = tpu.memref_slice %arg2[%dma_start3A_219, %dma_start3A_220] : memref<80000x128xf32, #tpu.memory_space<hbm>> -> memref<80000x128xf32, #tpu.memory_space<hbm>>
        tpu.enqueue_indirect_dma source(%dma_start3A_221 : memref<80000x128xf32, #tpu.memory_space<hbm>>) target(%arg20 : memref<32x128xf32, #tpu.memory_space<vmem>>) offsets(%arg11 : memref<32xi32, #tpu.memory_space<vmem>>) semaphore(%arg28 : memref<!tpu.dma_semaphore, #tpu.memory_space<semaphore_mem>>)
        %add3A_222 = arith.constant 2 : i32
        %add3A_223 = arith.addi %add3A_164, %add3A_222 : i32
        %lt3A_224 = arith.constant 313 : i32
        %lt3A_225 = arith.cmpi slt, %add3A_223, %lt3A_224 : i32
        %convert_element_type3A_226 = arith.extui %lt3A_225 : i1 to i32
        %cond3A_227 = arith.constant 0 : i32
        %cond3A_228 = arith.cmpi ne, %convert_element_type3A_226, %cond3A_227 : i32
        scf.if %cond3A_228 {
          %add3A_295 = arith.addi %mul3A_2, %add3A_164 : i32
          %add3A_296 = arith.constant 2 : i32
          %add3A_297 = arith.addi %add3A_295, %add3A_296 : i32
          %dma_start3A_298 = arith.constant 0 : i32
          %dma_start3A_299 = arith.constant 0 : i32
          %dma_start3A_300 = tpu.memref_slice %arg4[%add3A_297, %dma_start3A_298, %dma_start3A_299] : memref<10016x3x32xi32, #tpu.memory_space<hbm>> -> memref<1x3x32xi32, #tpu.memory_space<hbm>>
          %dma_start3A_301 = tpu.memref_squeeze %dma_start3A_300 : memref<1x3x32xi32, #tpu.memory_space<hbm>> -> memref<3x32xi32, #tpu.memory_space<hbm>>
          %dma_start3A_302 = arith.constant 0 : i32
          %dma_start3A_303 = arith.constant 0 : i32
          %dma_start3A_304 = tpu.memref_slice %arg4[%add3A_297, %dma_start3A_302, %dma_start3A_303] : memref<10016x3x32xi32, #tpu.memory_space<hbm>> -> memref<1x3x32xi32, #tpu.memory_space<hbm>>
          %dma_start3A_305 = tpu.memref_squeeze %dma_start3A_304 : memref<1x3x32xi32, #tpu.memory_space<hbm>> -> memref<3x32xi32, #tpu.memory_space<hbm>>
          tpu.enqueue_dma source(%dma_start3A_305 : memref<3x32xi32, #tpu.memory_space<hbm>>) target(%arg7 : memref<3x32xi32, #tpu.memory_space<vmem>>) target_semaphore(%arg24 : memref<!tpu.dma_semaphore, #tpu.memory_space<semaphore_mem>>)
        } else {
        }
        %get3A_229 = arith.constant 1 : i32
        %get3A_230 = arith.index_cast %get3A_229 : i32 to index
        %get3A_231 = arith.constant 0 : index
        %get3A_232 = tpu.vector_load %arg8[%get3A_230, %get3A_231] {strides = array<i32>} : memref<3x32xi32, #tpu.memory_space<vmem>>, vector<16xi32>,
        %swap3A_233 = arith.constant 0 : index
        %swap3A_234 = tpu.vector_load %arg14[%swap3A_233] {strides = array<i32>} : memref<32xi32, #tpu.memory_space<vmem>>, vector<16xi32>,
        tpu.vector_store %arg14[%swap3A_233], %get3A_232 {strides = array<i32>} : memref<32xi32, #tpu.memory_space<vmem>>, vector<16xi32>,
        %mul3A_235 = arith.constant 8 : i32
        %mul3A_236 = vector.broadcast %mul3A_235 : i32 to vector<16xi32>
        %mul3A_237 = arith.muli %get3A_232, %mul3A_236 : vector<16xi32>
        %get3A_238 = arith.constant 2 : i32
        %get3A_239 = arith.index_cast %get3A_238 : i32 to index
        %get3A_240 = arith.constant 0 : index
        %get3A_241 = tpu.vector_load %arg8[%get3A_239, %get3A_240] {strides = array<i32>} : memref<3x32xi32, #tpu.memory_space<vmem>>, vector<16xi32>,
        %add3A_242 = arith.addi %mul3A_237, %get3A_241 : vector<16xi32>
        %shift_right_logical3A = arith.constant 2 : i32
        %shift_right_logical3A_243 = vector.broadcast %shift_right_logical3A : i32 to vector<16xi32>
        %shift_right_logical3A_244 = arith.shrui %add3A_242, %shift_right_logical3A_243 : vector<16xi32>
        %gather3A = tpu.vector_load_idx %arg21[%shift_right_logical3A_244] : memref<20016xi32, #tpu.memory_space<vmem>>[vector<16xi32>], vector<16xi32>,
        %and3A_245 = arith.constant 3 : i32
        %and3A_246 = vector.broadcast %and3A_245 : i32 to vector<16xi32>
        %and3A_247 = arith.andi %add3A_242, %and3A_246 : vector<16xi32>
        %mul3A_248 = arith.constant 8 : i32
        %mul3A_249 = vector.broadcast %mul3A_248 : i32 to vector<16xi32>
        %mul3A_250 = arith.muli %and3A_247, %mul3A_249 : vector<16xi32>
        %shift_right_logical3A_251 = arith.shrui %gather3A, %mul3A_250 : vector<16xi32>
        %and3A_252 = arith.constant 255 : i32
        %and3A_253 = vector.broadcast %and3A_252 : i32 to vector<16xi32>
        %and3A_254 = arith.andi %shift_right_logical3A_251, %and3A_253 : vector<16xi32>
        %convert_element_type3A_255 = arith.sitofp %and3A_254 : vector<16xi32> to vector<16xf32>
        %mul3A_256 = arith.constant 0.00392156886 : f32
        %mul3A_257 = vector.broadcast %mul3A_256 : f32 to vector<16xf32>
        %mul3A_258 = arith.mulf %convert_element_type3A_255, %mul3A_257 : vector<16xf32>
        %swap3A_259 = arith.constant 0 : index
        %swap3A_260 = tpu.vector_load %arg17[%swap3A_259] {strides = array<i32>} : memref<48xf32, #tpu.memory_space<vmem>>, vector<16xf32>,
        tpu.vector_store %arg17[%swap3A_259], %mul3A_258 {strides = array<i32>} : memref<48xf32, #tpu.memory_space<vmem>>, vector<16xf32>,
        %get3A_261 = arith.constant 1 : i32
        %get3A_262 = arith.index_cast %get3A_261 : i32 to index
        %get3A_263 = arith.constant 16 : index
        %get3A_264 = tpu.vector_load %arg8[%get3A_262, %get3A_263] {strides = array<i32>} : memref<3x32xi32, #tpu.memory_space<vmem>>, vector<16xi32>,
        %swap3A_265 = arith.constant 16 : index
        %swap3A_266 = tpu.vector_load %arg14[%swap3A_265] {strides = array<i32>} : memref<32xi32, #tpu.memory_space<vmem>>, vector<16xi32>,
        tpu.vector_store %arg14[%swap3A_265], %get3A_264 {strides = array<i32>} : memref<32xi32, #tpu.memory_space<vmem>>, vector<16xi32>,
        %mul3A_267 = arith.constant 8 : i32
        %mul3A_268 = vector.broadcast %mul3A_267 : i32 to vector<16xi32>
        %mul3A_269 = arith.muli %get3A_264, %mul3A_268 : vector<16xi32>
        %get3A_270 = arith.constant 2 : i32
        %get3A_271 = arith.index_cast %get3A_270 : i32 to index
        %get3A_272 = arith.constant 16 : index
        %get3A_273 = tpu.vector_load %arg8[%get3A_271, %get3A_272] {strides = array<i32>} : memref<3x32xi32, #tpu.memory_space<vmem>>, vector<16xi32>,
        %add3A_274 = arith.addi %mul3A_269, %get3A_273 : vector<16xi32>
        %shift_right_logical3A_275 = arith.constant 2 : i32
        %shift_right_logical3A_276 = vector.broadcast %shift_right_logical3A_275 : i32 to vector<16xi32>
        %shift_right_logical3A_277 = arith.shrui %add3A_274, %shift_right_logical3A_276 : vector<16xi32>
        %gather3A_278 = tpu.vector_load_idx %arg21[%shift_right_logical3A_277] : memref<20016xi32, #tpu.memory_space<vmem>>[vector<16xi32>], vector<16xi32>,
        %and3A_279 = arith.constant 3 : i32
        %and3A_280 = vector.broadcast %and3A_279 : i32 to vector<16xi32>
        %and3A_281 = arith.andi %add3A_274, %and3A_280 : vector<16xi32>
        %mul3A_282 = arith.constant 8 : i32
        %mul3A_283 = vector.broadcast %mul3A_282 : i32 to vector<16xi32>
        %mul3A_284 = arith.muli %and3A_281, %mul3A_283 : vector<16xi32>
        %shift_right_logical3A_285 = arith.shrui %gather3A_278, %mul3A_284 : vector<16xi32>
        %and3A_286 = arith.constant 255 : i32
        %and3A_287 = vector.broadcast %and3A_286 : i32 to vector<16xi32>
        %and3A_288 = arith.andi %shift_right_logical3A_285, %and3A_287 : vector<16xi32>
        %convert_element_type3A_289 = arith.sitofp %and3A_288 : vector<16xi32> to vector<16xf32>
        %mul3A_290 = arith.constant 0.00392156886 : f32
        %mul3A_291 = vector.broadcast %mul3A_290 : f32 to vector<16xf32>
        %mul3A_292 = arith.mulf %convert_element_type3A_289, %mul3A_291 : vector<16xf32>
        %swap3A_293 = arith.constant 16 : index
        %swap3A_294 = tpu.vector_load %arg17[%swap3A_293] {strides = array<i32>} : memref<48xf32, #tpu.memory_space<vmem>>, vector<16xf32>,
        tpu.vector_store %arg17[%swap3A_293], %mul3A_292 {strides = array<i32>} : memref<48xf32, #tpu.memory_space<vmem>>, vector<16xf32>,
      } else {
      }
      %scan3A_178 = arith.constant 0 : i32
      scf.yield %scan3A_178 : i32
    }
    %scan3A_112 = arith.constant 105 : i32
    %dma_wait3A = arith.constant 0 : i32
    %dma_wait3A_113 = arith.constant 0 : i32
    %dma_wait3A_114 = tpu.memref_slice %arg22[%dma_wait3A, %dma_wait3A_113] : memref<10112x128xf32, #tpu.memory_space<vmem_shared>> -> memref<10112x128xf32, #tpu.memory_space<vmem_shared>>
    tpu.wait_indirect_dma semaphore(%arg29 : memref<!tpu.dma_semaphore, #tpu.memory_space<semaphore_mem>>) src(%arg18 : memref<32x128xf32, #tpu.memory_space<vmem>>) dst(%dma_wait3A_114 : memref<10112x128xf32, #tpu.memory_space<vmem_shared>>)
    %dma_wait3A_115 = arith.constant 0 : i32
    %dma_wait3A_116 = arith.constant 0 : i32
    %dma_wait3A_117 = tpu.memref_slice %arg22[%dma_wait3A_115, %dma_wait3A_116] : memref<10112x128xf32, #tpu.memory_space<vmem_shared>> -> memref<10112x128xf32, #tpu.memory_space<vmem_shared>>
    tpu.wait_indirect_dma semaphore(%arg30 : memref<!tpu.dma_semaphore, #tpu.memory_space<semaphore_mem>>) src(%arg19 : memref<32x128xf32, #tpu.memory_space<vmem>>) dst(%dma_wait3A_117 : memref<10112x128xf32, #tpu.memory_space<vmem_shared>>)
    %dma_wait3A_118 = arith.constant 0 : i32
    %dma_wait3A_119 = arith.constant 0 : i32
    %dma_wait3A_120 = tpu.memref_slice %arg22[%dma_wait3A_118, %dma_wait3A_119] : memref<10112x128xf32, #tpu.memory_space<vmem_shared>> -> memref<10112x128xf32, #tpu.memory_space<vmem_shared>>
    tpu.wait_indirect_dma semaphore(%arg31 : memref<!tpu.dma_semaphore, #tpu.memory_space<semaphore_mem>>) src(%arg20 : memref<32x128xf32, #tpu.memory_space<vmem>>) dst(%dma_wait3A_120 : memref<10112x128xf32, #tpu.memory_space<vmem_shared>>)
    %barrier3A_121 = arith.constant 0 : index
    tpu.barrier barrier_id(%barrier3A_121)
    %mul3A_122 = arith.constant 624 : i32
    %mul3A_123 = arith.muli %arg1, %mul3A_122 : i32
    %mul3A_124 = arith.constant 624 : i32
    %mul3A_125 = arith.muli %arg1, %mul3A_124 : i32
    "tpu.region"() ({
      %run_scoped3A = tpu.sem_alloc : memref<!tpu.dma_semaphore, #tpu.memory_space<semaphore_mem>>
      %dma_start3A_128 = arith.constant 0 : i32
      %dma_start3A_129 = tpu.memref_slice %arg5[%arg0, %mul3A_125, %dma_start3A_128] : memref<2x10000x128xf32, #tpu.memory_space<hbm>> -> memref<1x624x128xf32, #tpu.memory_space<hbm>>
      %dma_start3A_130 = tpu.memref_squeeze %dma_start3A_129 : memref<1x624x128xf32, #tpu.memory_space<hbm>> -> memref<624x128xf32, #tpu.memory_space<hbm>>
      %dma_start3A_131 = arith.constant 0 : i32
      %dma_start3A_132 = tpu.memref_slice %arg22[%mul3A_123, %dma_start3A_131] : memref<10112x128xf32, #tpu.memory_space<vmem_shared>> -> memref<624x128xf32, #tpu.memory_space<vmem_shared>>
      tpu.enqueue_dma source(%dma_start3A_132 : memref<624x128xf32, #tpu.memory_space<vmem_shared>>) target(%dma_start3A_130 : memref<624x128xf32, #tpu.memory_space<hbm>>) target_semaphore(%run_scoped3A : memref<!tpu.dma_semaphore, #tpu.memory_space<semaphore_mem>>)
      %dma_wait3A_133 = arith.constant 0 : i32
      %dma_wait3A_134 = tpu.memref_slice %arg5[%arg0, %mul3A_125, %dma_wait3A_133] : memref<2x10000x128xf32, #tpu.memory_space<hbm>> -> memref<1x624x128xf32, #tpu.memory_space<hbm>>
      %dma_wait3A_135 = tpu.memref_squeeze %dma_wait3A_134 : memref<1x624x128xf32, #tpu.memory_space<hbm>> -> memref<624x128xf32, #tpu.memory_space<hbm>>
      %dma_wait3A_136 = arith.constant 0 : i32
      %dma_wait3A_137 = tpu.memref_slice %arg22[%mul3A_123, %dma_wait3A_136] : memref<10112x128xf32, #tpu.memory_space<vmem_shared>> -> memref<624x128xf32, #tpu.memory_space<vmem_shared>>
      tpu.wait_dma2 semaphore(%run_scoped3A : memref<!tpu.dma_semaphore, #tpu.memory_space<semaphore_mem>>) src(%dma_wait3A_137 : memref<624x128xf32, #tpu.memory_space<vmem_shared>>) dst(%dma_wait3A_135 : memref<624x128xf32, #tpu.memory_space<hbm>>)
      tpu.yield
    }) : () -> ()
    %eq3A = arith.constant 15 : i32
    %eq3A_126 = arith.cmpi eq, %arg1, %eq3A : i32
    %convert_element_type3A = arith.extui %eq3A_126 : i1 to i32
    %cond3A = arith.constant 0 : i32
    %cond3A_127 = arith.cmpi ne, %convert_element_type3A, %cond3A : i32
    scf.if %cond3A_127 {
      "tpu.region"() ({
        %run_scoped3A = tpu.sem_alloc : memref<!tpu.dma_semaphore, #tpu.memory_space<semaphore_mem>>
        %dma_start3A_128 = arith.constant 9984 : i32
        %dma_start3A_129 = arith.constant 0 : i32
        %dma_start3A_130 = tpu.memref_slice %arg5[%arg0, %dma_start3A_128, %dma_start3A_129] : memref<2x10000x128xf32, #tpu.memory_space<hbm>> -> memref<1x16x128xf32, #tpu.memory_space<hbm>>
        %dma_start3A_131 = tpu.memref_squeeze %dma_start3A_130 : memref<1x16x128xf32, #tpu.memory_space<hbm>> -> memref<16x128xf32, #tpu.memory_space<hbm>>
        %dma_start3A_132 = arith.constant 9984 : i32
        %dma_start3A_133 = arith.constant 0 : i32
        %dma_start3A_134 = tpu.memref_slice %arg22[%dma_start3A_132, %dma_start3A_133] : memref<10112x128xf32, #tpu.memory_space<vmem_shared>> -> memref<16x128xf32, #tpu.memory_space<vmem_shared>>
        tpu.enqueue_dma source(%dma_start3A_134 : memref<16x128xf32, #tpu.memory_space<vmem_shared>>) target(%dma_start3A_131 : memref<16x128xf32, #tpu.memory_space<hbm>>) target_semaphore(%run_scoped3A : memref<!tpu.dma_semaphore, #tpu.memory_space<semaphore_mem>>)
        %dma_wait3A_135 = arith.constant 9984 : i32
        %dma_wait3A_136 = arith.constant 0 : i32
        %dma_wait3A_137 = tpu.memref_slice %arg5[%arg0, %dma_wait3A_135, %dma_wait3A_136] : memref<2x10000x128xf32, #tpu.memory_space<hbm>> -> memref<1x16x128xf32, #tpu.memory_space<hbm>>
        %dma_wait3A_138 = tpu.memref_squeeze %dma_wait3A_137 : memref<1x16x128xf32, #tpu.memory_space<hbm>> -> memref<16x128xf32, #tpu.memory_space<hbm>>
        %dma_wait3A_139 = arith.constant 9984 : i32
        %dma_wait3A_140 = arith.constant 0 : i32
        %dma_wait3A_141 = tpu.memref_slice %arg22[%dma_wait3A_139, %dma_wait3A_140] : memref<10112x128xf32, #tpu.memory_space<vmem_shared>> -> memref<16x128xf32, #tpu.memory_space<vmem_shared>>
        tpu.wait_dma2 semaphore(%run_scoped3A : memref<!tpu.dma_semaphore, #tpu.memory_space<semaphore_mem>>) src(%dma_wait3A_141 : memref<16x128xf32, #tpu.memory_space<vmem_shared>>) dst(%dma_wait3A_138 : memref<16x128xf32, #tpu.memory_space<hbm>>)
        tpu.yield
      }) : () -> ()
    } else {
    }
    return
  }
}

module attributes {stable_mosaic.version = 14 : i64} {
  func.func @_pre_body(%arg0: i32, %arg1: memref<2000x128xf32, #tpu.memory_space<vmem>>, %arg2: memref<8x128x128xf32, #tpu.memory_space<vmem>>, %arg3: memref<128x128xf32, #tpu.memory_space<vmem>>, %arg4: memref<128x8xf32, #tpu.memory_space<vmem>>, %arg5: memref<1x8xf32, #tpu.memory_space<vmem>>, %arg6: memref<1x128xf32, #tpu.memory_space<vmem>>, %arg7: memref<1x128xf32, #tpu.memory_space<vmem>>, %arg8: memref<8x2000x128xf32, #tpu.memory_space<vmem>>, %arg9: memref<2000x8xf32, #tpu.memory_space<vmem>>, %arg10: memref<2000x128xf32, #tpu.memory_space<vmem>>) attributes {dimension_semantics = [#tpu.dimension_semantics<arbitrary>], iteration_bounds = array<i64: 5>, scalar_prefetch = 0 : i64, scratch_operands = 0 : i64, tpu.core_type = #tpu.core_type<tc>, window_params = [{transform_indices = @transform_0, window_bounds = array<i64: 2000, 128>}, {pipeline_mode = #tpu.pipeline_mode<synchronous>, transform_indices = @transform_1, window_bounds = array<i64: 8, 128, 128>}, {pipeline_mode = #tpu.pipeline_mode<synchronous>, transform_indices = @transform_2, window_bounds = array<i64: 128, 128>}, {pipeline_mode = #tpu.pipeline_mode<synchronous>, transform_indices = @transform_3, window_bounds = array<i64: 128, 8>}, {pipeline_mode = #tpu.pipeline_mode<synchronous>, transform_indices = @transform_4, window_bounds = array<i64: 1, 8>}, {pipeline_mode = #tpu.pipeline_mode<synchronous>, transform_indices = @transform_5, window_bounds = array<i64: 1, 128>}, {pipeline_mode = #tpu.pipeline_mode<synchronous>, transform_indices = @transform_6, window_bounds = array<i64: 1, 128>}, {transform_indices = @transform_7, window_bounds = array<i64: 8, 2000, 128>}, {transform_indices = @transform_8, window_bounds = array<i64: 2000, 8>}, {transform_indices = @transform_9, window_bounds = array<i64: 2000, 128>}]} {
    %get3A = arith.constant 0 : index
    %get3A_0 = arith.constant 0 : index
    %get3A_1 = vector.load %arg1[%get3A, %get3A_0] : memref<2000x128xf32, #tpu.memory_space<vmem>>, vector<2000x128xf32>
    %get3A_2 = arith.constant 0 : index
    %get3A_3 = arith.constant 0 : index
    %get3A_4 = vector.load %arg6[%get3A_2, %get3A_3] : memref<1x128xf32, #tpu.memory_space<vmem>>, vector<1x128xf32>
    %get3A_5 = arith.constant 0 : index
    %get3A_6 = arith.constant 0 : index
    %get3A_7 = vector.load %arg7[%get3A_5, %get3A_6] : memref<1x128xf32, #tpu.memory_space<vmem>>, vector<1x128xf32>
    %reduce_sum3A = arith.constant dense<0.000000e+00> : vector<2000xf32>
    %reduce_sum3A_8 = vector.multi_reduction <add>, %get3A_1, %reduce_sum3A [1] : vector<2000x128xf32> to vector<2000xf32>
    %broadcast_in_dim3A = vector.shape_cast %reduce_sum3A_8 : vector<2000xf32> to vector<2000x1xf32>
    %div3A = arith.constant 1.280000e+02 : f32
    %div3A_9 = vector.broadcast %div3A : f32 to vector<2000x1xf32>
    %div3A_10 = arith.divf %broadcast_in_dim3A, %div3A_9 : vector<2000x1xf32>
    %jit3A = arith.constant 0 : i32
    %reduce_sum3A_11 = arith.constant dense<0.000000e+00> : vector<2000xf32>
    %reduce_sum3A_12 = vector.multi_reduction <add>, %get3A_1, %reduce_sum3A_11 [1] : vector<2000x128xf32> to vector<2000xf32>
    %broadcast_in_dim3A_13 = vector.shape_cast %reduce_sum3A_12 : vector<2000xf32> to vector<2000x1xf32>
    %div3A_14 = arith.constant 1.280000e+02 : f32
    %div3A_15 = vector.broadcast %div3A_14 : f32 to vector<2000x1xf32>
    %div3A_16 = arith.divf %broadcast_in_dim3A_13, %div3A_15 : vector<2000x1xf32>
    %sub3A = vector.broadcast %div3A_16 : vector<2000x1xf32> to vector<2000x128xf32>
    %sub3A_17 = arith.subf %get3A_1, %sub3A : vector<2000x128xf32>
    %square3A = arith.mulf %sub3A_17, %sub3A_17 : vector<2000x128xf32>
    %convert_element_type3A = arith.sitofp %jit3A : i32 to f32
    %sub3A_18 = arith.constant 1.280000e+02 : f32
    %sub3A_19 = arith.subf %sub3A_18, %convert_element_type3A : f32
    %reduce_sum3A_20 = arith.constant dense<0.000000e+00> : vector<2000xf32>
    %reduce_sum3A_21 = vector.multi_reduction <add>, %square3A, %reduce_sum3A_20 [1] : vector<2000x128xf32> to vector<2000xf32>
    %broadcast_in_dim3A_22 = vector.shape_cast %reduce_sum3A_21 : vector<2000xf32> to vector<2000x1xf32>
    %div3A_23 = vector.broadcast %sub3A_19 : f32 to vector<2000x1xf32>
    %div3A_24 = arith.divf %broadcast_in_dim3A_22, %div3A_23 : vector<2000x1xf32>
    %gt3A = arith.constant 0.000000e+00 : f32
    %gt3A_25 = arith.cmpf ogt, %sub3A_19, %gt3A : f32
    %jit3A_26 = arith.constant 0x7FC00000 : f32
    %broadcast_in_dim3A_27 = vector.broadcast %jit3A_26 : f32 to vector<2000x1xf32>
    %select_n3A = arith.select %gt3A_25, %div3A_24, %broadcast_in_dim3A_27 : vector<2000x1xf32>
    %sub3A_28 = vector.broadcast %div3A_10 : vector<2000x1xf32> to vector<2000x128xf32>
    %sub3A_29 = arith.subf %get3A_1, %sub3A_28 : vector<2000x128xf32>
    %add3A = arith.constant 9.99999974E-6 : f32
    %add3A_30 = vector.broadcast %add3A : f32 to vector<2000x1xf32>
    %add3A_31 = arith.addf %select_n3A, %add3A_30 : vector<2000x1xf32>
    %sqrt3A = math.sqrt %add3A_31 : vector<2000x1xf32>
    %div3A_32 = vector.broadcast %sqrt3A : vector<2000x1xf32> to vector<2000x128xf32>
    %div3A_33 = arith.divf %sub3A_29, %div3A_32 : vector<2000x128xf32>
    %mul3A = vector.broadcast %get3A_4 : vector<1x128xf32> to vector<2000x128xf32>
    %mul3A_34 = arith.mulf %div3A_33, %mul3A : vector<2000x128xf32>
    %add3A_35 = vector.broadcast %get3A_7 : vector<1x128xf32> to vector<2000x128xf32>
    %add3A_36 = arith.addf %mul3A_34, %add3A_35 : vector<2000x128xf32>
    %get3A_37 = arith.constant 0 : index
    %get3A_38 = arith.constant 0 : index
    %get3A_39 = vector.load %arg4[%get3A_37, %get3A_38] : memref<128x8xf32, #tpu.memory_space<vmem>>, vector<128x8xf32>
    %dot_general3A = arith.constant dense<0.000000e+00> : vector<2000x8xf32>
    %dot_general3A_40 = tpu.matmul %add3A_36, %get3A_39, %dot_general3A {dimension_numbers = #tpu.dot_dimension_numbers<[1], [0], [0], [1], [0, 0, 1, 1], [], []>, transpose_lhs_hint = false} : vector<2000x128xf32>, vector<128x8xf32>, vector<2000x8xf32> -> vector<2000x8xf32>
    %get3A_41 = arith.constant 0 : index
    %get3A_42 = arith.constant 0 : index
    %get3A_43 = vector.load %arg5[%get3A_41, %get3A_42] : memref<1x8xf32, #tpu.memory_space<vmem>>, vector<1x8xf32>
    %add3A_44 = vector.broadcast %get3A_43 : vector<1x8xf32> to vector<2000x8xf32>
    %add3A_45 = arith.addf %dot_general3A_40, %add3A_44 : vector<2000x8xf32>
    %logistic3A = arith.negf %add3A_45 : vector<2000x8xf32>
    %logistic3A_46 = math.exp %logistic3A : vector<2000x8xf32>
    %logistic3A_47 = arith.constant 1.000000e+00 : f32
    %logistic3A_48 = vector.broadcast %logistic3A_47 : f32 to vector<2000x8xf32>
    %logistic3A_49 = arith.addf %logistic3A_48, %logistic3A_46 : vector<2000x8xf32>
    %logistic3A_50 = arith.divf %logistic3A_48, %logistic3A_49 : vector<2000x8xf32>
    %swap3A = arith.constant 0 : index
    %swap3A_51 = arith.constant 0 : index
    %swap3A_52 = vector.load %arg9[%swap3A, %swap3A_51] : memref<2000x8xf32, #tpu.memory_space<vmem>>, vector<2000x8xf32>
    tpu.vector_store %arg9[%swap3A, %swap3A_51], %logistic3A_50 {strides = array<i32>} : memref<2000x8xf32, #tpu.memory_space<vmem>>, vector<2000x8xf32>,
    %get3A_53 = arith.constant 0 : index
    %get3A_54 = arith.constant 0 : index
    %get3A_55 = vector.load %arg3[%get3A_53, %get3A_54] : memref<128x128xf32, #tpu.memory_space<vmem>>, vector<128x128xf32>
    %dot_general3A_56 = arith.constant dense<0.000000e+00> : vector<2000x128xf32>
    %dot_general3A_57 = tpu.matmul %add3A_36, %get3A_55, %dot_general3A_56 {dimension_numbers = #tpu.dot_dimension_numbers<[1], [0], [0], [1], [0, 0, 1, 1], [], []>, transpose_lhs_hint = false} : vector<2000x128xf32>, vector<128x128xf32>, vector<2000x128xf32> -> vector<2000x128xf32>
    %swap3A_58 = arith.constant 0 : index
    %swap3A_59 = arith.constant 0 : index
    %swap3A_60 = vector.load %arg10[%swap3A_58, %swap3A_59] : memref<2000x128xf32, #tpu.memory_space<vmem>>, vector<2000x128xf32>
    tpu.vector_store %arg10[%swap3A_58, %swap3A_59], %dot_general3A_57 {strides = array<i32>} : memref<2000x128xf32, #tpu.memory_space<vmem>>, vector<2000x128xf32>,
    %get3A_61 = arith.constant 0 : index
    %get3A_62 = arith.constant 0 : index
    %get3A_63 = arith.constant 0 : index
    %get3A_64 = vector.load %arg2[%get3A_61, %get3A_62, %get3A_63] : memref<8x128x128xf32, #tpu.memory_space<vmem>>, vector<1x128x128xf32>
    %get3A_65 = vector.shape_cast %get3A_64 : vector<1x128x128xf32> to vector<128x128xf32>
    %dot_general3A_66 = arith.constant dense<0.000000e+00> : vector<2000x128xf32>
    %dot_general3A_67 = tpu.matmul %add3A_36, %get3A_65, %dot_general3A_66 {dimension_numbers = #tpu.dot_dimension_numbers<[1], [0], [0], [1], [0, 0, 1, 1], [], []>, transpose_lhs_hint = false} : vector<2000x128xf32>, vector<128x128xf32>, vector<2000x128xf32> -> vector<2000x128xf32>
    %swap3A_68 = arith.constant 0 : index
    %swap3A_69 = arith.constant 0 : index
    %swap3A_70 = arith.constant 0 : index
    %swap3A_71 = vector.load %arg8[%swap3A_68, %swap3A_69, %swap3A_70] : memref<8x2000x128xf32, #tpu.memory_space<vmem>>, vector<1x2000x128xf32>
    %swap3A_72 = vector.shape_cast %swap3A_71 : vector<1x2000x128xf32> to vector<2000x128xf32>
    %swap3A_73 = vector.shape_cast %dot_general3A_67 : vector<2000x128xf32> to vector<1x2000x128xf32>
    tpu.vector_store %arg8[%swap3A_68, %swap3A_69, %swap3A_70], %swap3A_73 {strides = array<i32>} : memref<8x2000x128xf32, #tpu.memory_space<vmem>>, vector<1x2000x128xf32>,
    %get3A_74 = arith.constant 1 : index
    %get3A_75 = arith.constant 0 : index
    %get3A_76 = arith.constant 0 : index
    %get3A_77 = vector.load %arg2[%get3A_74, %get3A_75, %get3A_76] : memref<8x128x128xf32, #tpu.memory_space<vmem>>, vector<1x128x128xf32>
    %get3A_78 = vector.shape_cast %get3A_77 : vector<1x128x128xf32> to vector<128x128xf32>
    %dot_general3A_79 = arith.constant dense<0.000000e+00> : vector<2000x128xf32>
    %dot_general3A_80 = tpu.matmul %add3A_36, %get3A_78, %dot_general3A_79 {dimension_numbers = #tpu.dot_dimension_numbers<[1], [0], [0], [1], [0, 0, 1, 1], [], []>, transpose_lhs_hint = false} : vector<2000x128xf32>, vector<128x128xf32>, vector<2000x128xf32> -> vector<2000x128xf32>
    %swap3A_81 = arith.constant 1 : index
    %swap3A_82 = arith.constant 0 : index
    %swap3A_83 = arith.constant 0 : index
    %swap3A_84 = vector.load %arg8[%swap3A_81, %swap3A_82, %swap3A_83] : memref<8x2000x128xf32, #tpu.memory_space<vmem>>, vector<1x2000x128xf32>
    %swap3A_85 = vector.shape_cast %swap3A_84 : vector<1x2000x128xf32> to vector<2000x128xf32>
    %swap3A_86 = vector.shape_cast %dot_general3A_80 : vector<2000x128xf32> to vector<1x2000x128xf32>
    tpu.vector_store %arg8[%swap3A_81, %swap3A_82, %swap3A_83], %swap3A_86 {strides = array<i32>} : memref<8x2000x128xf32, #tpu.memory_space<vmem>>, vector<1x2000x128xf32>,
    %get3A_87 = arith.constant 2 : index
    %get3A_88 = arith.constant 0 : index
    %get3A_89 = arith.constant 0 : index
    %get3A_90 = vector.load %arg2[%get3A_87, %get3A_88, %get3A_89] : memref<8x128x128xf32, #tpu.memory_space<vmem>>, vector<1x128x128xf32>
    %get3A_91 = vector.shape_cast %get3A_90 : vector<1x128x128xf32> to vector<128x128xf32>
    %dot_general3A_92 = arith.constant dense<0.000000e+00> : vector<2000x128xf32>
    %dot_general3A_93 = tpu.matmul %add3A_36, %get3A_91, %dot_general3A_92 {dimension_numbers = #tpu.dot_dimension_numbers<[1], [0], [0], [1], [0, 0, 1, 1], [], []>, transpose_lhs_hint = false} : vector<2000x128xf32>, vector<128x128xf32>, vector<2000x128xf32> -> vector<2000x128xf32>
    %swap3A_94 = arith.constant 2 : index
    %swap3A_95 = arith.constant 0 : index
    %swap3A_96 = arith.constant 0 : index
    %swap3A_97 = vector.load %arg8[%swap3A_94, %swap3A_95, %swap3A_96] : memref<8x2000x128xf32, #tpu.memory_space<vmem>>, vector<1x2000x128xf32>
    %swap3A_98 = vector.shape_cast %swap3A_97 : vector<1x2000x128xf32> to vector<2000x128xf32>
    %swap3A_99 = vector.shape_cast %dot_general3A_93 : vector<2000x128xf32> to vector<1x2000x128xf32>
    tpu.vector_store %arg8[%swap3A_94, %swap3A_95, %swap3A_96], %swap3A_99 {strides = array<i32>} : memref<8x2000x128xf32, #tpu.memory_space<vmem>>, vector<1x2000x128xf32>,
    %get3A_100 = arith.constant 3 : index
    %get3A_101 = arith.constant 0 : index
    %get3A_102 = arith.constant 0 : index
    %get3A_103 = vector.load %arg2[%get3A_100, %get3A_101, %get3A_102] : memref<8x128x128xf32, #tpu.memory_space<vmem>>, vector<1x128x128xf32>
    %get3A_104 = vector.shape_cast %get3A_103 : vector<1x128x128xf32> to vector<128x128xf32>
    %dot_general3A_105 = arith.constant dense<0.000000e+00> : vector<2000x128xf32>
    %dot_general3A_106 = tpu.matmul %add3A_36, %get3A_104, %dot_general3A_105 {dimension_numbers = #tpu.dot_dimension_numbers<[1], [0], [0], [1], [0, 0, 1, 1], [], []>, transpose_lhs_hint = false} : vector<2000x128xf32>, vector<128x128xf32>, vector<2000x128xf32> -> vector<2000x128xf32>
    %swap3A_107 = arith.constant 3 : index
    %swap3A_108 = arith.constant 0 : index
    %swap3A_109 = arith.constant 0 : index
    %swap3A_110 = vector.load %arg8[%swap3A_107, %swap3A_108, %swap3A_109] : memref<8x2000x128xf32, #tpu.memory_space<vmem>>, vector<1x2000x128xf32>
    %swap3A_111 = vector.shape_cast %swap3A_110 : vector<1x2000x128xf32> to vector<2000x128xf32>
    %swap3A_112 = vector.shape_cast %dot_general3A_106 : vector<2000x128xf32> to vector<1x2000x128xf32>
    tpu.vector_store %arg8[%swap3A_107, %swap3A_108, %swap3A_109], %swap3A_112 {strides = array<i32>} : memref<8x2000x128xf32, #tpu.memory_space<vmem>>, vector<1x2000x128xf32>,
    %get3A_113 = arith.constant 4 : index
    %get3A_114 = arith.constant 0 : index
    %get3A_115 = arith.constant 0 : index
    %get3A_116 = vector.load %arg2[%get3A_113, %get3A_114, %get3A_115] : memref<8x128x128xf32, #tpu.memory_space<vmem>>, vector<1x128x128xf32>
    %get3A_117 = vector.shape_cast %get3A_116 : vector<1x128x128xf32> to vector<128x128xf32>
    %dot_general3A_118 = arith.constant dense<0.000000e+00> : vector<2000x128xf32>
    %dot_general3A_119 = tpu.matmul %add3A_36, %get3A_117, %dot_general3A_118 {dimension_numbers = #tpu.dot_dimension_numbers<[1], [0], [0], [1], [0, 0, 1, 1], [], []>, transpose_lhs_hint = false} : vector<2000x128xf32>, vector<128x128xf32>, vector<2000x128xf32> -> vector<2000x128xf32>
    %swap3A_120 = arith.constant 4 : index
    %swap3A_121 = arith.constant 0 : index
    %swap3A_122 = arith.constant 0 : index
    %swap3A_123 = vector.load %arg8[%swap3A_120, %swap3A_121, %swap3A_122] : memref<8x2000x128xf32, #tpu.memory_space<vmem>>, vector<1x2000x128xf32>
    %swap3A_124 = vector.shape_cast %swap3A_123 : vector<1x2000x128xf32> to vector<2000x128xf32>
    %swap3A_125 = vector.shape_cast %dot_general3A_119 : vector<2000x128xf32> to vector<1x2000x128xf32>
    tpu.vector_store %arg8[%swap3A_120, %swap3A_121, %swap3A_122], %swap3A_125 {strides = array<i32>} : memref<8x2000x128xf32, #tpu.memory_space<vmem>>, vector<1x2000x128xf32>,
    %get3A_126 = arith.constant 5 : index
    %get3A_127 = arith.constant 0 : index
    %get3A_128 = arith.constant 0 : index
    %get3A_129 = vector.load %arg2[%get3A_126, %get3A_127, %get3A_128] : memref<8x128x128xf32, #tpu.memory_space<vmem>>, vector<1x128x128xf32>
    %get3A_130 = vector.shape_cast %get3A_129 : vector<1x128x128xf32> to vector<128x128xf32>
    %dot_general3A_131 = arith.constant dense<0.000000e+00> : vector<2000x128xf32>
    %dot_general3A_132 = tpu.matmul %add3A_36, %get3A_130, %dot_general3A_131 {dimension_numbers = #tpu.dot_dimension_numbers<[1], [0], [0], [1], [0, 0, 1, 1], [], []>, transpose_lhs_hint = false} : vector<2000x128xf32>, vector<128x128xf32>, vector<2000x128xf32> -> vector<2000x128xf32>
    %swap3A_133 = arith.constant 5 : index
    %swap3A_134 = arith.constant 0 : index
    %swap3A_135 = arith.constant 0 : index
    %swap3A_136 = vector.load %arg8[%swap3A_133, %swap3A_134, %swap3A_135] : memref<8x2000x128xf32, #tpu.memory_space<vmem>>, vector<1x2000x128xf32>
    %swap3A_137 = vector.shape_cast %swap3A_136 : vector<1x2000x128xf32> to vector<2000x128xf32>
    %swap3A_138 = vector.shape_cast %dot_general3A_132 : vector<2000x128xf32> to vector<1x2000x128xf32>
    tpu.vector_store %arg8[%swap3A_133, %swap3A_134, %swap3A_135], %swap3A_138 {strides = array<i32>} : memref<8x2000x128xf32, #tpu.memory_space<vmem>>, vector<1x2000x128xf32>,
    %get3A_139 = arith.constant 6 : index
    %get3A_140 = arith.constant 0 : index
    %get3A_141 = arith.constant 0 : index
    %get3A_142 = vector.load %arg2[%get3A_139, %get3A_140, %get3A_141] : memref<8x128x128xf32, #tpu.memory_space<vmem>>, vector<1x128x128xf32>
    %get3A_143 = vector.shape_cast %get3A_142 : vector<1x128x128xf32> to vector<128x128xf32>
    %dot_general3A_144 = arith.constant dense<0.000000e+00> : vector<2000x128xf32>
    %dot_general3A_145 = tpu.matmul %add3A_36, %get3A_143, %dot_general3A_144 {dimension_numbers = #tpu.dot_dimension_numbers<[1], [0], [0], [1], [0, 0, 1, 1], [], []>, transpose_lhs_hint = false} : vector<2000x128xf32>, vector<128x128xf32>, vector<2000x128xf32> -> vector<2000x128xf32>
    %swap3A_146 = arith.constant 6 : index
    %swap3A_147 = arith.constant 0 : index
    %swap3A_148 = arith.constant 0 : index
    %swap3A_149 = vector.load %arg8[%swap3A_146, %swap3A_147, %swap3A_148] : memref<8x2000x128xf32, #tpu.memory_space<vmem>>, vector<1x2000x128xf32>
    %swap3A_150 = vector.shape_cast %swap3A_149 : vector<1x2000x128xf32> to vector<2000x128xf32>
    %swap3A_151 = vector.shape_cast %dot_general3A_145 : vector<2000x128xf32> to vector<1x2000x128xf32>
    tpu.vector_store %arg8[%swap3A_146, %swap3A_147, %swap3A_148], %swap3A_151 {strides = array<i32>} : memref<8x2000x128xf32, #tpu.memory_space<vmem>>, vector<1x2000x128xf32>,
    %get3A_152 = arith.constant 7 : index
    %get3A_153 = arith.constant 0 : index
    %get3A_154 = arith.constant 0 : index
    %get3A_155 = vector.load %arg2[%get3A_152, %get3A_153, %get3A_154] : memref<8x128x128xf32, #tpu.memory_space<vmem>>, vector<1x128x128xf32>
    %get3A_156 = vector.shape_cast %get3A_155 : vector<1x128x128xf32> to vector<128x128xf32>
    %dot_general3A_157 = arith.constant dense<0.000000e+00> : vector<2000x128xf32>
    %dot_general3A_158 = tpu.matmul %add3A_36, %get3A_156, %dot_general3A_157 {dimension_numbers = #tpu.dot_dimension_numbers<[1], [0], [0], [1], [0, 0, 1, 1], [], []>, transpose_lhs_hint = false} : vector<2000x128xf32>, vector<128x128xf32>, vector<2000x128xf32> -> vector<2000x128xf32>
    %swap3A_159 = arith.constant 7 : index
    %swap3A_160 = arith.constant 0 : index
    %swap3A_161 = arith.constant 0 : index
    %swap3A_162 = vector.load %arg8[%swap3A_159, %swap3A_160, %swap3A_161] : memref<8x2000x128xf32, #tpu.memory_space<vmem>>, vector<1x2000x128xf32>
    %swap3A_163 = vector.shape_cast %swap3A_162 : vector<1x2000x128xf32> to vector<2000x128xf32>
    %swap3A_164 = vector.shape_cast %dot_general3A_158 : vector<2000x128xf32> to vector<1x2000x128xf32>
    tpu.vector_store %arg8[%swap3A_159, %swap3A_160, %swap3A_161], %swap3A_164 {strides = array<i32>} : memref<8x2000x128xf32, #tpu.memory_space<vmem>>, vector<1x2000x128xf32>,
    return
  }
  func.func @transform_0(%arg0: i32) -> (i32, i32) {
    %c0_i32 = arith.constant 0 : i32
    %c0_i32_0 = arith.constant 0 : i32
    return %arg0, %c0_i32 : i32, i32
  }
  func.func @transform_1(%arg0: i32) -> (i32, i32, i32) {
    %c0_i32 = arith.constant 0 : i32
    %c0_i32_0 = arith.constant 0 : i32
    %c0_i32_1 = arith.constant 0 : i32
    %c0_i32_2 = arith.constant 0 : i32
    return %c0_i32, %c0_i32_0, %c0_i32_1 : i32, i32, i32
  }
  func.func @transform_2(%arg0: i32) -> (i32, i32) {
    %c0_i32 = arith.constant 0 : i32
    %c0_i32_0 = arith.constant 0 : i32
    %c0_i32_1 = arith.constant 0 : i32
    return %c0_i32, %c0_i32_0 : i32, i32
  }
  func.func @transform_3(%arg0: i32) -> (i32, i32) {
    %c0_i32 = arith.constant 0 : i32
    %c0_i32_0 = arith.constant 0 : i32
    %c0_i32_1 = arith.constant 0 : i32
    return %c0_i32, %c0_i32_0 : i32, i32
  }
  func.func @transform_4(%arg0: i32) -> (i32, i32) {
    %c0_i32 = arith.constant 0 : i32
    %c0_i32_0 = arith.constant 0 : i32
    %c0_i32_1 = arith.constant 0 : i32
    return %c0_i32, %c0_i32_0 : i32, i32
  }
  func.func @transform_5(%arg0: i32) -> (i32, i32) {
    %c0_i32 = arith.constant 0 : i32
    %c0_i32_0 = arith.constant 0 : i32
    %c0_i32_1 = arith.constant 0 : i32
    return %c0_i32, %c0_i32_0 : i32, i32
  }
  func.func @transform_6(%arg0: i32) -> (i32, i32) {
    %c0_i32 = arith.constant 0 : i32
    %c0_i32_0 = arith.constant 0 : i32
    %c0_i32_1 = arith.constant 0 : i32
    return %c0_i32, %c0_i32_0 : i32, i32
  }
  func.func @transform_7(%arg0: i32) -> (i32, i32, i32) {
    %c0_i32 = arith.constant 0 : i32
    %c0_i32_0 = arith.constant 0 : i32
    %c0_i32_1 = arith.constant 0 : i32
    return %c0_i32, %arg0, %c0_i32_0 : i32, i32, i32
  }
  func.func @transform_8(%arg0: i32) -> (i32, i32) {
    %c0_i32 = arith.constant 0 : i32
    %c0_i32_0 = arith.constant 0 : i32
    return %arg0, %c0_i32 : i32, i32
  }
  func.func @transform_9(%arg0: i32) -> (i32, i32) {
    %c0_i32 = arith.constant 0 : i32
    %c0_i32_0 = arith.constant 0 : i32
    return %arg0, %c0_i32 : i32, i32
  }
}

module attributes {stable_mosaic.version = 14 : i64} {
  func.func @_post_body(%arg0: i32, %arg1: memref<2x2000x128xf32, #tpu.memory_space<vmem>>, %arg2: memref<2000x128xf32, #tpu.memory_space<vmem>>, %arg3: memref<2000x128xf32, #tpu.memory_space<vmem>>, %arg4: memref<128x128xf32, #tpu.memory_space<vmem>>, %arg5: memref<1x128xf32, #tpu.memory_space<vmem>>, %arg6: memref<128x512xf32, #tpu.memory_space<vmem>>, %arg7: memref<1x512xf32, #tpu.memory_space<vmem>>, %arg8: memref<512x128xf32, #tpu.memory_space<vmem>>, %arg9: memref<1x128xf32, #tpu.memory_space<vmem>>, %arg10: memref<1x128xf32, #tpu.memory_space<vmem>>, %arg11: memref<1x128xf32, #tpu.memory_space<vmem>>, %arg12: memref<2000x128xf32, #tpu.memory_space<vmem>>) attributes {dimension_semantics = [#tpu.dimension_semantics<arbitrary>], iteration_bounds = array<i64: 5>, scalar_prefetch = 0 : i64, scratch_operands = 0 : i64, tpu.core_type = #tpu.core_type<tc>, window_params = [{transform_indices = @transform_0, window_bounds = array<i64: 2, 2000, 128>}, {transform_indices = @transform_1, window_bounds = array<i64: 2000, 128>}, {transform_indices = @transform_2, window_bounds = array<i64: 2000, 128>}, {pipeline_mode = #tpu.pipeline_mode<synchronous>, transform_indices = @transform_3, window_bounds = array<i64: 128, 128>}, {pipeline_mode = #tpu.pipeline_mode<synchronous>, transform_indices = @transform_4, window_bounds = array<i64: 1, 128>}, {pipeline_mode = #tpu.pipeline_mode<synchronous>, transform_indices = @transform_5, window_bounds = array<i64: 128, 512>}, {pipeline_mode = #tpu.pipeline_mode<synchronous>, transform_indices = @transform_6, window_bounds = array<i64: 1, 512>}, {pipeline_mode = #tpu.pipeline_mode<synchronous>, transform_indices = @transform_7, window_bounds = array<i64: 512, 128>}, {pipeline_mode = #tpu.pipeline_mode<synchronous>, transform_indices = @transform_8, window_bounds = array<i64: 1, 128>}, {pipeline_mode = #tpu.pipeline_mode<synchronous>, transform_indices = @transform_9, window_bounds = array<i64: 1, 128>}, {pipeline_mode = #tpu.pipeline_mode<synchronous>, transform_indices = @transform_10, window_bounds = array<i64: 1, 128>}, {transform_indices = @transform_11, window_bounds = array<i64: 2000, 128>}]} {
    %get3A = arith.constant 0 : index
    %get3A_0 = arith.constant 0 : index
    %get3A_1 = vector.load %arg2[%get3A, %get3A_0] : memref<2000x128xf32, #tpu.memory_space<vmem>>, vector<2000x128xf32>
    %get3A_2 = arith.constant 0 : index
    %get3A_3 = arith.constant 0 : index
    %get3A_4 = arith.constant 0 : index
    %get3A_5 = vector.load %arg1[%get3A_2, %get3A_3, %get3A_4] : memref<2x2000x128xf32, #tpu.memory_space<vmem>>, vector<1x2000x128xf32>
    %get3A_6 = vector.shape_cast %get3A_5 : vector<1x2000x128xf32> to vector<2000x128xf32>
    %add3A = arith.addf %get3A_1, %get3A_6 : vector<2000x128xf32>
    %get3A_7 = arith.constant 1 : index
    %get3A_8 = arith.constant 0 : index
    %get3A_9 = arith.constant 0 : index
    %get3A_10 = vector.load %arg1[%get3A_7, %get3A_8, %get3A_9] : memref<2x2000x128xf32, #tpu.memory_space<vmem>>, vector<1x2000x128xf32>
    %get3A_11 = vector.shape_cast %get3A_10 : vector<1x2000x128xf32> to vector<2000x128xf32>
    %add3A_12 = arith.addf %add3A, %get3A_11 : vector<2000x128xf32>
    %integer_pow3A = arith.mulf %add3A_12, %add3A_12 : vector<2000x128xf32>
    %integer_pow3A_13 = arith.mulf %add3A_12, %integer_pow3A : vector<2000x128xf32>
    %mul3A = arith.constant 4.471500e-02 : f32
    %mul3A_14 = vector.broadcast %mul3A : f32 to vector<2000x128xf32>
    %mul3A_15 = arith.mulf %mul3A_14, %integer_pow3A_13 : vector<2000x128xf32>
    %add3A_16 = arith.addf %add3A_12, %mul3A_15 : vector<2000x128xf32>
    %mul3A_17 = arith.constant 0.797884583 : f32
    %mul3A_18 = vector.broadcast %mul3A_17 : f32 to vector<2000x128xf32>
    %mul3A_19 = arith.mulf %mul3A_18, %add3A_16 : vector<2000x128xf32>
    %tanh3A = math.tanh %mul3A_19 : vector<2000x128xf32>
    %add3A_20 = arith.constant 1.000000e+00 : f32
    %add3A_21 = vector.broadcast %add3A_20 : f32 to vector<2000x128xf32>
    %add3A_22 = arith.addf %add3A_21, %tanh3A : vector<2000x128xf32>
    %mul3A_23 = arith.constant 5.000000e-01 : f32
    %mul3A_24 = vector.broadcast %mul3A_23 : f32 to vector<2000x128xf32>
    %mul3A_25 = arith.mulf %mul3A_24, %add3A_22 : vector<2000x128xf32>
    %mul3A_26 = arith.mulf %add3A_12, %mul3A_25 : vector<2000x128xf32>
    %get3A_27 = arith.constant 0 : index
    %get3A_28 = arith.constant 0 : index
    %get3A_29 = vector.load %arg3[%get3A_27, %get3A_28] : memref<2000x128xf32, #tpu.memory_space<vmem>>, vector<2000x128xf32>
    %get3A_30 = arith.constant 0 : index
    %get3A_31 = arith.constant 0 : index
    %get3A_32 = vector.load %arg4[%get3A_30, %get3A_31] : memref<128x128xf32, #tpu.memory_space<vmem>>, vector<128x128xf32>
    %dot_general3A = arith.constant dense<0.000000e+00> : vector<2000x128xf32>
    %dot_general3A_33 = tpu.matmul %mul3A_26, %get3A_32, %dot_general3A {dimension_numbers = #tpu.dot_dimension_numbers<[1], [0], [0], [1], [0, 0, 1, 1], [], []>, transpose_lhs_hint = false} : vector<2000x128xf32>, vector<128x128xf32>, vector<2000x128xf32> -> vector<2000x128xf32>
    %add3A_34 = arith.addf %get3A_29, %dot_general3A_33 : vector<2000x128xf32>
    %get3A_35 = arith.constant 0 : index
    %get3A_36 = arith.constant 0 : index
    %get3A_37 = vector.load %arg5[%get3A_35, %get3A_36] : memref<1x128xf32, #tpu.memory_space<vmem>>, vector<1x128xf32>
    %add3A_38 = vector.broadcast %get3A_37 : vector<1x128xf32> to vector<2000x128xf32>
    %add3A_39 = arith.addf %add3A_34, %add3A_38 : vector<2000x128xf32>
    %get3A_40 = arith.constant 0 : index
    %get3A_41 = arith.constant 0 : index
    %get3A_42 = vector.load %arg10[%get3A_40, %get3A_41] : memref<1x128xf32, #tpu.memory_space<vmem>>, vector<1x128xf32>
    %get3A_43 = arith.constant 0 : index
    %get3A_44 = arith.constant 0 : index
    %get3A_45 = vector.load %arg11[%get3A_43, %get3A_44] : memref<1x128xf32, #tpu.memory_space<vmem>>, vector<1x128xf32>
    %reduce_sum3A = arith.constant dense<0.000000e+00> : vector<2000xf32>
    %reduce_sum3A_46 = vector.multi_reduction <add>, %add3A_39, %reduce_sum3A [1] : vector<2000x128xf32> to vector<2000xf32>
    %broadcast_in_dim3A = vector.shape_cast %reduce_sum3A_46 : vector<2000xf32> to vector<2000x1xf32>
    %div3A = arith.constant 1.280000e+02 : f32
    %div3A_47 = vector.broadcast %div3A : f32 to vector<2000x1xf32>
    %div3A_48 = arith.divf %broadcast_in_dim3A, %div3A_47 : vector<2000x1xf32>
    %jit3A = arith.constant 0 : i32
    %reduce_sum3A_49 = arith.constant dense<0.000000e+00> : vector<2000xf32>
    %reduce_sum3A_50 = vector.multi_reduction <add>, %add3A_39, %reduce_sum3A_49 [1] : vector<2000x128xf32> to vector<2000xf32>
    %broadcast_in_dim3A_51 = vector.shape_cast %reduce_sum3A_50 : vector<2000xf32> to vector<2000x1xf32>
    %div3A_52 = arith.constant 1.280000e+02 : f32
    %div3A_53 = vector.broadcast %div3A_52 : f32 to vector<2000x1xf32>
    %div3A_54 = arith.divf %broadcast_in_dim3A_51, %div3A_53 : vector<2000x1xf32>
    %sub3A = vector.broadcast %div3A_54 : vector<2000x1xf32> to vector<2000x128xf32>
    %sub3A_55 = arith.subf %add3A_39, %sub3A : vector<2000x128xf32>
    %square3A = arith.mulf %sub3A_55, %sub3A_55 : vector<2000x128xf32>
    %convert_element_type3A = arith.sitofp %jit3A : i32 to f32
    %sub3A_56 = arith.constant 1.280000e+02 : f32
    %sub3A_57 = arith.subf %sub3A_56, %convert_element_type3A : f32
    %reduce_sum3A_58 = arith.constant dense<0.000000e+00> : vector<2000xf32>
    %reduce_sum3A_59 = vector.multi_reduction <add>, %square3A, %reduce_sum3A_58 [1] : vector<2000x128xf32> to vector<2000xf32>
    %broadcast_in_dim3A_60 = vector.shape_cast %reduce_sum3A_59 : vector<2000xf32> to vector<2000x1xf32>
    %div3A_61 = vector.broadcast %sub3A_57 : f32 to vector<2000x1xf32>
    %div3A_62 = arith.divf %broadcast_in_dim3A_60, %div3A_61 : vector<2000x1xf32>
    %gt3A = arith.constant 0.000000e+00 : f32
    %gt3A_63 = arith.cmpf ogt, %sub3A_57, %gt3A : f32
    %jit3A_64 = arith.constant 0x7FC00000 : f32
    %broadcast_in_dim3A_65 = vector.broadcast %jit3A_64 : f32 to vector<2000x1xf32>
    %select_n3A = arith.select %gt3A_63, %div3A_62, %broadcast_in_dim3A_65 : vector<2000x1xf32>
    %sub3A_66 = vector.broadcast %div3A_48 : vector<2000x1xf32> to vector<2000x128xf32>
    %sub3A_67 = arith.subf %add3A_39, %sub3A_66 : vector<2000x128xf32>
    %add3A_68 = arith.constant 9.99999974E-6 : f32
    %add3A_69 = vector.broadcast %add3A_68 : f32 to vector<2000x1xf32>
    %add3A_70 = arith.addf %select_n3A, %add3A_69 : vector<2000x1xf32>
    %sqrt3A = math.sqrt %add3A_70 : vector<2000x1xf32>
    %div3A_71 = vector.broadcast %sqrt3A : vector<2000x1xf32> to vector<2000x128xf32>
    %div3A_72 = arith.divf %sub3A_67, %div3A_71 : vector<2000x128xf32>
    %mul3A_73 = vector.broadcast %get3A_42 : vector<1x128xf32> to vector<2000x128xf32>
    %mul3A_74 = arith.mulf %div3A_72, %mul3A_73 : vector<2000x128xf32>
    %add3A_75 = vector.broadcast %get3A_45 : vector<1x128xf32> to vector<2000x128xf32>
    %add3A_76 = arith.addf %mul3A_74, %add3A_75 : vector<2000x128xf32>
    %get3A_77 = arith.constant 0 : index
    %get3A_78 = arith.constant 0 : index
    %get3A_79 = vector.load %arg6[%get3A_77, %get3A_78] : memref<128x512xf32, #tpu.memory_space<vmem>>, vector<128x512xf32>
    %dot_general3A_80 = arith.constant dense<0.000000e+00> : vector<2000x512xf32>
    %dot_general3A_81 = tpu.matmul %add3A_76, %get3A_79, %dot_general3A_80 {dimension_numbers = #tpu.dot_dimension_numbers<[1], [0], [0], [1], [0, 0, 1, 1], [], []>, transpose_lhs_hint = false} : vector<2000x128xf32>, vector<128x512xf32>, vector<2000x512xf32> -> vector<2000x512xf32>
    %get3A_82 = arith.constant 0 : index
    %get3A_83 = arith.constant 0 : index
    %get3A_84 = vector.load %arg7[%get3A_82, %get3A_83] : memref<1x512xf32, #tpu.memory_space<vmem>>, vector<1x512xf32>
    %add3A_85 = vector.broadcast %get3A_84 : vector<1x512xf32> to vector<2000x512xf32>
    %add3A_86 = arith.addf %dot_general3A_81, %add3A_85 : vector<2000x512xf32>
    %integer_pow3A_87 = arith.mulf %add3A_86, %add3A_86 : vector<2000x512xf32>
    %integer_pow3A_88 = arith.mulf %add3A_86, %integer_pow3A_87 : vector<2000x512xf32>
    %mul3A_89 = arith.constant 4.471500e-02 : f32
    %mul3A_90 = vector.broadcast %mul3A_89 : f32 to vector<2000x512xf32>
    %mul3A_91 = arith.mulf %mul3A_90, %integer_pow3A_88 : vector<2000x512xf32>
    %add3A_92 = arith.addf %add3A_86, %mul3A_91 : vector<2000x512xf32>
    %mul3A_93 = arith.constant 0.797884583 : f32
    %mul3A_94 = vector.broadcast %mul3A_93 : f32 to vector<2000x512xf32>
    %mul3A_95 = arith.mulf %mul3A_94, %add3A_92 : vector<2000x512xf32>
    %tanh3A_96 = math.tanh %mul3A_95 : vector<2000x512xf32>
    %add3A_97 = arith.constant 1.000000e+00 : f32
    %add3A_98 = vector.broadcast %add3A_97 : f32 to vector<2000x512xf32>
    %add3A_99 = arith.addf %add3A_98, %tanh3A_96 : vector<2000x512xf32>
    %mul3A_100 = arith.constant 5.000000e-01 : f32
    %mul3A_101 = vector.broadcast %mul3A_100 : f32 to vector<2000x512xf32>
    %mul3A_102 = arith.mulf %mul3A_101, %add3A_99 : vector<2000x512xf32>
    %mul3A_103 = arith.mulf %add3A_86, %mul3A_102 : vector<2000x512xf32>
    %get3A_104 = arith.constant 0 : index
    %get3A_105 = arith.constant 0 : index
    %get3A_106 = vector.load %arg8[%get3A_104, %get3A_105] : memref<512x128xf32, #tpu.memory_space<vmem>>, vector<512x128xf32>
    %dot_general3A_107 = arith.constant dense<0.000000e+00> : vector<2000x128xf32>
    %dot_general3A_108 = tpu.matmul %mul3A_103, %get3A_106, %dot_general3A_107 {dimension_numbers = #tpu.dot_dimension_numbers<[1], [0], [0], [1], [0, 0, 1, 1], [], []>, transpose_lhs_hint = false} : vector<2000x512xf32>, vector<512x128xf32>, vector<2000x128xf32> -> vector<2000x128xf32>
    %get3A_109 = arith.constant 0 : index
    %get3A_110 = arith.constant 0 : index
    %get3A_111 = vector.load %arg9[%get3A_109, %get3A_110] : memref<1x128xf32, #tpu.memory_space<vmem>>, vector<1x128xf32>
    %add3A_112 = vector.broadcast %get3A_111 : vector<1x128xf32> to vector<2000x128xf32>
    %add3A_113 = arith.addf %dot_general3A_108, %add3A_112 : vector<2000x128xf32>
    %add3A_114 = arith.addf %add3A_39, %add3A_113 : vector<2000x128xf32>
    %swap3A = arith.constant 0 : index
    %swap3A_115 = arith.constant 0 : index
    %swap3A_116 = vector.load %arg12[%swap3A, %swap3A_115] : memref<2000x128xf32, #tpu.memory_space<vmem>>, vector<2000x128xf32>
    tpu.vector_store %arg12[%swap3A, %swap3A_115], %add3A_114 {strides = array<i32>} : memref<2000x128xf32, #tpu.memory_space<vmem>>, vector<2000x128xf32>,
    return
  }
  func.func @transform_0(%arg0: i32) -> (i32, i32, i32) {
    %c0_i32 = arith.constant 0 : i32
    %c0_i32_0 = arith.constant 0 : i32
    %c0_i32_1 = arith.constant 0 : i32
    return %c0_i32, %arg0, %c0_i32_0 : i32, i32, i32
  }
  func.func @transform_1(%arg0: i32) -> (i32, i32) {
    %c0_i32 = arith.constant 0 : i32
    %c0_i32_0 = arith.constant 0 : i32
    return %arg0, %c0_i32 : i32, i32
  }
  func.func @transform_2(%arg0: i32) -> (i32, i32) {
    %c0_i32 = arith.constant 0 : i32
    %c0_i32_0 = arith.constant 0 : i32
    return %arg0, %c0_i32 : i32, i32
  }
  func.func @transform_3(%arg0: i32) -> (i32, i32) {
    %c0_i32 = arith.constant 0 : i32
    %c0_i32_0 = arith.constant 0 : i32
    %c0_i32_1 = arith.constant 0 : i32
    return %c0_i32, %c0_i32_0 : i32, i32
  }
  func.func @transform_4(%arg0: i32) -> (i32, i32) {
    %c0_i32 = arith.constant 0 : i32
    %c0_i32_0 = arith.constant 0 : i32
    %c0_i32_1 = arith.constant 0 : i32
    return %c0_i32, %c0_i32_0 : i32, i32
  }
  func.func @transform_5(%arg0: i32) -> (i32, i32) {
    %c0_i32 = arith.constant 0 : i32
    %c0_i32_0 = arith.constant 0 : i32
    %c0_i32_1 = arith.constant 0 : i32
    return %c0_i32, %c0_i32_0 : i32, i32
  }
  func.func @transform_6(%arg0: i32) -> (i32, i32) {
    %c0_i32 = arith.constant 0 : i32
    %c0_i32_0 = arith.constant 0 : i32
    %c0_i32_1 = arith.constant 0 : i32
    return %c0_i32, %c0_i32_0 : i32, i32
  }
  func.func @transform_7(%arg0: i32) -> (i32, i32) {
    %c0_i32 = arith.constant 0 : i32
    %c0_i32_0 = arith.constant 0 : i32
    %c0_i32_1 = arith.constant 0 : i32
    return %c0_i32, %c0_i32_0 : i32, i32
  }
  func.func @transform_8(%arg0: i32) -> (i32, i32) {
    %c0_i32 = arith.constant 0 : i32
    %c0_i32_0 = arith.constant 0 : i32
    %c0_i32_1 = arith.constant 0 : i32
    return %c0_i32, %c0_i32_0 : i32, i32
  }
  func.func @transform_9(%arg0: i32) -> (i32, i32) {
    %c0_i32 = arith.constant 0 : i32
    %c0_i32_0 = arith.constant 0 : i32
    %c0_i32_1 = arith.constant 0 : i32
    return %c0_i32, %c0_i32_0 : i32, i32
  }
  func.func @transform_10(%arg0: i32) -> (i32, i32) {
    %c0_i32 = arith.constant 0 : i32
    %c0_i32_0 = arith.constant 0 : i32
    %c0_i32_1 = arith.constant 0 : i32
    return %c0_i32, %c0_i32_0 : i32, i32
  }
  func.func @transform_11(%arg0: i32) -> (i32, i32) {
    %c0_i32 = arith.constant 0 : i32
    %c0_i32_0 = arith.constant 0 : i32
    return %arg0, %c0_i32 : i32, i32
  }
}

</mosaic_0001>

<sc_bundles>
// kernel: kernel.5.cloned.1.call-start
scs
__scs_entry_jumppad:
0x0: {  	(pc) =	sbr.rel $0x88, $3  }
0x1: {  	(tag) =	ssettag $0x0;
	lr =	simm.s32 $0x1  }
0x2: {  	[smem:$0x3F90] =	sst lr;
	_ =	strace $0xD0000000  }
0x3: {  	_ = 	snop  }
0x4: {  	_ = 	snop  }
0x5: {  	_ = 	snop  }
0x6: {  	_ = 	snop  }
0x7: {  	_ = 	snop  }
__scs_overlays_trampoline_lowered:
0x8: {  	[smem:$0x3F9F] =	sst s0  }
0x9: {  	[smem:$0x3FA0] =	sst s1  }
0xa: {  	[smem:$0x3FA1] =	sst s2  }
0xb: {  	[smem:$0x3FA2] =	sst s3  }
0xc: {  	[smem:$0x3FA3] =	sst s4  }
0xd: {  	[smem:$0x3FA4] =	sst s5  }
0xe: {  	[smem:$0x3FA5] =	sst s6  }
0xf: {  	[smem:$0x3FA6] =	sst s7  }
0x10: {  	[smem:$0x3FA7] =	sst s8  }
0x11: {  	[smem:$0x3FA8] =	sst s9;
	s0 =	simm.s32 @!p0 $0x0  }
0x12: {  	s1 =	sld [smem:$0x3F8E];
	s0 =	simm.s32 @p0 $0x1  }
0x13: {  	[smem:$0x3FA9] =	sst s0;
	s0 =	simm.s32 @!p1 $0x0  }
0x14: {  	s2 =	sld [smem:$0x3F8D];
	s0 =	simm.s32 @p1 $0x1  }
0x15: {  	[smem:$0x3FAA] =	sst s0;
	s0 =	simm.s32 @!p2 $0x0  }
0x16: {  	s3 =	sld [smem:$0x3FDB];
	s0 =	simm.s32 @p2 $0x1  }
0x17: {  	s4 =	simm.s32 $0x1BF5;
	[smem:$0x3FAC] =	sst s0  }
0x18: {  	s0 =	sld [smem:$0x3F8F];
	_ =	swait.ge [sflag:s4], $0x0  }
0x19: {  	s7 =	sld [smem:$0x3F90]  }
0x1a: {  	s8 =	sadd.s32 $0xFFFFE003, lr  }
0x1b: {  	s9 =	sadd.s32 $0xFFFFFEF7, lr;
	s5 =	simm.s32 $0xFFFFFFFF;
	p2 =	slt.u32 s8, $0xFFFFF086  }
0x1c: {  	p1 =	slt.u32 s9, $0xF7A;
	s5 =	simm.s32 @!p2 $0x0  }
0x1d: {  	s5 =	simm.s32 @p1 $0x1;
	p0 =	seq.s32 s7, s2  }
0x1e: {  	s7 =	smul.u32 @!p0 $0xF7A, s2;
	p2 =	seq.s32 @!p0 s5, $0x0  }
0x1f: {  	s9 =	smul.u32 $0xF7A, s1;
	s8 =	simm.s32 @!p0 $0x1BF5;
	p2 =	por !p2, p0  }
0x20: {  	[sflag:s8] =	ssyncset.s32 @!p0 $0xFFFFF086;
	s6 =	sadd.s32 @!p0 s3, s7;
	s7 =	simm.s32 @!p0 $0x108  }
0x21: {  	s3 =	sadd.s32 s3, s9;
	s6 =	sadd.s32 @!p0 $0x88, s6;
	s7 =	simm.s32 @p2 $0x1082  }
0x22: {  	[simem:s7], [sflag:s8] =	dma.local @!p0 [hbm:s6], $0xF7A  }
0x23: {  	s9 =	sor.u32 $0xD0000000, s2;
	s6 =	simm.s32 $0x108;
	_ =	swait.ge @!p0 [sflag:s8], $0x0  }
0x24: {  	s3 =	sadd.s32 $0x88, s3;
	s6 =	simm.s32 @!p1 $0x1082;
	[sflag:s4] =	ssyncset.s32 $0xFFFFF086  }
0x25: {  	[simem:s6], [sflag:s4] =	dma.local [hbm:s3], $0xF7A  }
0x26: {  	[smem:$0x3F90] =	sst s1;
	(tag) =	ssettag s2;
	_ =	strace s9  }
0x27: {  	s1 =	sld [smem:$0x3FA0]  }
0x28: {  	s2 =	sld [smem:$0x3FA1]  }
0x29: {  	s4 =	sld [smem:$0x3FA3]  }
0x2a: {  	p0 =	seq.s32 s5, $0x0;
	s5 =	sld [smem:$0x3FA4]  }
0x2b: {  	s6 =	sld [smem:$0x3FA5]  }
0x2c: {  	s7 =	sld [smem:$0x3FA6]  }
0x2d: {  	s3 =	simm.s32 $0x108;
	s8 =	sld [smem:$0x3FA7]  }
0x2e: {  	s3 =	simm.s32 @!p0 $0x1082;
	s9 =	sld [smem:$0x3FA8]  }
0x2f: {  	lr =	sadd.s32 s0, s3;
	s0 =	sld [smem:$0x3F9F]  }
0x30: {  	s3 =	sld [smem:$0x3FA2]  }
0x31: {  	[smem:$0x3FAB] =	sst s10  }
0x32: {  	s10 =	sld [smem:$0x3FA9];
	_ =	sdelay $0x3  }
0x33: {  	p0 =	seq.s32 s10, $0x1;
	s10 =	sld [smem:$0x3FAB];
	_ =	sdelay $0x3  }
0x34: {  	[smem:$0x3FAB] =	sst s10  }
0x35: {  	s10 =	sld [smem:$0x3FAA];
	_ =	sdelay $0x3  }
0x36: {  	p1 =	seq.s32 s10, $0x1;
	s10 =	sld [smem:$0x3FAB];
	_ =	sdelay $0x3  }
0x37: {  	[smem:$0x3FAB] =	sst s10  }
0x38: {  	s10 =	sld [smem:$0x3FAC]  }
0x39: {  	_ = 	snop;
	(pc) =	sbr.ind lr, $3  }
0x3a: {  	_ = 	snop  }
0x3b: {  	_ = 	snop  }
0x3c: {  	p2 =	seq.s32 s10, $0x1;
	s10 =	sld [smem:$0x3FAB]  }
0x3d: {  	_ =	shalt  }
0x3e: {  	_ =	shalt  }
0x3f: {  	_ =	shalt  }
0x40: {  	_ =	shalt  }
0x41: {  	_ =	shalt  }
0x42: {  	_ =	shalt  }
0x43: {  	_ =	shalt  }
0x44: {  	_ =	shalt  }
0x45: {  	_ =	shalt  }
0x46: {  	_ =	shalt  }
0x47: {  	_ =	shalt  }
0x48: {  	_ =	shalt  }
0x49: {  	_ =	shalt  }
0x4a: {  	_ =	shalt  }
0x4b: {  	_ =	shalt  }
0x4c: {  	_ =	shalt  }
0x4d: {  	_ =	shalt  }
0x4e: {  	_ =	shalt  }
0x4f: {  	_ =	shalt  }
0x50: {  	_ =	shalt  }
0x51: {  	_ =	shalt  }
0x52: {  	_ =	shalt  }
0x53: {  	_ =	shalt  }
0x54: {  	_ =	shalt  }
0x55: {  	_ =	shalt  }
0x56: {  	_ =	shalt  }
0x57: {  	_ =	shalt  }
0x58: {  	_ =	shalt  }
0x59: {  	_ =	shalt  }
0x5a: {  	_ =	shalt  }
0x5b: {  	_ =	shalt  }
0x5c: {  	_ =	shalt  }
0x5d: {  	_ =	shalt  }
0x5e: {  	_ =	shalt  }
0x5f: {  	_ =	shalt  }
0x60: {  	_ =	shalt  }
0x61: {  	_ =	shalt  }
0x62: {  	_ =	shalt  }
0x63: {  	_ =	shalt  }
0x64: {  	_ =	shalt  }
0x65: {  	_ =	shalt  }
0x66: {  	_ =	shalt  }
0x67: {  	_ =	shalt  }
0x68: {  	_ =	shalt  }
0x69: {  	_ =	shalt  }
0x6a: {  	_ =	shalt  }
0x6b: {  	_ =	shalt  }
0x6c: {  	_ =	shalt  }
0x6d: {  	_ =	shalt  }
0x6e: {  	_ =	shalt  }
0x6f: {  	_ =	shalt  }
0x70: {  	_ =	shalt  }
0x71: {  	_ =	shalt  }
0x72: {  	_ =	shalt  }
0x73: {  	_ =	shalt  }
0x74: {  	_ =	shalt  }
0x75: {  	_ =	shalt  }
0x76: {  	_ =	shalt  }
0x77: {  	_ =	shalt  }
0x78: {  	_ =	shalt  }
0x79: {  	_ =	shalt  }
0x7a: {  	_ =	shalt  }
0x7b: {  	_ =	shalt  }
0x7c: {  	_ =	shalt  }
0x7d: {  	_ =	shalt  }
0x7e: {  	_ =	shalt  }
0x7f: {  	_ =	shalt  }
0x80: {  	_ =	shalt  }
0x81: {  	_ =	shalt  }
0x82: {  	_ =	shalt  }
0x83: {  	_ =	shalt  }
0x84: {  	_ =	shalt  }
0x85: {  	_ =	shalt  }
0x86: {  	_ =	shalt  }
0x87: {  	_ =	shalt  }
.Lfunc_end0:
.L_simem_size_0:
called_computation_lowered:
.L_overlay_start_0:
0x88: {  	s2 =	sld [smem:$0x3FD9]  }
0x89: {  	s3 =	sld [smem:$0x3FFE];
	_ =	sdelay $0x1  }
0x8a: {  	s1 =	srdreg.scid  }
0x8b: {  	s0 =	sand.u32 $0x1, s1  }
0x8c: {  	s17 =	sshll.u32 s0, $0xA;
	s2 =	sadd.s32 s3, s2  }
0x8d: {  	s2 =	sadd.s32 s2, s17  }
0x8e: {  	[smem:$0x3FB7] =	sst s2  }
0x8f: {  	_ = 	snop  }
0x90: {  	s2 =	sld [smem:$0x3FD0];
	(tm) =	ssettm $0x1  }
0x91: {  	s18 =	sld [smem:$0x3FFB];
	_ =	sdelay $0x3  }
0x92: {  	_ =	strace s18  }
0x93: {  	s3 =	sld [smem:$0x3FFC];
	_ =	sdelay $0x3  }
0x94: {  	_ =	strace s3  }
0x95: {  	s3 =	sld [smem:$0x3FFD];
	_ =	sdelay $0x3  }
0x96: {  	_ =	strace s3  }
0x97: {  	_ =	strace $0x8FFFFFFF  }
0x98: {  	s19 =	sld [smem:$0x3FDB];
	_ =	sdelay $0x1  }
0x99: {  	s4 =	simm.s32 $_scs_section_size  }
0x9a: {  	s5 =	simm.s32 $_size__tile_overlayer_lowered;
	s6 =	simm.s32 $_tile_overlayer_lowered  }
0x9b: {  	s22 =	simm.s32 $0x1BFF;
	s21 =	sshll.u32 s6, $0x1;
	s3 =	sadd.s32 s4, s19  }
0x9c: {  	s7 =	simm.s32 $0x0;
	s20 =	sshll.u32 s5, $0x1;
	s5 =	sadd.s32 s21, s3  }
0x9d: {  	[timem:s7], [sflag:s22] =	dma.local [hbm:s5], s20  }
0x9e: {  	_ =	swait.ge [sflag:s22], s20  }
0x9f: {  	s4 =	ssub.s32 $0x0, s20;
	[sflag:s22] =	ssyncset.done $0x0  }
0xa0: {  	[sflag:s22] =	ssyncadd.s32 s4;
	_ =	sdelay $0x1  }
0xa1: {  	s23 =	simm.s32 $0x1B8B  }
0xa2: {  	_ =	swait.ge [sflag:s23], $0x1  }
0xa3: {  	[sflag:s23] =	ssyncset.done $0x0  }
0xa4: {  	s25 =	simm.s32 $0x1B8E;
	s24 =	sld [smem:$0x3FFE];
	[sflag:s23] =	ssyncadd.s32 $0xFFFFFFFF  }
0xa5: {  	s26 =	simm.s32 $execute0_lowered;
	[smem:$0x3FD2] =	sst s25  }
0xa6: {  	s5 =	sshll.u32 s26, $0x1;
	_ =	strace $0x80000046;
	[dreg:$0x1] =	wrdreg $0xFFFFFFFF  }
0xa7: {  	s28 =	simm.s32 $_size_execute0_lowered;
	s3 =	sadd.s32 s3, s5;
	[dreg:$0x0] =	wrdreg $0x0  }
0xa8: {  	s5 =	sshll.u32 s28, $0x1;
	[dreg:$0x2] =	wrdreg s3  }
0xa9: {  	[dreg:$0x3] =	wrdreg s5  }
0xaa: {  	[dreg:$0x4] =	wrdreg $0xC0  }
0xab: {  	_ =	task [dreg:s7], $0x5FFFF  }
0xac: {  	[dreg:$0x1] =	wrdreg $0xFFFFFFFF  }
0xad: {  	[dreg:$0x0] =	wrdreg $0x60  }
0xae: {  	[dreg:$0x2] =	wrdreg s24  }
0xaf: {  	[dreg:$0x3] =	wrdreg s2  }
0xb0: {  	[dreg:$0x4] =	wrdreg $0x89000  }
0xb1: {  	[dreg:$0x5] =	wrdreg $0x9  }
0xb2: {  	_ =	task.clear_ibuf [dreg:s7], $0x6FFFF;
	_ =	strace $0x90000046  }
0xb3: {  	s29 =	simm.s32 $0x9;
	_ =	strace $0x80000048  }
0xb4: {  	_ =	swait.ge [sflag:s29], $0x1  }
0xb5: {  	[sflag:s29] =	ssyncadd.s32 $0xFFFFFFFF  }
0xb6: {  	_ =	strace $0x90000048  }
0xb7: {  	_ =	sfence  }
0xb8: {  	s30 =	sld [smem:$0x0];
	_ =	sdelay $0x2  }
0xb9: {  	s31 =	sshll.u32 s1, $0xD;
	s1 =	sshrl.u32 s1, $0x2  }
0xba: {  	s3 =	sand.u32 $0x4000, s31;
	s1 =	sadd.s32 s1, s30  }
0xbb: {  	s0 =	sor.u32 s3, s0;
	s1 =	sshll.u32 s1, $0x11  }
0xbc: {  	s0 =	sor.u32 s1, s0  }
0xbd: {  	s0 =	sadd.s32 $0x8F2B, s0  }
0xbe: {  	[sflag:s0] =	ssyncadd.remote.s32 $0x1  }
0xbf: {  	_ =	sfence.sel $0xFFFF  }
0xc0: {  	[dreg:$0x0] =	wrdreg $0xFFFFFFFF;
	(pc) =	sbr.abs _section_cstart, $3  }
0xc1: {  	[dreg:$0x1] =	wrdreg $0xFFFFFFFF  }
0xc2: {  	_ =	task.clear_ibuf [dreg:s7], $0x2FFFF;
	_ =	strace $0x9FFFFFFF  }
0xc3: {  	(tm) =	ssettm $0x7FFFFFFF  }
tec
execute0_lowered:
.L_overlay_start_1:
0x0: {  	(tag) =	ssettag $0x1  }
0x1: {  	s0 =	rddreg [dreg:$0x0]  }
0x2: {  	s3 =	rddreg [dreg:$0x2]  }
0x3: {  	s1 =	srdreg.scid;
	s13 =	stileid.u32  }
0x4: {  	s4 =	simm.s32 $0x0;
	s1 =	sand.u32 $0x1, s1;
	s2 =	sshll.u32 s13, $0x1  }
0x5: {  	[smem:$0x7FF] =	sst s4;
	s10 =	smul.u32 $0x4F000, s13;
	s2 =	sor.u32 s1, s2  }
0x6: {  	s8 =	sadd.s32 $0x13B000, s0;
	s6 =	ssub.s32 $0x2, s1;
	s12 =	smul.u32 $0x4E40, s2  }
0x7: {  	_ =	strace $0x80000047;
	s7 =	smul.u32 $0x27200, s2;
	s9 =	sshrl.u32 s6, $0x1  }
0x8: {  	s16 =	sshrl.u32 s10, $0x2;
	s9 =	ssub.s32 s6, s9;
	s17 =	sadd.s32 s8, s12  }
0x9: {  	s6 =	smul.u32 $0x139, s2;
	s15 =	sshrl.u32 s7, $0x3;
	[dreg:$0x4] =	wrdreg s17  }
0xa: {  	s2 =	sadd.s32 s8, s15;
	s8 =	sadd.s32 s16, s3;
	s16 =	smax.u32 s9, $0x1  }
0xb: {  	[dreg:$0x13] =	wrdreg s16  }
0xc: {  	s28 =	simm.s32 $0x4;
	s2 =	sadd.s32 $0x40, s2;
	[dreg:$0x5] =	wrdreg s8  }
0xd: {  	s29 =	simm.s32 $0x780;
	s18 =	sadd.s32 $0x1000, s8;
	[dreg:$0x6] =	wrdreg s2  }
0xe: {  	s30 =	simm.s32 $0x3;
	s19 =	sadd.s32 $0x2000, s8;
	[dreg:$0x7] =	wrdreg s18  }
0xf: {  	s31 =	simm.s32 $0x700;
	s20 =	sadd.s32 $0x3000, s8;
	[dreg:$0x8] =	wrdreg s19  }
0x10: {  	s5 =	sadd.s32 $0x2800, s0;
	s21 =	sadd.s32 $0x4000, s8;
	[dreg:$0x9] =	wrdreg s20  }
0x11: {  	s11 =	sadd.s32 $0x1D7800, s0;
	s22 =	sadd.s32 $0x5000, s8;
	[dreg:$0xa] =	wrdreg s21  }
0x12: {  	s24 =	smul.u32 $0x13800, s13;
	s23 =	sadd.s32 $0x6000, s8;
	[dreg:$0xb] =	wrdreg s22  }
0x13: {  	p0 =	sne.s32 s13, $0xF;
	s7 =	sadd.s32 $0x7000, s8;
	[dreg:$0xc] =	wrdreg s23  }
0x14: {  	s1 =	smul.u32 $0x138800, s1;
	s25 =	sadd.s32 $0x8000, s8;
	[dreg:$0xd] =	wrdreg s7  }
0x15: {  	s12 =	smul.u32 $0x4E000, s13;
	s26 =	sadd.s32 $0x9000, s8;
	[dreg:$0xe] =	wrdreg s25  }
0x16: {  	s13 =	simm.s32 $0xB;
	s10 =	sadd.s32 $0xA000, s8;
	[dreg:$0xf] =	wrdreg s26  }
0x17: {  	s9 =	sadd.s32 $0x1, s6;
	s17 =	sadd.s32 $0xB000, s8;
	[dreg:$0x10] =	wrdreg s10  }
0x18: {  	s15 =	sshrl.u32 s12, $0x2;
	[dreg:$0x16] =	wrdreg s17;
	s18 =	sadd.s32 $0xC000, s8  }
0x19: {  	s12 =	simm.s32 $0xA80;
	s19 =	sadd.s32 $0xD000, s8;
	[dreg:$0x17] =	wrdreg s18  }
0x1a: {  	s16 =	simm.s32 $0x20;
	s21 =	sadd.s32 $0xE000, s8;
	[dreg:$0x18] =	wrdreg s19  }
0x1b: {  	s2 =	sadd.s32 s24, s1;
	s22 =	sadd.s32 $0xF000, s8;
	[dreg:$0x19] =	wrdreg s21  }
0x1c: {  	s20 =	sadd.s32 $0x13B080, s0;
	s23 =	sadd.s32 $0x10000, s8;
	[dreg:$0x1a] =	wrdreg s22  }
0x1d: {  	s1 =	sshrl.u32 s1, $0x3;
	s24 =	sadd.s32 $0x11000, s8;
	[dreg:$0x1b] =	wrdreg s23  }
0x1e: {  	s25 =	sadd.s32 $0x12000, s8;
	s26 =	sadd.s32 $0x13000, s8;
	[dreg:$0x1c] =	wrdreg s24  }
0x1f: {  	s10 =	sadd.s32 $0x2, s6;
	s8 =	simm.s32 $0x0;
	[dreg:$0x1d] =	wrdreg s25  }
0x20: {  	s14 =	sshrl.u32 s2, $0x3;
	s1 =	sadd.s32 s11, s1;
	[dreg:$0x1e] =	wrdreg s26  }
0x21: {  	s18 =	simm.s32 $0x1A80;
	s19 =	simm.s32 $0x1;
	s21 =	simm.s32 $0x600  }
0x22: {  	s22 =	simm.s32 $0x6;
	s24 =	simm.s32 $0x2A80;
	s25 =	simm.s32 $0x2  }
.Ltmp0:
0x23: {  	s2 =	simm.s32 $0x9;
	s0 =	sadd.s32 s11, s14;
	(pc) =	sbr.rel .LBB2_1-.Ltmp0, $4  }
0x24: {  	s1 =	sadd.s32 $0x27000, s1;
	[dreg:$0x11] =	wrdreg s0;
	s0 =	sadd.s32 s15, s3  }
0x25: {  	[dreg:$0x12] =	wrdreg s1;
	s1 =	sadd.s32 $0x138000, s3;
	s0 =	sshrl.u32 s0, $0x3  }
0x26: {  	s11 =	simm.s32 $0x3A80;
	[dreg:$0x14] =	wrdreg s0;
	s0 =	sshrl.u32 @!p0 s1, $0x3  }
0x27: {  	v0 =	vimm.f32 $0.0e+00;
	s15 =	simm.s32 $0x5;
	s1 =	simm.s32 $0x8;
	[dreg:$0x15] =	wrdreg s0  }
.LBB2_22:
0x28: {  	s0 =	simm.s32 $0x7  }
0x29: {  	_ =	swait.ge [sflag:s0], $0x1000  }
0x2a: {  	[sflag:s0] =	ssyncset.done $0x0  }
0x2b: {  	[sflag:s0] =	ssyncadd.s32 $0xFFFFF000  }
0x2c: {  	_ =	swait.ge [sflag:s1], $0x1000  }
0x2d: {  	[sflag:s1] =	ssyncset.done $0x0  }
0x2e: {  	[sflag:s1] =	ssyncadd.s32 $0xFFFFF000  }
0x2f: {  	_ =	swait.ge [sflag:s2], $0x1000  }
0x30: {  	[sflag:s2] =	ssyncset.done $0x0  }
0x31: {  	[sflag:s2] =	ssyncadd.s32 $0xFFFFF000  }
0x32: {  	s17 =	stileid.u32;
	[bflag:$0x0] =	sbarrier.arrive $0xFFFF  }
0x33: {  	s0 =	sshll.u32 s17, $0x6;
	s7 =	rddreg [dreg:$0x11]  }
0x34: {  	s0 =	sor.u32 $0x1C0B, s0;
	s8 =	rddreg [dreg:$0x14]  }
0x35: {  	[hbm:s7], [sflag:s0] =	dma.local [spmem:s8], $0x2700  }
0x36: {  	_ =	swait.ge [sflag:s13], $0x2700  }
0x37: {  	[sflag:s13] =	ssyncset.done $0x0;
	s7 =	rddreg [dreg:$0x12]  }
0x38: {  	s8 =	rddreg [dreg:$0x15];
	[sflag:s13] =	ssyncadd.s32 $0xFFFFD900  }
0x39: {  	[hbm:s7], [sflag:s0] =	dma.local @!p0 [spmem:s8], $0x100  }
0x3a: {  	s0 =	simm.s32 @!p0 $0xB  }
0x3b: {  	_ =	swait.ge @!p0 [sflag:s0], $0x100  }
0x3c: {  	s23 =	rddreg [dreg:$0x1f]  }
0x3d: {  	s26 =	rddreg [dreg:$0x13];
	s8 =	sadd.s32 $0x1, s23  }
0x3e: {  	p1 =	sne.s32 s8, s26  }
.Ltmp1:
0x3f: {  	_ = 	snop;
	(pc) =	sbr.rel @!p1 .LBB2_23-.Ltmp1, $3  }
0x40: {  	_ =	sdelay $0x1  }
0x41: {  	[sflag:s0] =	ssyncset.done @!p0 $0x0  }
0x42: {  	[sflag:s0] =	ssyncadd.s32 @!p0 $0xFFFFFF00  }
.LBB2_1:
0x43: {  	s0 =	rddreg [dreg:$0x4]  }
0x44: {  	[tilespmem:s4], [sflag:$0x1] =	stream.linear.gather [hbm4b:s0+s4], $0x180, $0x38;
	[tilespmem:$0x1C500] =	vst v63  }
0x45: {  	s23 =	rddreg [dreg:$0x6];
	s7 =	simm.s32 $0x200  }
0x46: {  	[tilespmem:s7], [sflag:$0x2] =	stream.linear.gather [hbm4b:s23+s4], $0x180, $0x38;
	[tilespmem:$0x1C500] =	vst v63  }
0x47: {  	s26 =	rddreg [dreg:$0x1];
	s0 =	simm.s32 $0x0;
	s7 =	simm.s32 $0x200  }
0x48: {  	[tilespmem:s11], [sflag:$0xA] =	stream.linear.gather [hbm4b:s26+s4], $0x4E80, $0x38;
	[tilespmem:$0x1C500] =	vst v63  }
.LBB2_2:
0x49: {  	p1 =	sne.s32 s7, $0x3E00;
	[tilespmem:s0+$0xAF0] =	vst v0  }
0x4a: {  	[tilespmem:s0+$0xA80] =	vst v0  }
0x4b: {  	[tilespmem:s0+$0xA90] =	vst v0  }
.Ltmp2:
0x4c: {  	[tilespmem:s0+$0xAA0] =	vst v0;
	(pc) =	sbr.rel @p1 .LBB2_2-.Ltmp2, $4  }
0x4d: {  	[tilespmem:s0+$0xAB0] =	vst v0  }
0x4e: {  	[tilespmem:s0+$0xAC0] =	vst v0  }
0x4f: {  	[tilespmem:s0+$0xAD0] =	vst v0  }
0x50: {  	[tilespmem:s0+$0xAE0] =	vst v0;
	s0 =	sshra.s32 s7, $0x2;
	s7 =	sadd.s32 $0x200, s7  }
0x51: {  	[tilespmem:s0+$0xAF0] =	vst v0  }
0x52: {  	[tilespmem:s0+$0xA80] =	vst v0  }
0x53: {  	[tilespmem:s0+$0xA90] =	vst v0  }
0x54: {  	[tilespmem:s0+$0xAA0] =	vst v0  }
0x55: {  	[tilespmem:s0+$0xAB0] =	vst v0  }
0x56: {  	[tilespmem:s0+$0xAC0] =	vst v0  }
0x57: {  	[dreg:$0x1f] =	wrdreg s8;
	[tilespmem:s0+$0xAD0] =	vst v0  }
0x58: {  	[tilespmem:s0+$0xAE0] =	vst v0;
	s17 =	rddreg [dreg:$0x5]  }
0x59: {  	[spmem:s17] =	stream.linear.scatter [tilespmem:s12], [sflag:$0xB], $0x1000, $0x38;
	[tilespmem:$0x1C500] =	vst v63  }
0x5a: {  	_ =	swait.ge [sflag:s13], $0x1000  }
0x5b: {  	[sflag:s13] =	ssyncset.done $0x0  }
0x5c: {  	s23 =	rddreg [dreg:$0x7];
	[sflag:s13] =	ssyncadd.s32 $0xFFFFF000  }
0x5d: {  	[spmem:s23] =	stream.linear.scatter [tilespmem:s12], [sflag:$0xB], $0x1000, $0x38;
	[tilespmem:$0x1C500] =	vst v63  }
0x5e: {  	_ =	swait.ge [sflag:s13], $0x1000  }
0x5f: {  	[sflag:s13] =	ssyncset.done $0x0  }
0x60: {  	s26 =	rddreg [dreg:$0x8];
	[sflag:s13] =	ssyncadd.s32 $0xFFFFF000  }
0x61: {  	[spmem:s26] =	stream.linear.scatter [tilespmem:s12], [sflag:$0xB], $0x1000, $0x38;
	[tilespmem:$0x1C500] =	vst v63  }
0x62: {  	_ =	swait.ge [sflag:s13], $0x1000  }
0x63: {  	[sflag:s13] =	ssyncset.done $0x0  }
0x64: {  	s7 =	rddreg [dreg:$0x9];
	[sflag:s13] =	ssyncadd.s32 $0xFFFFF000  }
0x65: {  	[spmem:s7] =	stream.linear.scatter [tilespmem:s12], [sflag:$0xB], $0x1000, $0x38;
	[tilespmem:$0x1C500] =	vst v63  }
0x66: {  	_ =	swait.ge [sflag:s13], $0x1000  }
0x67: {  	[sflag:s13] =	ssyncset.done $0x0  }
0x68: {  	s8 =	rddreg [dreg:$0xa];
	[sflag:s13] =	ssyncadd.s32 $0xFFFFF000  }
0x69: {  	[spmem:s8] =	stream.linear.scatter [tilespmem:s12], [sflag:$0xB], $0x1000, $0x38;
	[tilespmem:$0x1C500] =	vst v63  }
0x6a: {  	_ =	swait.ge [sflag:s13], $0x1000  }
0x6b: {  	[sflag:s13] =	ssyncset.done $0x0  }
0x6c: {  	s14 =	rddreg [dreg:$0xb];
	[sflag:s13] =	ssyncadd.s32 $0xFFFFF000  }
0x6d: {  	[spmem:s14] =	stream.linear.scatter [tilespmem:s12], [sflag:$0xB], $0x1000, $0x38;
	[tilespmem:$0x1C500] =	vst v63  }
0x6e: {  	_ =	swait.ge [sflag:s13], $0x1000  }
0x6f: {  	[sflag:s13] =	ssyncset.done $0x0  }
0x70: {  	s17 =	rddreg [dreg:$0xc];
	[sflag:s13] =	ssyncadd.s32 $0xFFFFF000  }
0x71: {  	[spmem:s17] =	stream.linear.scatter [tilespmem:s12], [sflag:$0xB], $0x1000, $0x38;
	[tilespmem:$0x1C500] =	vst v63  }
0x72: {  	_ =	swait.ge [sflag:s13], $0x1000  }
0x73: {  	[sflag:s13] =	ssyncset.done $0x0  }
0x74: {  	s23 =	rddreg [dreg:$0xd];
	[sflag:s13] =	ssyncadd.s32 $0xFFFFF000  }
0x75: {  	[spmem:s23] =	stream.linear.scatter [tilespmem:s12], [sflag:$0xB], $0x1000, $0x38;
	[tilespmem:$0x1C500] =	vst v63  }
0x76: {  	_ =	swait.ge [sflag:s13], $0x1000  }
0x77: {  	[sflag:s13] =	ssyncset.done $0x0  }
0x78: {  	s26 =	rddreg [dreg:$0xe];
	[sflag:s13] =	ssyncadd.s32 $0xFFFFF000  }
0x79: {  	[spmem:s26] =	stream.linear.scatter [tilespmem:s12], [sflag:$0xB], $0x1000, $0x38;
	[tilespmem:$0x1C500] =	vst v63  }
0x7a: {  	_ =	swait.ge [sflag:s13], $0x1000  }
0x7b: {  	[sflag:s13] =	ssyncset.done $0x0  }
0x7c: {  	s7 =	rddreg [dreg:$0xf];
	[sflag:s13] =	ssyncadd.s32 $0xFFFFF000  }
0x7d: {  	[spmem:s7] =	stream.linear.scatter [tilespmem:s12], [sflag:$0xB], $0x1000, $0x38;
	[tilespmem:$0x1C500] =	vst v63  }
0x7e: {  	_ =	swait.ge [sflag:s13], $0x1000  }
0x7f: {  	[sflag:s13] =	ssyncset.done $0x0  }
0x80: {  	s8 =	rddreg [dreg:$0x10];
	[sflag:s13] =	ssyncadd.s32 $0xFFFFF000  }
0x81: {  	[spmem:s8] =	stream.linear.scatter [tilespmem:s12], [sflag:$0xB], $0x1000, $0x38;
	[tilespmem:$0x1C500] =	vst v63  }
0x82: {  	_ =	swait.ge [sflag:s13], $0x1000  }
0x83: {  	[sflag:s13] =	ssyncset.done $0x0  }
0x84: {  	s14 =	rddreg [dreg:$0x16];
	[sflag:s13] =	ssyncadd.s32 $0xFFFFF000  }
0x85: {  	[spmem:s14] =	stream.linear.scatter [tilespmem:s12], [sflag:$0xB], $0x1000, $0x38;
	[tilespmem:$0x1C500] =	vst v63  }
0x86: {  	_ =	swait.ge [sflag:s13], $0x1000  }
0x87: {  	[sflag:s13] =	ssyncset.done $0x0  }
0x88: {  	s17 =	rddreg [dreg:$0x17];
	[sflag:s13] =	ssyncadd.s32 $0xFFFFF000  }
0x89: {  	[spmem:s17] =	stream.linear.scatter [tilespmem:s12], [sflag:$0xB], $0x1000, $0x38;
	[tilespmem:$0x1C500] =	vst v63  }
0x8a: {  	_ =	swait.ge [sflag:s13], $0x1000  }
0x8b: {  	[sflag:s13] =	ssyncset.done $0x0  }
0x8c: {  	s23 =	rddreg [dreg:$0x18];
	[sflag:s13] =	ssyncadd.s32 $0xFFFFF000  }
0x8d: {  	[spmem:s23] =	stream.linear.scatter [tilespmem:s12], [sflag:$0xB], $0x1000, $0x38;
	[tilespmem:$0x1C500] =	vst v63  }
0x8e: {  	_ =	swait.ge [sflag:s13], $0x1000  }
0x8f: {  	[sflag:s13] =	ssyncset.done $0x0  }
0x90: {  	s26 =	rddreg [dreg:$0x19];
	[sflag:s13] =	ssyncadd.s32 $0xFFFFF000  }
0x91: {  	[spmem:s26] =	stream.linear.scatter [tilespmem:s12], [sflag:$0xB], $0x1000, $0x38;
	[tilespmem:$0x1C500] =	vst v63  }
0x92: {  	_ =	swait.ge [sflag:s13], $0x1000  }
0x93: {  	[sflag:s13] =	ssyncset.done $0x0  }
0x94: {  	s7 =	rddreg [dreg:$0x1a];
	[sflag:s13] =	ssyncadd.s32 $0xFFFFF000  }
0x95: {  	[spmem:s7] =	stream.linear.scatter [tilespmem:s12], [sflag:$0xB], $0x1000, $0x38;
	[tilespmem:$0x1C500] =	vst v63  }
0x96: {  	_ =	swait.ge [sflag:s13], $0x1000  }
0x97: {  	[sflag:s13] =	ssyncset.done $0x0  }
0x98: {  	s8 =	rddreg [dreg:$0x1b];
	[sflag:s13] =	ssyncadd.s32 $0xFFFFF000  }
0x99: {  	[spmem:s8] =	stream.linear.scatter [tilespmem:s12], [sflag:$0xB], $0x1000, $0x38;
	[tilespmem:$0x1C500] =	vst v63  }
0x9a: {  	_ =	swait.ge [sflag:s13], $0x1000  }
0x9b: {  	[sflag:s13] =	ssyncset.done $0x0  }
0x9c: {  	s14 =	rddreg [dreg:$0x1c];
	[sflag:s13] =	ssyncadd.s32 $0xFFFFF000  }
0x9d: {  	[spmem:s14] =	stream.linear.scatter [tilespmem:s12], [sflag:$0xB], $0x1000, $0x38;
	[tilespmem:$0x1C500] =	vst v63  }
0x9e: {  	_ =	swait.ge [sflag:s13], $0x1000  }
0x9f: {  	[sflag:s13] =	ssyncset.done $0x0  }
0xa0: {  	s17 =	rddreg [dreg:$0x1d];
	[sflag:s13] =	ssyncadd.s32 $0xFFFFF000  }
0xa1: {  	[spmem:s17] =	stream.linear.scatter [tilespmem:s12], [sflag:$0xB], $0x1000, $0x38;
	[tilespmem:$0x1C500] =	vst v63  }
0xa2: {  	_ =	swait.ge [sflag:s13], $0x1000  }
0xa3: {  	[sflag:s13] =	ssyncset.done $0x0  }
0xa4: {  	s23 =	rddreg [dreg:$0x1e];
	[sflag:s13] =	ssyncadd.s32 $0xFFFFF000  }
0xa5: {  	[spmem:s23] =	stream.linear.scatter [tilespmem:s12], [sflag:$0xB], $0xC00, $0x38;
	[tilespmem:$0x1C500] =	vst v63  }
0xa6: {  	_ =	swait.ge [sflag:s13], $0xC00  }
0xa7: {  	[sflag:s13] =	ssyncset.done $0x0  }
0xa8: {  	s26 =	simm.s32 $0xA;
	[sflag:s13] =	ssyncadd.s32 $0xFFFFF400  }
.Ltmp3:
0xa9: {  	_ =	swait.ge [sflag:s26], $0x4E80;
	(pc) =	sbr.rel .LBB2_4-.Ltmp3, $4  }
0xaa: {  	[sflag:s26] =	ssyncset.done $0x0  }
0xab: {  	[sflag:s26] =	ssyncadd.s32 $0xFFFFB180  }
0xac: {  	[bflag:$0x0] =	sbarrier.arrive $0xFFFF  }
0xad: {  	s14 =	simm.s32 $0x0  }
.LBB2_20:
0xae: {  	_ =	swait.ge [sflag:s2], $0x1000  }
0xaf: {  	[sflag:s2] =	ssyncset.done $0x0  }
0xb0: {  	[sflag:s2] =	ssyncadd.s32 $0xFFFFF000  }
.LBB2_21:
0xb1: {  	_ =	swait.ge [sflag:s30], $0x180  }
0xb2: {  	[sflag:s30] =	ssyncset.done $0x0  }
0xb3: {  	[sflag:s30] =	ssyncadd.s32 $0xFFFFFE80  }
0xb4: {  	v1 =	vld [tilespmem:$0x500]  }
0xb5: {  	v2 =	vld [tilespmem:$0x510]  }
0xb6: {  	v3 =	vld [tilespmem:$0x400]  }
0xb7: {  	v4 =	vld [tilespmem:$0x410];
	_ =	sdelay $0x1  }
0xb8: {  	v1 =	vmul.u32 $0x2710, v1  }
0xb9: {  	v2 =	vmul.u32 $0x2710, v2  }
0xba: {  	p1 =	sgt.u32 s14, $0x66;
	v1 =	vadd.s32 v3, v1  }
0xbb: {  	s0 =	sadd.s32 @!p1 s0, s10;
	[tilespmem:$0x700] =	vst v1;
	v1 =	vadd.s32 v4, v2  }
0xbc: {  	s0 =	sshll.u32 @!p1 s0, $0x6;
	[tilespmem:$0x710] =	vst v1  }
0xbd: {  	[tilespmem:s24], [sflag:$0x6] =	stream.indirect.gather [hbm4b:s5+s16], $0x80, s31, s16, $0xb8;
	[tilespmem:$0x1C500] =	vst v63  }
0xbe: {  	s7 =	simm.s32 @!p1 $0x0;
	s8 =	simm.s32 @!p1 $0x200;
	s0 =	sadd.s32 @!p1 s0, s20  }
0xbf: {  	[tilespmem:s8], [sflag:$0x2] =	stream.linear.gather @!p1 [hbm4b:s0+s7], $0x180, $0x38;
	[tilespmem:$0x1C500] =	vst v63  }
0xc0: {  	v1 =	vld [tilespmem:$0x480]  }
0xc1: {  	v2 =	vld [tilespmem:$0x500];
	_ =	sdelay $0x3  }
0xc2: {  	v3 =	vshll.u32 v1, $0x3  }
0xc3: {  	v3 =	vadd.s32 v3, v2  }
0xc4: {  	v3 =	vshrl.u32 v3, $0x2;
	_ =	sdelay $0x3  }
0xc5: {  	[tilespmem:$0x880] =	vst v1  }
0xc6: {  	v1 =	vld.idx.msk [tilespmem:v3+s11+$0x0], $0xffff  }
0xc7: {  	v3 =	vld [tilespmem:$0x490]  }
0xc8: {  	v63 =	vld [tilespmem:$0x510];
	_ =	sdelay $0x1  }
0xc9: {  	v2 =	vshll.u32 v2, $0x3  }
0xca: {  	v2 =	vand.u32 $0x18, v2  }
0xcb: {  	v1 =	vshrl.u32 v1, v2;
	v2 =	vshll.u32 v3, $0x3  }
0xcc: {  	v1 =	vand.u32 $0xFF, v1;
	v2 =	vadd.s32 v2, v63  }
0xcd: {  	v1 =	vcvt.s32.f32 v1;
	v2 =	vshrl.u32 v2, $0x2;
	_ =	sdelay $0x1  }
0xce: {  	v1 =	vmul.f32 $3.921568860e-03, v1  }
0xcf: {  	[tilespmem:$0x890] =	vst v3  }
0xd0: {  	[tilespmem:$0xA00] =	vst v1  }
0xd1: {  	v1 =	vld.idx.msk [tilespmem:v2+s11+$0x0], $0xffff;
	_ =	sdelay $0x2  }
0xd2: {  	v2 =	vshll.u32 v63, $0x3  }
0xd3: {  	v2 =	vand.u32 $0x18, v2  }
0xd4: {  	s14 =	sadd.s32 $0x1, s14;
	v1 =	vshrl.u32 v1, v2  }
0xd5: {  	p1 =	sne.s32 s14, $0x69;
	v1 =	vand.u32 $0xFF, v1  }
.Ltmp4:
0xd6: {  	v1 =	vcvt.s32.f32 v1;
	(pc) =	sbr.rel @!p1 .LBB2_22-.Ltmp4, $3  }
0xd7: {  	_ = 	snop  }
0xd8: {  	v1 =	vmul.f32 $3.921568860e-03, v1;
	_ =	sdelay $0x1  }
0xd9: {  	[tilespmem:$0xA10] =	vst v1  }
.LBB2_4:
0xda: {  	s0 =	smul.u32 $0x3, s14;
	_ =	sdelay $0x1  }
0xdb: {  	s7 =	sadd.s32 $0xFFFFFFFE, s0  }
0xdc: {  	p1 =	sgt.u32 s7, $0x138  }
.Ltmp5:
0xdd: {  	_ = 	snop;
	(pc) =	sbr.rel @p1 .LBB2_8-.Ltmp5, $1  }
0xde: {  	_ =	sdelay $0x3  }
0xdf: {  	_ =	swait.ge [sflag:s15], $0x1000  }
0xe0: {  	[sflag:s15] =	ssyncset.done $0x0  }
0xe1: {  	s8 =	simm.s32 $0x1B80;
	[sflag:s15] =	ssyncadd.s32 $0xFFFFF000  }
0xe2: {  	s17 =	simm.s32 $0x0;
	v2 =	vld [tilespmem:s8+$0xFFFFFF70]  }
0xe3: {  	v3 =	vld.msk [tilespmem:s17+$0x980 ss:$0x0], $0xffff  }
0xe4: {  	v4 =	vld [tilespmem:s8+$0xFFFFFF00]  }
0xe5: {  	v5 =	vld [tilespmem:s8+$0xFFFFFF20]  }
0xe6: {  	v1 =	vld [tilespmem:s8+$0xFFFFFF50]  }
0xe7: {  	v6 =	vld [tilespmem:s8+$0xFFFFFF30]  }
0xe8: {  	v8 =	vld [tilespmem:s8+$0xFFFFFF10];
	v2 =	vmul.f32 v2, v3  }
0xe9: {  	v9 =	vld [tilespmem:s8+$0xFFFFFF40];
	v4 =	vmul.f32 v3, v4  }
0xea: {  	v7 =	vld [tilespmem:s8+$0xFFFFFF60];
	v5 =	vmul.f32 v5, v3;
	[tilespmem:s8+$0xFFFFFF70] =	vst v2  }
0xeb: {  	v1 =	vmul.f32 v1, v3;
	[tilespmem:s8+$0xFFFFFF00] =	vst v4  }
0xec: {  	v2 =	vmul.f32 v6, v3;
	[tilespmem:s8+$0xFFFFFF20] =	vst v5  }
0xed: {  	v4 =	vmul.f32 v8, v3;
	[tilespmem:s8+$0xFFFFFF50] =	vst v1  }
0xee: {  	v63 =	vld [tilespmem:s8+$0xFFFFFFA0];
	v1 =	vmul.f32 v9, v3;
	[tilespmem:s8+$0xFFFFFF30] =	vst v2  }
0xef: {  	v5 =	vld [tilespmem:s8+$0xFFFFFF90];
	v2 =	vmul.f32 v7, v3;
	[tilespmem:s8+$0xFFFFFF10] =	vst v4  }
0xf0: {  	v6 =	vld [tilespmem:s8+$0xFFFFFF80];
	[tilespmem:s8+$0xFFFFFF40] =	vst v1  }
0xf1: {  	v1 =	vld [tilespmem:s8+$0xFFFFFFD0];
	[tilespmem:s8+$0xFFFFFF60] =	vst v2  }
0xf2: {  	v4 =	vld.msk [tilespmem:s17+$0x981 ss:$0x0], $0xffff  }
0xf3: {  	v2 =	vld [tilespmem:s8+$0xFFFFFFE0]  }
0xf4: {  	v3 =	vld [tilespmem:s8+$0xFFFFFFF0]  }
0xf5: {  	v7 =	vld [tilespmem:s8+$0xFFFFFFC0]  }
0xf6: {  	v8 =	vld [tilespmem:s8+$0xFFFFFFB0]  }
0xf7: {  	v1 =	vmul.f32 v1, v4  }
0xf8: {  	v2 =	vmul.f32 v2, v4  }
0xf9: {  	v5 =	vmul.f32 v5, v4;
	v3 =	vmul.f32 v3, v4;
	[tilespmem:s8+$0xFFFFFFD0] =	vst v1  }
0xfa: {  	v1 =	vmul.f32 v4, v6;
	[tilespmem:s8+$0xFFFFFFE0] =	vst v2;
	v2 =	vmul.f32 v7, v4  }
0xfb: {  	[tilespmem:s8+$0xFFFFFF90] =	vst v5;
	v5 =	vmul.f32 v63, v4;
	v6 =	vmul.f32 v8, v4;
	v4 =	vld [tilespmem:s8+$0x20]  }
0xfc: {  	[tilespmem:s8+$0xFFFFFFF0] =	vst v3;
	v7 =	vld [tilespmem:s8+$0x70]  }
0xfd: {  	[tilespmem:s8+$0xFFFFFF80] =	vst v1;
	v1 =	vld [tilespmem:s8+$0x60]  }
0xfe: {  	[tilespmem:s8+$0xFFFFFFC0] =	vst v2;
	v2 =	vld [tilespmem:s8+$0x40]  }
0xff: {  	[tilespmem:s8+$0xFFFFFFB0] =	vst v6;
	v6 =	vld [tilespmem:s8+$0x0]  }
0x100: {  	[tilespmem:s8+$0xFFFFFFA0] =	vst v5;
	v5 =	vld [tilespmem:s8+$0x10]  }
0x101: {  	s23 =	simm.s32 $0x10;
	s7 =	simm.s32 $0x1B80;
	v3 =	vld.msk [tilespmem:s17+$0x982 ss:$0x0], $0xffff  }
.LBB2_6:
0x102: {  	p1 =	sne.s32 s23, $0x70  }
0x103: {  	v8 =	vld [tilespmem:s8+$0x30];
	s7 =	sadd.s32 $0x200, s7;
	s26 =	smov.u32 s23;
	s23 =	sadd.s32 $0x10, s23  }
0x104: {  	v9 =	vld [tilespmem:s8+$0x50];
	_ =	sdelay $0x1  }
0x105: {  	v7 =	vmul.f32 v7, v3;
	v6 =	vmul.f32 v3, v6  }
0x106: {  	v4 =	vmul.f32 v4, v3;
	v5 =	vmul.f32 v5, v3  }
0x107: {  	v2 =	vmul.f32 v2, v3;
	v1 =	vmul.f32 v1, v3;
	[tilespmem:s8+$0x70] =	vst v7  }
0x108: {  	[tilespmem:s8+$0x20] =	vst v4;
	v4 =	vmul.f32 v8, v3;
	v3 =	vmul.f32 v9, v3  }
0x109: {  	[tilespmem:s8+$0x60] =	vst v1;
	v7 =	vld [tilespmem:s8+$0xA0]  }
0x10a: {  	[tilespmem:s8+$0x30] =	vst v4;
	v4 =	vld [tilespmem:s8+$0x80]  }
0x10b: {  	v1 =	vld [tilespmem:s7+$0x60];
	[tilespmem:s8+$0x40] =	vst v2  }
0x10c: {  	v2 =	vld [tilespmem:s7+$0x40];
	[tilespmem:s8+$0x50] =	vst v3  }
0x10d: {  	[tilespmem:s8+$0x0] =	vst v6;
	v3 =	vld [tilespmem:s8+$0xC0]  }
0x10e: {  	[tilespmem:s8+$0x10] =	vst v5;
	v5 =	vld [tilespmem:s8+$0xB0]  }
0x10f: {  	v6 =	vld.msk [tilespmem:s17+$0x983 ss:$0x0], $0xffff  }
0x110: {  	v8 =	vld [tilespmem:s8+$0x90]  }
0x111: {  	v9 =	vld [tilespmem:s8+$0xD0]  }
0x112: {  	v10 =	vld [tilespmem:s8+$0xE0]  }
0x113: {  	v11 =	vld [tilespmem:s8+$0xF0];
	_ =	sdelay $0x1  }
0x114: {  	v4 =	vmul.f32 v6, v4;
	v8 =	vmul.f32 v8, v6  }
0x115: {  	v7 =	vmul.f32 v7, v6;
	v5 =	vmul.f32 v5, v6  }
0x116: {  	v3 =	vmul.f32 v3, v6;
	[tilespmem:s8+$0x80] =	vst v4;
	v4 =	vmul.f32 v9, v6  }
0x117: {  	[tilespmem:s8+$0xA0] =	vst v7;
	v7 =	vmul.f32 v10, v6;
	v6 =	vmul.f32 v11, v6  }
0x118: {  	[tilespmem:s8+$0xB0] =	vst v5  }
0x119: {  	[tilespmem:s8+$0xC0] =	vst v3  }
0x11a: {  	v3 =	vld [tilespmem:s7+$0xFFFFFF50];
	[tilespmem:s8+$0xD0] =	vst v4  }
0x11b: {  	v4 =	vld [tilespmem:s7+$0xFFFFFF30];
	[tilespmem:s8+$0x90] =	vst v8  }
0x11c: {  	v5 =	vld [tilespmem:s7+$0xFFFFFF60];
	[tilespmem:s8+$0xE0] =	vst v7  }
0x11d: {  	s17 =	sshra.s32 s26, $0x2;
	v7 =	vld [tilespmem:s7+$0xFFFFFF70];
	[tilespmem:s8+$0xF0] =	vst v6;
	s8 =	smov.u32 s7  }
0x11e: {  	v6 =	vld.msk [tilespmem:s17+$0x980 ss:$0x0], $0xffff  }
0x11f: {  	v8 =	vld [tilespmem:s7+$0xFFFFFF00]  }
0x120: {  	v9 =	vld [tilespmem:s7+$0xFFFFFF20]  }
0x121: {  	v10 =	vld [tilespmem:s7+$0xFFFFFF10]  }
0x122: {  	v11 =	vld [tilespmem:s7+$0xFFFFFF40];
	_ =	sdelay $0x1  }
0x123: {  	v7 =	vmul.f32 v7, v6;
	v8 =	vmul.f32 v6, v8  }
0x124: {  	v5 =	vmul.f32 v5, v6;
	v9 =	vmul.f32 v9, v6  }
0x125: {  	v4 =	vmul.f32 v4, v6;
	v10 =	vmul.f32 v10, v6;
	[tilespmem:s7+$0xFFFFFF70] =	vst v7  }
0x126: {  	v3 =	vmul.f32 v3, v6;
	[tilespmem:s7+$0xFFFFFF00] =	vst v8;
	v7 =	vmul.f32 v11, v6  }
0x127: {  	[tilespmem:s7+$0xFFFFFF20] =	vst v9  }
0x128: {  	[tilespmem:s7+$0xFFFFFF30] =	vst v4  }
0x129: {  	[tilespmem:s7+$0xFFFFFF50] =	vst v3;
	v3 =	vld [tilespmem:s7+$0xFFFFFFF0]  }
0x12a: {  	[tilespmem:s7+$0xFFFFFF10] =	vst v10;
	v4 =	vld [tilespmem:s7+$0xFFFFFFC0]  }
0x12b: {  	[tilespmem:s7+$0xFFFFFF60] =	vst v5;
	v5 =	vld [tilespmem:s7+$0xFFFFFFE0]  }
0x12c: {  	[tilespmem:s7+$0xFFFFFF40] =	vst v7;
	v6 =	vld [tilespmem:s7+$0xFFFFFFD0]  }
0x12d: {  	v7 =	vld.msk [tilespmem:s17+$0x981 ss:$0x0], $0xffff  }
0x12e: {  	v8 =	vld [tilespmem:s7+$0xFFFFFF90]  }
0x12f: {  	v9 =	vld [tilespmem:s7+$0xFFFFFF80]  }
0x130: {  	v10 =	vld [tilespmem:s7+$0xFFFFFFB0]  }
0x131: {  	v11 =	vld [tilespmem:s7+$0xFFFFFFA0];
	_ =	sdelay $0x1  }
0x132: {  	v6 =	vmul.f32 v6, v7;
	v8 =	vmul.f32 v8, v7  }
0x133: {  	v5 =	vmul.f32 v5, v7;
	v9 =	vmul.f32 v7, v9  }
0x134: {  	v4 =	vmul.f32 v4, v7;
	v10 =	vmul.f32 v10, v7;
	[tilespmem:s7+$0xFFFFFFD0] =	vst v6  }
0x135: {  	v3 =	vmul.f32 v3, v7;
	v6 =	vmul.f32 v11, v7;
	[tilespmem:s7+$0xFFFFFFE0] =	vst v5  }
0x136: {  	[tilespmem:s7+$0xFFFFFF90] =	vst v8  }
0x137: {  	[tilespmem:s7+$0xFFFFFF80] =	vst v9  }
0x138: {  	[tilespmem:s7+$0xFFFFFFC0] =	vst v4  }
0x139: {  	[tilespmem:s7+$0xFFFFFFA0] =	vst v6  }
.Ltmp6:
0x13a: {  	[tilespmem:s7+$0xFFFFFFF0] =	vst v3;
	v4 =	vld [tilespmem:s7+$0x20];
	(pc) =	sbr.rel @p1 .LBB2_6-.Ltmp6, $4  }
0x13b: {  	[tilespmem:s7+$0xFFFFFFB0] =	vst v10;
	v7 =	vld [tilespmem:s7+$0x70]  }
0x13c: {  	v3 =	vld.msk [tilespmem:s17+$0x982 ss:$0x0], $0xffff  }
0x13d: {  	v6 =	vld [tilespmem:s7+$0x0]  }
0x13e: {  	v5 =	vld [tilespmem:s7+$0x10]  }
0x13f: {  	_ =	sdelay $0x1  }
0x140: {  	v7 =	vmul.f32 v7, v3  }
0x141: {  	v8 =	vld [tilespmem:s8+$0x30];
	v4 =	vmul.f32 v4, v3  }
0x142: {  	v9 =	vld [tilespmem:s8+$0x50];
	v1 =	vmul.f32 v1, v3;
	[tilespmem:s8+$0x70] =	vst v7  }
0x143: {  	v2 =	vmul.f32 v2, v3;
	[tilespmem:s8+$0x20] =	vst v4  }
0x144: {  	v56 =	vmul.f32 v3, v6;
	[tilespmem:s8+$0x60] =	vst v1  }
0x145: {  	[tilespmem:s8+$0x40] =	vst v2;
	v2 =	vmul.f32 v5, v3  }
0x146: {  	v55 =	vmul.f32 v8, v3;
	[tilespmem:s8+$0x0] =	vst v56  }
0x147: {  	v1 =	vmul.f32 v9, v3;
	[tilespmem:s8+$0x10] =	vst v2  }
0x148: {  	[tilespmem:s8+$0x30] =	vst v55  }
0x149: {  	v57 =	vld [tilespmem:s8+$0x80];
	[tilespmem:s8+$0x50] =	vst v1  }
0x14a: {  	v1 =	vld.msk [tilespmem:s17+$0x983 ss:$0x0], $0xffff  }
0x14b: {  	v2 =	vld [tilespmem:s8+$0xA0]  }
0x14c: {  	v3 =	vld [tilespmem:s8+$0xB0]  }
0x14d: {  	v58 =	vld [tilespmem:s8+$0xC0]  }
0x14e: {  	v61 =	vld [tilespmem:s8+$0xE0]  }
0x14f: {  	v59 =	vld [tilespmem:s8+$0xD0];
	v6 =	vmul.f32 v1, v57  }
0x150: {  	v60 =	vld [tilespmem:s8+$0x90];
	v2 =	vmul.f32 v2, v1  }
0x151: {  	v62 =	vld [tilespmem:s8+$0xF0];
	v3 =	vmul.f32 v3, v1;
	[tilespmem:s8+$0x80] =	vst v6  }
0x152: {  	v4 =	vmul.f32 v58, v1;
	[tilespmem:s8+$0xA0] =	vst v2  }
0x153: {  	v63 =	vmul.f32 v61, v1;
	[tilespmem:s8+$0xB0] =	vst v3  }
0x154: {  	v2 =	vmul.f32 v59, v1;
	[tilespmem:s8+$0xC0] =	vst v4  }
0x155: {  	v3 =	vmul.f32 v60, v1;
	[tilespmem:s8+$0xE0] =	vst v63  }
0x156: {  	v1 =	vmul.f32 v62, v1;
	[tilespmem:s8+$0xD0] =	vst v2  }
0x157: {  	[tilespmem:s8+$0x90] =	vst v3  }
0x158: {  	s7 =	simm.s32 $0x800;
	[tilespmem:s8+$0xF0] =	vst v1  }
0x159: {  	[spmem:s3] =	stream.indirect.scatter.add.f32 [tilespmem:s18], [sflag:$0x8], $0x80, s7, s16, $0xb8;
	[tilespmem:$0x1C500] =	vst v63  }
.LBB2_8:
0x15a: {  	p1 =	seq.s32 s14, $0x0  }
0x15b: {  	s7 =	simm.s32 @!p1 $0x7  }
0x15c: {  	_ =	swait.ge @!p1 [sflag:s7], $0x1000  }
0x15d: {  	[sflag:s7] =	ssyncset.done @!p1 $0x0  }
0x15e: {  	[sflag:s7] =	ssyncadd.s32 @!p1 $0xFFFFF000  }
0x15f: {  	_ =	swait.ge [sflag:s19], $0x180  }
0x160: {  	[sflag:s19] =	ssyncset.done $0x0  }
0x161: {  	[sflag:s19] =	ssyncadd.s32 $0xFFFFFE80  }
0x162: {  	v1 =	vld [tilespmem:$0x100]  }
0x163: {  	v2 =	vld [tilespmem:$0x110]  }
0x164: {  	v3 =	vld [tilespmem:$0x0]  }
0x165: {  	v4 =	vld [tilespmem:$0x10];
	_ =	sdelay $0x1  }
0x166: {  	v1 =	vmul.u32 $0x2710, v1  }
0x167: {  	v2 =	vmul.u32 $0x2710, v2  }
0x168: {  	p2 =	seq.s32 s14, $0x68;
	v1 =	vadd.s32 v3, v1  }
0x169: {  	s7 =	sadd.s32 @!p2 s6, s0;
	[tilespmem:$0x600] =	vst v1;
	v1 =	vadd.s32 v4, v2  }
0x16a: {  	s7 =	sshll.u32 @!p2 s7, $0x6;
	[tilespmem:$0x610] =	vst v1  }
0x16b: {  	[tilespmem:s12], [sflag:$0x4] =	stream.indirect.gather [hbm4b:s5+s16], $0x80, s21, s16, $0xb8;
	[tilespmem:$0x1C500] =	vst v63  }
0x16c: {  	s8 =	simm.s32 @!p2 $0x0;
	s17 =	simm.s32 @!p2 $0x400;
	s7 =	sadd.s32 @!p2 s7, s20  }
0x16d: {  	[tilespmem:s17], [sflag:$0x3] =	stream.linear.gather @!p2 [hbm4b:s7+s8], $0x180, $0x38;
	[tilespmem:$0x1C500] =	vst v63  }
0x16e: {  	v1 =	vld [tilespmem:$0x80]  }
0x16f: {  	v2 =	vld [tilespmem:$0x100];
	_ =	sdelay $0x3  }
0x170: {  	v3 =	vshll.u32 v1, $0x3  }
0x171: {  	v3 =	vadd.s32 v3, v2  }
0x172: {  	v3 =	vshrl.u32 v3, $0x2;
	_ =	sdelay $0x3  }
0x173: {  	[tilespmem:$0x780] =	vst v1  }
0x174: {  	v1 =	vld.idx.msk [tilespmem:v3+s11+$0x0], $0xffff  }
0x175: {  	v3 =	vld [tilespmem:$0x90]  }
0x176: {  	v63 =	vld [tilespmem:$0x110];
	_ =	sdelay $0x1  }
0x177: {  	v2 =	vshll.u32 v2, $0x3  }
0x178: {  	v2 =	vand.u32 $0x18, v2  }
0x179: {  	v1 =	vshrl.u32 v1, v2;
	v2 =	vshll.u32 v3, $0x3  }
0x17a: {  	v1 =	vand.u32 $0xFF, v1;
	v2 =	vadd.s32 v2, v63  }
0x17b: {  	v1 =	vcvt.s32.f32 v1;
	v2 =	vshrl.u32 v2, $0x2;
	_ =	sdelay $0x1  }
0x17c: {  	v1 =	vmul.f32 $3.921568860e-03, v1  }
0x17d: {  	[tilespmem:$0x790] =	vst v3  }
0x17e: {  	[tilespmem:$0x900] =	vst v1  }
0x17f: {  	v1 =	vld.idx.msk [tilespmem:v2+s11+$0x0], $0xffff;
	_ =	sdelay $0x2  }
0x180: {  	v2 =	vshll.u32 v63, $0x3  }
0x181: {  	v2 =	vand.u32 $0x18, v2  }
0x182: {  	s26 =	sadd.s32 $0xFFFFFFFF, s0;
	v1 =	vshrl.u32 v1, v2  }
0x183: {  	p3 =	sgt.u32 s26, $0x138;
	v1 =	vand.u32 $0xFF, v1  }
.Ltmp7:
0x184: {  	v1 =	vcvt.s32.f32 v1;
	(pc) =	sbr.rel @p3 .LBB2_12-.Ltmp7, $3  }
0x185: {  	_ = 	snop  }
0x186: {  	v1 =	vmul.f32 $3.921568860e-03, v1;
	_ =	sdelay $0x1  }
0x187: {  	[tilespmem:$0x910] =	vst v1  }
0x188: {  	_ =	swait.ge [sflag:s22], $0x1000  }
0x189: {  	[sflag:s22] =	ssyncset.done $0x0  }
0x18a: {  	s8 =	simm.s32 $0x2B80;
	[sflag:s22] =	ssyncadd.s32 $0xFFFFF000  }
0x18b: {  	s17 =	simm.s32 $0x0;
	v2 =	vld [tilespmem:s8+$0xFFFFFF70]  }
0x18c: {  	v3 =	vld.msk [tilespmem:s17+$0xA00 ss:$0x0], $0xffff  }
0x18d: {  	v4 =	vld [tilespmem:s8+$0xFFFFFF00]  }
0x18e: {  	v5 =	vld [tilespmem:s8+$0xFFFFFF20]  }
0x18f: {  	v1 =	vld [tilespmem:s8+$0xFFFFFF50]  }
0x190: {  	v6 =	vld [tilespmem:s8+$0xFFFFFF30]  }
0x191: {  	v8 =	vld [tilespmem:s8+$0xFFFFFF10];
	v2 =	vmul.f32 v2, v3  }
0x192: {  	v9 =	vld [tilespmem:s8+$0xFFFFFF40];
	v4 =	vmul.f32 v3, v4  }
0x193: {  	v7 =	vld [tilespmem:s8+$0xFFFFFF60];
	v5 =	vmul.f32 v5, v3;
	[tilespmem:s8+$0xFFFFFF70] =	vst v2  }
0x194: {  	v1 =	vmul.f32 v1, v3;
	[tilespmem:s8+$0xFFFFFF00] =	vst v4  }
0x195: {  	v2 =	vmul.f32 v6, v3;
	[tilespmem:s8+$0xFFFFFF20] =	vst v5  }
0x196: {  	v4 =	vmul.f32 v8, v3;
	[tilespmem:s8+$0xFFFFFF50] =	vst v1  }
0x197: {  	v63 =	vld [tilespmem:s8+$0xFFFFFFA0];
	v1 =	vmul.f32 v9, v3;
	[tilespmem:s8+$0xFFFFFF30] =	vst v2  }
0x198: {  	v5 =	vld [tilespmem:s8+$0xFFFFFF90];
	v2 =	vmul.f32 v7, v3;
	[tilespmem:s8+$0xFFFFFF10] =	vst v4  }
0x199: {  	v6 =	vld [tilespmem:s8+$0xFFFFFF80];
	[tilespmem:s8+$0xFFFFFF40] =	vst v1  }
0x19a: {  	v1 =	vld [tilespmem:s8+$0xFFFFFFD0];
	[tilespmem:s8+$0xFFFFFF60] =	vst v2  }
0x19b: {  	v4 =	vld.msk [tilespmem:s17+$0xA01 ss:$0x0], $0xffff  }
0x19c: {  	v2 =	vld [tilespmem:s8+$0xFFFFFFE0]  }
0x19d: {  	v3 =	vld [tilespmem:s8+$0xFFFFFFF0]  }
0x19e: {  	v7 =	vld [tilespmem:s8+$0xFFFFFFC0]  }
0x19f: {  	v8 =	vld [tilespmem:s8+$0xFFFFFFB0]  }
0x1a0: {  	v1 =	vmul.f32 v1, v4  }
0x1a1: {  	v2 =	vmul.f32 v2, v4  }
0x1a2: {  	v5 =	vmul.f32 v5, v4;
	v3 =	vmul.f32 v3, v4;
	[tilespmem:s8+$0xFFFFFFD0] =	vst v1  }
0x1a3: {  	v1 =	vmul.f32 v4, v6;
	[tilespmem:s8+$0xFFFFFFE0] =	vst v2;
	v2 =	vmul.f32 v7, v4  }
0x1a4: {  	[tilespmem:s8+$0xFFFFFF90] =	vst v5;
	v5 =	vmul.f32 v63, v4;
	v6 =	vmul.f32 v8, v4;
	v4 =	vld [tilespmem:s8+$0x20]  }
0x1a5: {  	[tilespmem:s8+$0xFFFFFFF0] =	vst v3;
	v7 =	vld [tilespmem:s8+$0x70]  }
0x1a6: {  	[tilespmem:s8+$0xFFFFFF80] =	vst v1;
	v1 =	vld [tilespmem:s8+$0x60]  }
0x1a7: {  	[tilespmem:s8+$0xFFFFFFC0] =	vst v2;
	v2 =	vld [tilespmem:s8+$0x40]  }
0x1a8: {  	[tilespmem:s8+$0xFFFFFFB0] =	vst v6;
	v6 =	vld [tilespmem:s8+$0x0]  }
0x1a9: {  	[tilespmem:s8+$0xFFFFFFA0] =	vst v5;
	v5 =	vld [tilespmem:s8+$0x10]  }
0x1aa: {  	s23 =	simm.s32 $0x10;
	s7 =	simm.s32 $0x2B80;
	v3 =	vld.msk [tilespmem:s17+$0xA02 ss:$0x0], $0xffff  }
.LBB2_10:
0x1ab: {  	p3 =	sne.s32 s23, $0x70  }
0x1ac: {  	v8 =	vld [tilespmem:s8+$0x30];
	s7 =	sadd.s32 $0x200, s7;
	s26 =	smov.u32 s23;
	s23 =	sadd.s32 $0x10, s23  }
0x1ad: {  	v9 =	vld [tilespmem:s8+$0x50];
	_ =	sdelay $0x1  }
0x1ae: {  	v7 =	vmul.f32 v7, v3;
	v6 =	vmul.f32 v3, v6  }
0x1af: {  	v4 =	vmul.f32 v4, v3;
	v5 =	vmul.f32 v5, v3  }
0x1b0: {  	v2 =	vmul.f32 v2, v3;
	v1 =	vmul.f32 v1, v3;
	[tilespmem:s8+$0x70] =	vst v7  }
0x1b1: {  	[tilespmem:s8+$0x20] =	vst v4;
	v4 =	vmul.f32 v8, v3;
	v3 =	vmul.f32 v9, v3  }
0x1b2: {  	[tilespmem:s8+$0x60] =	vst v1;
	v7 =	vld [tilespmem:s8+$0xA0]  }
0x1b3: {  	[tilespmem:s8+$0x30] =	vst v4;
	v4 =	vld [tilespmem:s8+$0x80]  }
0x1b4: {  	v1 =	vld [tilespmem:s7+$0x60];
	[tilespmem:s8+$0x40] =	vst v2  }
0x1b5: {  	v2 =	vld [tilespmem:s7+$0x40];
	[tilespmem:s8+$0x50] =	vst v3  }
0x1b6: {  	[tilespmem:s8+$0x0] =	vst v6;
	v3 =	vld [tilespmem:s8+$0xC0]  }
0x1b7: {  	[tilespmem:s8+$0x10] =	vst v5;
	v5 =	vld [tilespmem:s8+$0xB0]  }
0x1b8: {  	v6 =	vld.msk [tilespmem:s17+$0xA03 ss:$0x0], $0xffff  }
0x1b9: {  	v8 =	vld [tilespmem:s8+$0x90]  }
0x1ba: {  	v9 =	vld [tilespmem:s8+$0xD0]  }
0x1bb: {  	v10 =	vld [tilespmem:s8+$0xE0]  }
0x1bc: {  	v11 =	vld [tilespmem:s8+$0xF0];
	_ =	sdelay $0x1  }
0x1bd: {  	v4 =	vmul.f32 v6, v4;
	v8 =	vmul.f32 v8, v6  }
0x1be: {  	v7 =	vmul.f32 v7, v6;
	v5 =	vmul.f32 v5, v6  }
0x1bf: {  	v3 =	vmul.f32 v3, v6;
	[tilespmem:s8+$0x80] =	vst v4;
	v4 =	vmul.f32 v9, v6  }
0x1c0: {  	[tilespmem:s8+$0xA0] =	vst v7;
	v7 =	vmul.f32 v10, v6;
	v6 =	vmul.f32 v11, v6  }
0x1c1: {  	[tilespmem:s8+$0xB0] =	vst v5  }
0x1c2: {  	[tilespmem:s8+$0xC0] =	vst v3  }
0x1c3: {  	v3 =	vld [tilespmem:s7+$0xFFFFFF50];
	[tilespmem:s8+$0xD0] =	vst v4  }
0x1c4: {  	v4 =	vld [tilespmem:s7+$0xFFFFFF30];
	[tilespmem:s8+$0x90] =	vst v8  }
0x1c5: {  	v5 =	vld [tilespmem:s7+$0xFFFFFF60];
	[tilespmem:s8+$0xE0] =	vst v7  }
0x1c6: {  	s17 =	sshra.s32 s26, $0x2;
	v7 =	vld [tilespmem:s7+$0xFFFFFF70];
	[tilespmem:s8+$0xF0] =	vst v6;
	s8 =	smov.u32 s7  }
0x1c7: {  	v6 =	vld.msk [tilespmem:s17+$0xA00 ss:$0x0], $0xffff  }
0x1c8: {  	v8 =	vld [tilespmem:s7+$0xFFFFFF00]  }
0x1c9: {  	v9 =	vld [tilespmem:s7+$0xFFFFFF20]  }
0x1ca: {  	v10 =	vld [tilespmem:s7+$0xFFFFFF10]  }
0x1cb: {  	v11 =	vld [tilespmem:s7+$0xFFFFFF40];
	_ =	sdelay $0x1  }
0x1cc: {  	v7 =	vmul.f32 v7, v6;
	v8 =	vmul.f32 v6, v8  }
0x1cd: {  	v5 =	vmul.f32 v5, v6;
	v9 =	vmul.f32 v9, v6  }
0x1ce: {  	v4 =	vmul.f32 v4, v6;
	v10 =	vmul.f32 v10, v6;
	[tilespmem:s7+$0xFFFFFF70] =	vst v7  }
0x1cf: {  	v3 =	vmul.f32 v3, v6;
	[tilespmem:s7+$0xFFFFFF00] =	vst v8;
	v7 =	vmul.f32 v11, v6  }
0x1d0: {  	[tilespmem:s7+$0xFFFFFF20] =	vst v9  }
0x1d1: {  	[tilespmem:s7+$0xFFFFFF30] =	vst v4  }
0x1d2: {  	[tilespmem:s7+$0xFFFFFF50] =	vst v3;
	v3 =	vld [tilespmem:s7+$0xFFFFFFF0]  }
0x1d3: {  	[tilespmem:s7+$0xFFFFFF10] =	vst v10;
	v4 =	vld [tilespmem:s7+$0xFFFFFFC0]  }
0x1d4: {  	[tilespmem:s7+$0xFFFFFF60] =	vst v5;
	v5 =	vld [tilespmem:s7+$0xFFFFFFE0]  }
0x1d5: {  	[tilespmem:s7+$0xFFFFFF40] =	vst v7;
	v6 =	vld [tilespmem:s7+$0xFFFFFFD0]  }
0x1d6: {  	v7 =	vld.msk [tilespmem:s17+$0xA01 ss:$0x0], $0xffff  }
0x1d7: {  	v8 =	vld [tilespmem:s7+$0xFFFFFF90]  }
0x1d8: {  	v9 =	vld [tilespmem:s7+$0xFFFFFF80]  }
0x1d9: {  	v10 =	vld [tilespmem:s7+$0xFFFFFFB0]  }
0x1da: {  	v11 =	vld [tilespmem:s7+$0xFFFFFFA0];
	_ =	sdelay $0x1  }
0x1db: {  	v6 =	vmul.f32 v6, v7;
	v8 =	vmul.f32 v8, v7  }
0x1dc: {  	v5 =	vmul.f32 v5, v7;
	v9 =	vmul.f32 v7, v9  }
0x1dd: {  	v4 =	vmul.f32 v4, v7;
	v10 =	vmul.f32 v10, v7;
	[tilespmem:s7+$0xFFFFFFD0] =	vst v6  }
0x1de: {  	v3 =	vmul.f32 v3, v7;
	v6 =	vmul.f32 v11, v7;
	[tilespmem:s7+$0xFFFFFFE0] =	vst v5  }
0x1df: {  	[tilespmem:s7+$0xFFFFFF90] =	vst v8  }
0x1e0: {  	[tilespmem:s7+$0xFFFFFF80] =	vst v9  }
0x1e1: {  	[tilespmem:s7+$0xFFFFFFC0] =	vst v4  }
0x1e2: {  	[tilespmem:s7+$0xFFFFFFA0] =	vst v6  }
.Ltmp8:
0x1e3: {  	[tilespmem:s7+$0xFFFFFFF0] =	vst v3;
	v4 =	vld [tilespmem:s7+$0x20];
	(pc) =	sbr.rel @p3 .LBB2_10-.Ltmp8, $4  }
0x1e4: {  	[tilespmem:s7+$0xFFFFFFB0] =	vst v10;
	v7 =	vld [tilespmem:s7+$0x70]  }
0x1e5: {  	v3 =	vld.msk [tilespmem:s17+$0xA02 ss:$0x0], $0xffff  }
0x1e6: {  	v6 =	vld [tilespmem:s7+$0x0]  }
0x1e7: {  	v5 =	vld [tilespmem:s7+$0x10]  }
0x1e8: {  	_ =	sdelay $0x1  }
0x1e9: {  	v7 =	vmul.f32 v7, v3  }
0x1ea: {  	v8 =	vld [tilespmem:s8+$0x30];
	v4 =	vmul.f32 v4, v3  }
0x1eb: {  	v9 =	vld [tilespmem:s8+$0x50];
	v1 =	vmul.f32 v1, v3;
	[tilespmem:s8+$0x70] =	vst v7  }
0x1ec: {  	v2 =	vmul.f32 v2, v3;
	[tilespmem:s8+$0x20] =	vst v4  }
0x1ed: {  	v56 =	vmul.f32 v3, v6;
	[tilespmem:s8+$0x60] =	vst v1  }
0x1ee: {  	[tilespmem:s8+$0x40] =	vst v2;
	v2 =	vmul.f32 v5, v3  }
0x1ef: {  	v55 =	vmul.f32 v8, v3;
	[tilespmem:s8+$0x0] =	vst v56  }
0x1f0: {  	v1 =	vmul.f32 v9, v3;
	[tilespmem:s8+$0x10] =	vst v2  }
0x1f1: {  	[tilespmem:s8+$0x30] =	vst v55  }
0x1f2: {  	v57 =	vld [tilespmem:s8+$0x80];
	[tilespmem:s8+$0x50] =	vst v1  }
0x1f3: {  	v1 =	vld.msk [tilespmem:s17+$0xA03 ss:$0x0], $0xffff  }
0x1f4: {  	v2 =	vld [tilespmem:s8+$0xA0]  }
0x1f5: {  	v3 =	vld [tilespmem:s8+$0xB0]  }
0x1f6: {  	v58 =	vld [tilespmem:s8+$0xC0]  }
0x1f7: {  	v61 =	vld [tilespmem:s8+$0xE0]  }
0x1f8: {  	v59 =	vld [tilespmem:s8+$0xD0];
	v6 =	vmul.f32 v1, v57  }
0x1f9: {  	v60 =	vld [tilespmem:s8+$0x90];
	v2 =	vmul.f32 v2, v1  }
0x1fa: {  	v62 =	vld [tilespmem:s8+$0xF0];
	v3 =	vmul.f32 v3, v1;
	[tilespmem:s8+$0x80] =	vst v6  }
0x1fb: {  	v4 =	vmul.f32 v58, v1;
	[tilespmem:s8+$0xA0] =	vst v2  }
0x1fc: {  	v63 =	vmul.f32 v61, v1;
	[tilespmem:s8+$0xB0] =	vst v3  }
0x1fd: {  	v2 =	vmul.f32 v59, v1;
	[tilespmem:s8+$0xC0] =	vst v4  }
0x1fe: {  	v3 =	vmul.f32 v60, v1;
	[tilespmem:s8+$0xE0] =	vst v63  }
0x1ff: {  	v1 =	vmul.f32 v62, v1;
	[tilespmem:s8+$0xD0] =	vst v2  }
0x200: {  	[tilespmem:s8+$0x90] =	vst v3  }
0x201: {  	s7 =	simm.s32 $0x880;
	[tilespmem:s8+$0xF0] =	vst v1  }
0x202: {  	[spmem:s3] =	stream.indirect.scatter.add.f32 [tilespmem:s24], [sflag:$0x9], $0x80, s7, s16, $0xb8;
	[tilespmem:$0x1C500] =	vst v63  }
.LBB2_12:
.Ltmp9:
0x203: {  	(pc) =	sbr.rel @p1 .LBB2_15-.Ltmp9, $1  }
0x204: {  	_ =	sdelay $0x3  }
.Ltmp10:
0x205: {  	(pc) =	sbr.rel @p2 .LBB2_16-.Ltmp10, $1  }
0x206: {  	_ =	sdelay $0x3  }
0x207: {  	_ =	swait.ge [sflag:s1], $0x1000  }
0x208: {  	[sflag:s1] =	ssyncset.done $0x0  }
0x209: {  	[sflag:s1] =	ssyncadd.s32 $0xFFFFF000  }
.LBB2_15:
0x20a: {  	_ =	swait.ge [sflag:s25], $0x180  }
0x20b: {  	[sflag:s25] =	ssyncset.done $0x0  }
0x20c: {  	[sflag:s25] =	ssyncadd.s32 $0xFFFFFE80  }
0x20d: {  	v1 =	vld [tilespmem:$0x300]  }
0x20e: {  	v2 =	vld [tilespmem:$0x310]  }
0x20f: {  	v3 =	vld [tilespmem:$0x200]  }
0x210: {  	v4 =	vld [tilespmem:$0x210];
	_ =	sdelay $0x1  }
0x211: {  	v1 =	vmul.u32 $0x2710, v1  }
0x212: {  	v2 =	vmul.u32 $0x2710, v2  }
0x213: {  	v1 =	vadd.s32 v3, v1  }
0x214: {  	[tilespmem:$0x680] =	vst v1;
	v1 =	vadd.s32 v4, v2  }
0x215: {  	s7 =	simm.s32 $0x680;
	s26 =	sadd.s32 s0, s9;
	[tilespmem:$0x690] =	vst v1  }
0x216: {  	[tilespmem:s18], [sflag:$0x5] =	stream.indirect.gather [hbm4b:s5+s16], $0x80, s7, s16, $0xb8;
	[tilespmem:$0x1C500] =	vst v63  }
0x217: {  	s7 =	sshll.u32 s26, $0x6  }
0x218: {  	s7 =	sadd.s32 s7, s20  }
0x219: {  	[tilespmem:s4], [sflag:$0x1] =	stream.linear.gather [hbm4b:s7+s4], $0x180, $0x38;
	[tilespmem:$0x1C500] =	vst v63  }
0x21a: {  	v1 =	vld [tilespmem:$0x280]  }
0x21b: {  	v2 =	vld [tilespmem:$0x300];
	_ =	sdelay $0x3  }
0x21c: {  	v3 =	vshll.u32 v1, $0x3  }
0x21d: {  	v3 =	vadd.s32 v3, v2  }
0x21e: {  	v3 =	vshrl.u32 v3, $0x2;
	_ =	sdelay $0x3  }
0x21f: {  	[tilespmem:$0x800] =	vst v1  }
0x220: {  	v1 =	vld.idx.msk [tilespmem:v3+s11+$0x0], $0xffff  }
0x221: {  	v3 =	vld [tilespmem:$0x290]  }
0x222: {  	v63 =	vld [tilespmem:$0x310];
	_ =	sdelay $0x1  }
0x223: {  	v2 =	vshll.u32 v2, $0x3  }
0x224: {  	v2 =	vand.u32 $0x18, v2  }
0x225: {  	v1 =	vshrl.u32 v1, v2;
	v2 =	vshll.u32 v3, $0x3  }
0x226: {  	v1 =	vand.u32 $0xFF, v1;
	v2 =	vadd.s32 v2, v63  }
0x227: {  	v1 =	vcvt.s32.f32 v1;
	v2 =	vshrl.u32 v2, $0x2;
	_ =	sdelay $0x1  }
0x228: {  	v1 =	vmul.f32 $3.921568860e-03, v1  }
0x229: {  	[tilespmem:$0x810] =	vst v3  }
0x22a: {  	[tilespmem:$0x980] =	vst v1  }
0x22b: {  	v1 =	vld.idx.msk [tilespmem:v2+s11+$0x0], $0xffff;
	_ =	sdelay $0x2  }
0x22c: {  	v2 =	vshll.u32 v63, $0x3  }
0x22d: {  	v2 =	vand.u32 $0x18, v2  }
0x22e: {  	v1 =	vshrl.u32 v1, v2  }
0x22f: {  	v1 =	vand.u32 $0xFF, v1  }
0x230: {  	v1 =	vcvt.s32.f32 v1;
	_ =	sdelay $0x1  }
0x231: {  	v1 =	vmul.f32 $3.921568860e-03, v1;
	_ =	sdelay $0x1  }
0x232: {  	[tilespmem:$0x990] =	vst v1  }
.LBB2_16:
0x233: {  	_ =	swait.ge [sflag:s28], $0x1000  }
0x234: {  	[sflag:s28] =	ssyncset.done $0x0  }
0x235: {  	s8 =	simm.s32 $0xB80;
	[sflag:s28] =	ssyncadd.s32 $0xFFFFF000  }
0x236: {  	s17 =	simm.s32 $0x0;
	v2 =	vld [tilespmem:s8+$0xFFFFFF70]  }
0x237: {  	v3 =	vld.msk [tilespmem:s17+$0x900 ss:$0x0], $0xffff  }
0x238: {  	v4 =	vld [tilespmem:s8+$0xFFFFFF00]  }
0x239: {  	v5 =	vld [tilespmem:s8+$0xFFFFFF20]  }
0x23a: {  	v1 =	vld [tilespmem:s8+$0xFFFFFF50]  }
0x23b: {  	v6 =	vld [tilespmem:s8+$0xFFFFFF30]  }
0x23c: {  	v8 =	vld [tilespmem:s8+$0xFFFFFF10];
	v2 =	vmul.f32 v2, v3  }
0x23d: {  	v9 =	vld [tilespmem:s8+$0xFFFFFF40];
	v4 =	vmul.f32 v3, v4  }
0x23e: {  	v7 =	vld [tilespmem:s8+$0xFFFFFF60];
	v5 =	vmul.f32 v5, v3;
	[tilespmem:s8+$0xFFFFFF70] =	vst v2  }
0x23f: {  	v1 =	vmul.f32 v1, v3;
	[tilespmem:s8+$0xFFFFFF00] =	vst v4  }
0x240: {  	v2 =	vmul.f32 v6, v3;
	[tilespmem:s8+$0xFFFFFF20] =	vst v5  }
0x241: {  	v4 =	vmul.f32 v8, v3;
	[tilespmem:s8+$0xFFFFFF50] =	vst v1  }
0x242: {  	v63 =	vld [tilespmem:s8+$0xFFFFFFA0];
	v1 =	vmul.f32 v9, v3;
	[tilespmem:s8+$0xFFFFFF30] =	vst v2  }
0x243: {  	v5 =	vld [tilespmem:s8+$0xFFFFFF90];
	v2 =	vmul.f32 v7, v3;
	[tilespmem:s8+$0xFFFFFF10] =	vst v4  }
0x244: {  	v6 =	vld [tilespmem:s8+$0xFFFFFF80];
	[tilespmem:s8+$0xFFFFFF40] =	vst v1  }
0x245: {  	v1 =	vld [tilespmem:s8+$0xFFFFFFD0];
	[tilespmem:s8+$0xFFFFFF60] =	vst v2  }
0x246: {  	v4 =	vld.msk [tilespmem:s17+$0x901 ss:$0x0], $0xffff  }
0x247: {  	v2 =	vld [tilespmem:s8+$0xFFFFFFE0]  }
0x248: {  	v3 =	vld [tilespmem:s8+$0xFFFFFFF0]  }
0x249: {  	v7 =	vld [tilespmem:s8+$0xFFFFFFC0]  }
0x24a: {  	v8 =	vld [tilespmem:s8+$0xFFFFFFB0]  }
0x24b: {  	v1 =	vmul.f32 v1, v4  }
0x24c: {  	v2 =	vmul.f32 v2, v4  }
0x24d: {  	v5 =	vmul.f32 v5, v4;
	v3 =	vmul.f32 v3, v4;
	[tilespmem:s8+$0xFFFFFFD0] =	vst v1  }
0x24e: {  	v1 =	vmul.f32 v4, v6;
	[tilespmem:s8+$0xFFFFFFE0] =	vst v2;
	v2 =	vmul.f32 v7, v4  }
0x24f: {  	[tilespmem:s8+$0xFFFFFF90] =	vst v5;
	v5 =	vmul.f32 v63, v4;
	v6 =	vmul.f32 v8, v4;
	v4 =	vld [tilespmem:s8+$0x20]  }
0x250: {  	[tilespmem:s8+$0xFFFFFFF0] =	vst v3;
	v7 =	vld [tilespmem:s8+$0x70]  }
0x251: {  	[tilespmem:s8+$0xFFFFFF80] =	vst v1;
	v1 =	vld [tilespmem:s8+$0x60]  }
0x252: {  	[tilespmem:s8+$0xFFFFFFC0] =	vst v2;
	v2 =	vld [tilespmem:s8+$0x40]  }
0x253: {  	[tilespmem:s8+$0xFFFFFFB0] =	vst v6;
	v6 =	vld [tilespmem:s8+$0x0]  }
0x254: {  	[tilespmem:s8+$0xFFFFFFA0] =	vst v5;
	v5 =	vld [tilespmem:s8+$0x10]  }
0x255: {  	s23 =	simm.s32 $0x10;
	s7 =	simm.s32 $0xB80;
	v3 =	vld.msk [tilespmem:s17+$0x902 ss:$0x0], $0xffff  }
.LBB2_17:
0x256: {  	p3 =	sne.s32 s23, $0x70  }
0x257: {  	v8 =	vld [tilespmem:s8+$0x30];
	s7 =	sadd.s32 $0x200, s7;
	s26 =	smov.u32 s23;
	s23 =	sadd.s32 $0x10, s23  }
0x258: {  	v9 =	vld [tilespmem:s8+$0x50];
	_ =	sdelay $0x1  }
0x259: {  	v7 =	vmul.f32 v7, v3;
	v6 =	vmul.f32 v3, v6  }
0x25a: {  	v4 =	vmul.f32 v4, v3;
	v5 =	vmul.f32 v5, v3  }
0x25b: {  	v2 =	vmul.f32 v2, v3;
	v1 =	vmul.f32 v1, v3;
	[tilespmem:s8+$0x70] =	vst v7  }
0x25c: {  	[tilespmem:s8+$0x20] =	vst v4;
	v4 =	vmul.f32 v8, v3;
	v3 =	vmul.f32 v9, v3  }
0x25d: {  	[tilespmem:s8+$0x60] =	vst v1;
	v7 =	vld [tilespmem:s8+$0xA0]  }
0x25e: {  	[tilespmem:s8+$0x30] =	vst v4;
	v4 =	vld [tilespmem:s8+$0x80]  }
0x25f: {  	v1 =	vld [tilespmem:s7+$0x60];
	[tilespmem:s8+$0x40] =	vst v2  }
0x260: {  	v2 =	vld [tilespmem:s7+$0x40];
	[tilespmem:s8+$0x50] =	vst v3  }
0x261: {  	[tilespmem:s8+$0x0] =	vst v6;
	v3 =	vld [tilespmem:s8+$0xC0]  }
0x262: {  	[tilespmem:s8+$0x10] =	vst v5;
	v5 =	vld [tilespmem:s8+$0xB0]  }
0x263: {  	v6 =	vld.msk [tilespmem:s17+$0x903 ss:$0x0], $0xffff  }
0x264: {  	v8 =	vld [tilespmem:s8+$0x90]  }
0x265: {  	v9 =	vld [tilespmem:s8+$0xD0]  }
0x266: {  	v10 =	vld [tilespmem:s8+$0xE0]  }
0x267: {  	v11 =	vld [tilespmem:s8+$0xF0];
	_ =	sdelay $0x1  }
0x268: {  	v4 =	vmul.f32 v6, v4;
	v8 =	vmul.f32 v8, v6  }
0x269: {  	v7 =	vmul.f32 v7, v6;
	v5 =	vmul.f32 v5, v6  }
0x26a: {  	v3 =	vmul.f32 v3, v6;
	[tilespmem:s8+$0x80] =	vst v4;
	v4 =	vmul.f32 v9, v6  }
0x26b: {  	[tilespmem:s8+$0xA0] =	vst v7;
	v7 =	vmul.f32 v10, v6;
	v6 =	vmul.f32 v11, v6  }
0x26c: {  	[tilespmem:s8+$0xB0] =	vst v5  }
0x26d: {  	[tilespmem:s8+$0xC0] =	vst v3  }
0x26e: {  	v3 =	vld [tilespmem:s7+$0xFFFFFF50];
	[tilespmem:s8+$0xD0] =	vst v4  }
0x26f: {  	v4 =	vld [tilespmem:s7+$0xFFFFFF30];
	[tilespmem:s8+$0x90] =	vst v8  }
0x270: {  	v5 =	vld [tilespmem:s7+$0xFFFFFF60];
	[tilespmem:s8+$0xE0] =	vst v7  }
0x271: {  	s17 =	sshra.s32 s26, $0x2;
	v7 =	vld [tilespmem:s7+$0xFFFFFF70];
	[tilespmem:s8+$0xF0] =	vst v6;
	s8 =	smov.u32 s7  }
0x272: {  	v6 =	vld.msk [tilespmem:s17+$0x900 ss:$0x0], $0xffff  }
0x273: {  	v8 =	vld [tilespmem:s7+$0xFFFFFF00]  }
0x274: {  	v9 =	vld [tilespmem:s7+$0xFFFFFF20]  }
0x275: {  	v10 =	vld [tilespmem:s7+$0xFFFFFF10]  }
0x276: {  	v11 =	vld [tilespmem:s7+$0xFFFFFF40];
	_ =	sdelay $0x1  }
0x277: {  	v7 =	vmul.f32 v7, v6;
	v8 =	vmul.f32 v6, v8  }
0x278: {  	v5 =	vmul.f32 v5, v6;
	v9 =	vmul.f32 v9, v6  }
0x279: {  	v4 =	vmul.f32 v4, v6;
	v10 =	vmul.f32 v10, v6;
	[tilespmem:s7+$0xFFFFFF70] =	vst v7  }
0x27a: {  	v3 =	vmul.f32 v3, v6;
	[tilespmem:s7+$0xFFFFFF00] =	vst v8;
	v7 =	vmul.f32 v11, v6  }
0x27b: {  	[tilespmem:s7+$0xFFFFFF20] =	vst v9  }
0x27c: {  	[tilespmem:s7+$0xFFFFFF30] =	vst v4  }
0x27d: {  	[tilespmem:s7+$0xFFFFFF50] =	vst v3;
	v3 =	vld [tilespmem:s7+$0xFFFFFFF0]  }
0x27e: {  	[tilespmem:s7+$0xFFFFFF10] =	vst v10;
	v4 =	vld [tilespmem:s7+$0xFFFFFFC0]  }
0x27f: {  	[tilespmem:s7+$0xFFFFFF60] =	vst v5;
	v5 =	vld [tilespmem:s7+$0xFFFFFFE0]  }
0x280: {  	[tilespmem:s7+$0xFFFFFF40] =	vst v7;
	v6 =	vld [tilespmem:s7+$0xFFFFFFD0]  }
0x281: {  	v7 =	vld.msk [tilespmem:s17+$0x901 ss:$0x0], $0xffff  }
0x282: {  	v8 =	vld [tilespmem:s7+$0xFFFFFF90]  }
0x283: {  	v9 =	vld [tilespmem:s7+$0xFFFFFF80]  }
0x284: {  	v10 =	vld [tilespmem:s7+$0xFFFFFFB0]  }
0x285: {  	v11 =	vld [tilespmem:s7+$0xFFFFFFA0];
	_ =	sdelay $0x1  }
0x286: {  	v6 =	vmul.f32 v6, v7;
	v8 =	vmul.f32 v8, v7  }
0x287: {  	v5 =	vmul.f32 v5, v7;
	v9 =	vmul.f32 v7, v9  }
0x288: {  	v4 =	vmul.f32 v4, v7;
	v10 =	vmul.f32 v10, v7;
	[tilespmem:s7+$0xFFFFFFD0] =	vst v6  }
0x289: {  	v3 =	vmul.f32 v3, v7;
	v6 =	vmul.f32 v11, v7;
	[tilespmem:s7+$0xFFFFFFE0] =	vst v5  }
0x28a: {  	[tilespmem:s7+$0xFFFFFF90] =	vst v8  }
0x28b: {  	[tilespmem:s7+$0xFFFFFF80] =	vst v9  }
0x28c: {  	[tilespmem:s7+$0xFFFFFFC0] =	vst v4  }
0x28d: {  	[tilespmem:s7+$0xFFFFFFA0] =	vst v6  }
.Ltmp11:
0x28e: {  	[tilespmem:s7+$0xFFFFFFF0] =	vst v3;
	v4 =	vld [tilespmem:s7+$0x20];
	(pc) =	sbr.rel @p3 .LBB2_17-.Ltmp11, $4  }
0x28f: {  	[tilespmem:s7+$0xFFFFFFB0] =	vst v10;
	v7 =	vld [tilespmem:s7+$0x70]  }
0x290: {  	v3 =	vld.msk [tilespmem:s17+$0x902 ss:$0x0], $0xffff  }
0x291: {  	v6 =	vld [tilespmem:s7+$0x0]  }
0x292: {  	v5 =	vld [tilespmem:s7+$0x10]  }
0x293: {  	_ =	sdelay $0x1  }
0x294: {  	v7 =	vmul.f32 v7, v3  }
0x295: {  	v8 =	vld [tilespmem:s8+$0x30];
	v4 =	vmul.f32 v4, v3  }
0x296: {  	v9 =	vld [tilespmem:s8+$0x50];
	v1 =	vmul.f32 v1, v3;
	[tilespmem:s8+$0x70] =	vst v7  }
0x297: {  	v2 =	vmul.f32 v2, v3;
	[tilespmem:s8+$0x20] =	vst v4  }
0x298: {  	v56 =	vmul.f32 v3, v6;
	[tilespmem:s8+$0x60] =	vst v1  }
0x299: {  	[tilespmem:s8+$0x40] =	vst v2;
	v2 =	vmul.f32 v5, v3  }
0x29a: {  	v55 =	vmul.f32 v8, v3;
	[tilespmem:s8+$0x0] =	vst v56  }
0x29b: {  	v1 =	vmul.f32 v9, v3;
	[tilespmem:s8+$0x10] =	vst v2  }
0x29c: {  	[tilespmem:s8+$0x30] =	vst v55  }
0x29d: {  	v57 =	vld [tilespmem:s8+$0x80];
	[tilespmem:s8+$0x50] =	vst v1  }
0x29e: {  	v1 =	vld.msk [tilespmem:s17+$0x903 ss:$0x0], $0xffff  }
0x29f: {  	v2 =	vld [tilespmem:s8+$0xA0]  }
0x2a0: {  	v3 =	vld [tilespmem:s8+$0xB0]  }
0x2a1: {  	v58 =	vld [tilespmem:s8+$0xC0]  }
0x2a2: {  	v61 =	vld [tilespmem:s8+$0xE0]  }
0x2a3: {  	v59 =	vld [tilespmem:s8+$0xD0];
	v6 =	vmul.f32 v1, v57  }
0x2a4: {  	v60 =	vld [tilespmem:s8+$0x90];
	v2 =	vmul.f32 v2, v1  }
0x2a5: {  	v62 =	vld [tilespmem:s8+$0xF0];
	v3 =	vmul.f32 v3, v1;
	[tilespmem:s8+$0x80] =	vst v6  }
0x2a6: {  	v4 =	vmul.f32 v58, v1;
	[tilespmem:s8+$0xA0] =	vst v2  }
0x2a7: {  	v63 =	vmul.f32 v61, v1;
	[tilespmem:s8+$0xB0] =	vst v3  }
0x2a8: {  	v2 =	vmul.f32 v59, v1;
	[tilespmem:s8+$0xC0] =	vst v4  }
.Ltmp12:
0x2a9: {  	v3 =	vmul.f32 v60, v1;
	[tilespmem:s8+$0xE0] =	vst v63;
	(pc) =	sbr.rel @p1 .LBB2_21-.Ltmp12, $4  }
0x2aa: {  	v1 =	vmul.f32 v62, v1;
	[tilespmem:s8+$0xD0] =	vst v2  }
0x2ab: {  	[tilespmem:s8+$0x90] =	vst v3  }
0x2ac: {  	[tilespmem:s8+$0xF0] =	vst v1  }
0x2ad: {  	[spmem:s3] =	stream.indirect.scatter.add.f32 [tilespmem:s12], [sflag:$0x7], $0x80, s29, s16, $0xb8;
	[tilespmem:$0x1C500] =	vst v63  }
.Ltmp13:
0x2ae: {  	(pc) =	sbr.rel @!p2 .LBB2_20-.Ltmp13, $4  }
.Ltmp14:
0x2af: {  	(pc) =	sbr.rel @p2 .LBB2_22-.Ltmp14, $4  }
0x2b0: {  	_ = 	snop  }
0x2b1: {  	_ = 	snop  }
0x2b2: {  	_ = 	snop  }
0x2b3: {  	_ = 	snop  }
.LBB2_23:
0x2b4: {  	_ =	sfence.sel $0x180000  }
0x2b5: {  	[bflag:$0x0] =	sbarrier.arrive $0xFFFF  }
0x2b6: {  	_ =	strace $0x90000047  }
0x2b7: {  	s0 =	stileid.u32;
	[bflag:$0x2] =	sbarrier.arrive $0xFFFF  }
0x2b8: {  	p0 =	sne.s32 s0, $0x0;
	s0 =	rddreg [dreg:$0x3]  }
0x2b9: {  	s0 =	sadd.s32 @!p0 $0x100000, s0  }
0x2ba: {  	[sflag:s0] =	ssyncadd.tile.s32 @!p0 $0x1;
	_ =	shalt  }
.Lfunc_end2:
_tile_overlayer_lowered:
.L_overlay_start_2:
0x2bb: {  	(tag) =	ssettag $0x2  }
0x2bc: {  	s0 =	rddreg [dreg:$0x0];
	s2 =	stileid.u32  }
0x2bd: {  	s1 =	rddreg [dreg:$0x1];
	p0 =	sne.s32 s2, $0x0  }
0x2be: {  	s3 =	rddreg [dreg:$0x2];
	[bflag:$0x3] =	sbarrier.arrive $0xFFFF;
	s2 =	simm.s32 @!p0 $0x1C0B  }
0x2bf: {  	[timem:s3], [sflag:s2] =	dma.local @!p0 [hbm:s0], s1  }
0x2c0: {  	s0 =	simm.s32 @!p0 $0xB  }
0x2c1: {  	_ =	swait.ge @!p0 [sflag:s0], s1  }
0x2c2: {  	s1 =	ssub.s32 @!p0 $0x0, s1;
	[sflag:s0] =	ssyncset.done @!p0 $0x0  }
0x2c3: {  	[sflag:s0] =	ssyncadd.s32 @!p0 s1  }
0x2c4: {  	[bflag:$0x3] =	sbarrier.arrive $0xFFFF  }
0x2c5: {  	_ =	shalt  }

</sc_bundles>
